<compile_context>
chip_gen: v7x
topology: tpu7x:2x2x1
jax: 0.10.2.dev20260603
libtpu: 0.0.44.dev20260713+nightly
codegen_flags: <defaults>
</compile_context>

<pallas_src>
import functools

import jax
import jax.numpy as jnp
from jax import lax
from jax.experimental import pallas as pl
from jax.experimental.pallas import tpu as pltpu
from jax.experimental.pallas import tpu_sc as plsc

_PRIMES = [2654435761, 2246822519, 3266489917, 2028178513, 1220703125,
           1610612741, 805306457, 402653189, 3674653429, 2860486313,
           1073676287, 2971215073, 1500450271, 3267000013, 2654435789,
           4049292737]
_M = 2000000
_B = 1024
_T = 50
_TP = 56
_N2 = _B * _TP
_NW = 32
_CPW = _N2 // _NW
_NCHUNK = _CPW // 16
_GCH = 128
_NGCH = _CPW // _GCH
_C21 = (1 << 21) % _M
_C32 = ((1 << 11) * _C21) % _M
_VOCAB = 1024
_SD = 32
_HID = 256
_CMASK = [p - (1 << 32) if p >= (1 << 31) else p for p in _PRIMES[:8]]


def _mod_m(x):
    q = (x.astype(jnp.float32) * jnp.float32(1.0 / _M)).astype(jnp.int32)
    r = x - q * _M
    r = jnp.where(r < 0, r + _M, r)
    return jnp.where(r >= _M, r - _M, r)


def _reduce_limbs(hi, lo):
    a = jnp.where(hi >= _M, hi - _M, hi)
    x = (lax.shift_right_logical(a, jnp.int32(11)) * _C32
         + (a & 0x7FF) * _C21 + lo)
    return _mod_m(x)


def _hash_terms(t, k):
    pl_c = _PRIMES[k] & 0x1FFFFF
    ph_c = _PRIMES[k] >> 21
    lt = t * pl_c
    return (t * ph_c + lax.shift_right_logical(lt, jnp.int32(21))), \
        (lt & 0x1FFFFF)


def _rne_bf16(x):
    u = lax.bitcast_convert_type(x, jnp.int32)
    r = ((u + 0x7FFF + (lax.shift_right_logical(u, jnp.int32(16)) & 1))
         & jnp.int32(~0xFFFF))
    return lax.bitcast_convert_type(r, jnp.float32)


def _cond_fold(e00, e01, e10, e11, w_row):
    e00, e01 = _rne_bf16(e00), _rne_bf16(e01)
    e10, e11 = _rne_bf16(e10), _rne_bf16(e11)
    ck = jnp.zeros(e00.shape, jnp.int32)
    for j in range(8):
        logit = (e00 * w_row(j, 0) + e01 * w_row(j, 1)
                 + e10 * w_row(j, 2) + e11 * w_row(j, 3))
        ck = ck ^ jnp.where(logit > 0, jnp.int32(_CMASK[j]), jnp.int32(0))
    return ck


def _long_key(key_s, ck):
    v = key_s ^ ck
    return _mod_m(lax.shift_right_logical(v, jnp.int32(21)) * _C21
                  + (v & 0x1FFFFF))


def _sc_body(S_ref, t00, t01, t10, t11, t20, t21, t30, t31, wb_hbm, out_ref,
             s_v, keys_v, idx_v, e_v, wb_v, sem):
    wid = lax.axis_index("s") * 2 + lax.axis_index("c")
    pltpu.sync_copy(S_ref.at[wid], s_v)
    pltpu.sync_copy(wb_hbm, wb_v)
    tabs = [t00, t01, t10, t11, t20, t21, t30, t31]

    def pass1(i, carry):
        off = i * 16
        lo = jnp.zeros((16,), jnp.int32)
        hi = jnp.zeros((16,), jnp.int32)
        s_idx = 0
        for k in range(8):
            t = s_v[k, pl.ds(off, 16)]
            thi, tlo = _hash_terms(t, k)
            hi = hi ^ thi
            lo = lo ^ tlo
            if k + 1 in (1, 2, 4, 8):
                key = _reduce_limbs(hi, lo)
                keys_v[s_idx, pl.ds(off, 16)] = key
                idx_v[s_idx, pl.ds(off, 16)] = key
                s_idx += 1
        return carry

    lax.fori_loop(jnp.int32(0), jnp.int32(_NCHUNK), pass1, jnp.int32(0))

    def gather(slist):
        def body(j, carry):
            hs = []
            for s in slist:
                for f in (0, 1):
                    hs.append(pltpu.async_copy(
                        tabs[2 * s + f].at[
                            idx_v.at[jnp.int32(s), pl.ds(j * _GCH, _GCH)]],
                        e_v.at[jnp.int32(2 * s + f),
                               pl.ds(j * _GCH, _GCH)], sem))
            for h in hs:
                h.wait()
            return carry
        lax.fori_loop(jnp.int32(0), jnp.int32(_NGCH), body, jnp.int32(0))

    gather((0, 1))

    def pass2(i, carry):
        off = i * 16
        ck = _cond_fold(e_v[0, pl.ds(off, 16)], e_v[1, pl.ds(off, 16)],
                        e_v[2, pl.ds(off, 16)], e_v[3, pl.ds(off, 16)],
                        lambda j, d: wb_v[4 * j + d, :])
        for s in (2, 3):
            k2 = _long_key(keys_v[s, pl.ds(off, 16)], ck)
            idx_v[s, pl.ds(off, 16)] = k2
        return carry

    lax.fori_loop(jnp.int32(0), jnp.int32(_NCHUNK), pass2, jnp.int32(0))

    gather((2, 3))
    pltpu.sync_copy(e_v, out_ref.at[wid])


@functools.cache
def _build_sc():
    return functools.partial(
        pl.kernel,
        mesh=plsc.VectorSubcoreMesh(core_axis_name="c", subcore_axis_name="s"),
        out_type=jax.ShapeDtypeStruct((_NW, 8, _CPW), jnp.float32),
        scratch_types=[
            pltpu.VMEM((8, _CPW), jnp.int32),
            pltpu.VMEM((4, _CPW), jnp.int32),
            pltpu.VMEM((4, _CPW), jnp.int32),
            pltpu.VMEM((8, _CPW), jnp.float32),
            pltpu.VMEM((32, 16), jnp.float32),
            pltpu.SemaphoreType.DMA,
        ],
    )(_sc_body)


def _sigmoid(x):
    return 1.0 / (1.0 + jnp.exp(-x))


def _layer_norm(x, w, b):
    mu = jnp.mean(x, axis=-1, keepdims=True)
    var = jnp.mean((x - mu) ** 2, axis=-1, keepdims=True)
    return (x - mu) * lax.rsqrt(var + 1e-5) * w + b


def _cumsum_t(x):
    k = x.shape[1]
    sh = 1
    while sh < k:
        x = x + jnp.concatenate(
            [jnp.zeros_like(x[:, :sh]), x[:, :-sh]], axis=1)
        sh *= 2
    return x


_ROWS = 1792
_BB = _ROWS // _TP


def _shift_rows(x, d):
    if d == 0:
        return x
    return jnp.concatenate([jnp.zeros_like(x[:d]), x[:-d]], axis=0)


def _tc_body(ch_ref, hf_ref, bt_ref, convw_ref, convb_ref, gw_ref, gb_ref,
             iw_ref, ib_ref, sow_ref, sob_ref, slw_ref, slb_ref, pw_ref,
             pb_ref, w1_ref, w2_ref, sp_ref, rlw_ref, rlb_ref, ow_ref,
             ob_ref, out_ref):
    f32 = jnp.float32
    ch = ch_ref[...]
    tpos = lax.broadcasted_iota(jnp.int32, (_ROWS, 1), 0) % _TP

    oh = (ch == lax.broadcasted_iota(jnp.int32, (_ROWS, _VOCAB), 1))
    byte_emb = jnp.dot(oh.astype(f32), bt_ref[...],
                       preferred_element_type=f32)

    mats = []
    for k in range(1, 9):
        m = (ch == _shift_rows(ch, k)) & (tpos >= k)
        mats.append(m.astype(f32))
    match = jnp.concatenate(mats, axis=1)

    hf = hf_ref[...]
    cw = convw_ref[...]
    acc = jnp.zeros((_ROWS, 8), f32)
    for j in range(8):
        d = 7 - j
        sh = _shift_rows(hf, d) * (tpos >= d).astype(f32)
        acc = acc + sh * cw[j, :][None, :]
    hfc = acc + convb_ref[...]

    x = jnp.concatenate([byte_emb, hfc, match], axis=1)
    gates = _sigmoid(jnp.dot(x, gw_ref[...], preferred_element_type=f32)
                     + gb_ref[...])
    inp = jnp.dot(x, iw_ref[...], preferred_element_type=f32) + ib_ref[...]
    drive = (1.0 - gates) * inp

    a3 = gates.reshape(_BB, _TP, _SD)
    b3 = drive.reshape(_BB, _TP, _SD)
    hstate = jnp.zeros((_BB, _SD), f32)
    outs = []
    for s0, k in ((0, 32), (32, 24)):
        a = a3[:, s0:s0 + k]
        bb = b3[:, s0:s0 + k]
        cum_a = jnp.exp(_cumsum_t(jnp.log(jnp.maximum(a, 1e-6))))
        inv = 1.0 / jnp.maximum(cum_a, 1e-8)
        co = cum_a * (hstate[:, None, :] + _cumsum_t(bb * inv))
        outs.append(co)
        hstate = co[:, k - 1]
    states = jnp.concatenate(outs, axis=1).reshape(_ROWS, _SD)

    x = _layer_norm(
        x + jnp.dot(states, sow_ref[...], preferred_element_type=f32)
        + sob_ref[...], slw_ref[...], slb_ref[...])
    x = jnp.dot(x, pw_ref[...], preferred_element_type=f32) + pb_ref[...]
    h1 = jnp.dot(x, w1_ref[...], preferred_element_type=f32)
    h2 = jnp.dot(x, w2_ref[...], preferred_element_type=f32)
    hmid = jnp.dot(_sigmoid(h1) * h1 * h2, sp_ref[...],
                   preferred_element_type=f32)
    x = _layer_norm(hmid + x, rlw_ref[...], rlb_ref[...])
    out_ref[...] = (jnp.dot(x, ow_ref[...], preferred_element_type=f32)
                    + ob_ref[...])


def _full(shape):
    return pl.BlockSpec(shape, lambda i: tuple(jnp.int32(0) for _ in shape))


def _build_tc(interpret=False):
    grid = (_N2 // _ROWS,)
    in_specs = [
        pl.BlockSpec((_ROWS, 1), lambda i: (i, jnp.int32(0))),
        pl.BlockSpec((_ROWS, 8), lambda i: (i, jnp.int32(0))),
        _full((_VOCAB, 64)),
        _full((8, 8)), _full((1, 8)),
        _full((80, _SD)), _full((1, _SD)),
        _full((80, _SD)), _full((1, _SD)),
        _full((_SD, 80)), _full((1, 80)),
        _full((1, 80)), _full((1, 80)),
        _full((80, _HID)), _full((1, _HID)),
        _full((_HID, _HID)), _full((_HID, _HID)),
        _full((_HID, _HID)),
        _full((1, _HID)), _full((1, _HID)),
        _full((_HID, _VOCAB)), _full((1, _VOCAB)),
    ]
    return pl.pallas_call(
        _tc_body,
        grid=grid,
        in_specs=in_specs,
        out_specs=pl.BlockSpec((_ROWS, _VOCAB), lambda i: (i, jnp.int32(0))),
        out_shape=jax.ShapeDtypeStruct((_N2, _VOCAB), jnp.float32),
        compiler_params=pltpu.CompilerParams(
            dimension_semantics=("parallel",),
        ),
        interpret=interpret,
    )


_tc_call = _build_tc()


def kernel(chars, byte_table, table_0, table_1, table_2, table_3, cond_w,
           conv_w, conv_b, gate_w, gate_b, in_w, in_b, scan_out_w,
           scan_out_b, scan_ln_w, scan_ln_b, proj_w, proj_b, w1, w2, sproj,
           res_ln_w, res_ln_b, out_w, out_b):
    f32 = jnp.float32
    chars_p = jnp.pad(chars.astype(jnp.int32), ((0, 0), (0, _TP - _T)))
    shifted = [jnp.pad(chars_p[:, :-k], ((0, 0), (k, 0)))
               for k in range(1, 9)]
    S = jnp.stack(shifted).reshape(8, _NW, _CPW).transpose(1, 0, 2)
    cwu = jax.lax.bitcast_convert_type(cond_w.astype(f32), jnp.int32)
    cwr = ((cwu + 0x7FFF + (jax.lax.shift_right_logical(cwu, jnp.int32(16)) & 1))
           & jnp.int32(~0xFFFF))
    cw16 = jax.lax.bitcast_convert_type(cwr, f32)
    wb = jnp.tile(cw16.reshape(-1)[:, None], (1, 16))

    cols = []
    for t in (table_0, table_1, table_2, table_3):
        cols.append(t[:, 0])
        cols.append(t[:, 1])
    hf_sc = _build_sc()(S, *cols, wb)
    hf = hf_sc.transpose(1, 0, 2).reshape(8, _N2).T

    out = _tc_call(
        chars_p.reshape(_N2, 1), hf,
        byte_table.astype(f32),
        jnp.transpose(conv_w[:, 0, :]).astype(f32),
        conv_b.reshape(1, -1).astype(f32),
        jnp.transpose(gate_w).astype(f32), gate_b.reshape(1, -1).astype(f32),
        jnp.transpose(in_w).astype(f32), in_b.reshape(1, -1).astype(f32),
        jnp.transpose(scan_out_w).astype(f32),
        scan_out_b.reshape(1, -1).astype(f32),
        scan_ln_w.reshape(1, -1).astype(f32),
        scan_ln_b.reshape(1, -1).astype(f32),
        jnp.transpose(proj_w).astype(f32), proj_b.reshape(1, -1).astype(f32),
        jnp.transpose(w1).astype(f32), jnp.transpose(w2).astype(f32),
        jnp.transpose(sproj).astype(f32),
        res_ln_w.reshape(1, -1).astype(f32),
        res_ln_b.reshape(1, -1).astype(f32),
        jnp.transpose(out_w).astype(f32), out_b.reshape(1, -1).astype(f32),
    )
    return out.reshape(_B, _TP, _VOCAB)[:, :_T, :]

# --- scband reference (transcript-rebuilt; emitter-appended) ---
"""Pipeline reference for scband-poly-hash-v11-87016037416975 (READ-ONLY COPY).

The authoritative reference and input builder live on the scoring server;
editing this copy changes nothing except your own understanding.
"""

import jax, jax.numpy as jnp
import numpy as np

jax.config.update('jax_enable_x64', True)

HASH_PRIMES = [2654435761, 2246822519, 3266489917, 2028178513, 1220703125, 1610612741, 805306457, 402653189, 3674653429, 2860486313, 1073676287, 2971215073, 1500450271, 3267000013, 2654435789, 4049292737]
SCALE_WINDOWS = [1, 2, 4, 8]
BUCKETS = 2000000
NS = 4
E_DIM = 2
BOUNDARY = 2
SIGN_BITS = 8
VOCAB = 1024
BYTE_DIM = 64
CONV_K = 8
MATCH_OFFSETS = (1, 2, 3, 4, 5, 6, 7, 8)
SCAN_DIM = 32
CHUNK = 32
HIDDEN = 256
FEAT = BYTE_DIM + NS * E_DIM + len(MATCH_OFFSETS)
B_SZ = 1024
T_LEN = 50


def _layer_norm(x, w, b, eps=1e-5):
    mu = jnp.mean(x, axis=-1, keepdims=True)
    var = jnp.mean((x - mu) ** 2, axis=-1, keepdims=True)
    return (x - mu) / jnp.sqrt(var + eps) * w + b


def _shift_right(t, off):
    return jnp.pad(t[:, :-off], ((0, 0), (off, 0)))


def _hash_scale(tokens, s):
    w = SCALE_WINDOWS[s]
    T = tokens.shape[1]
    h = jnp.zeros(tokens.shape, dtype=jnp.int64)
    for i in range(w):
        off = i + 1
        if off >= T:
            continue
        h = jnp.bitwise_xor(h, _shift_right(tokens, off) * jnp.int64(HASH_PRIMES[i]))
    return h % BUCKETS


def setup_inputs():
    ks = jax.random.split(jax.random.key(0), 20)
    inp = {}
    inp['chars'] = jax.random.randint(ks[0], (B_SZ, T_LEN), 0, VOCAB, dtype=jnp.int64)
    inp['byte_table'] = 0.02 * jax.random.normal(ks[1], (VOCAB, BYTE_DIM), dtype=jnp.float32)
    inp['table_0'] = 0.02 * jax.random.normal(ks[2], (BUCKETS, E_DIM), dtype=jnp.float32)
    inp['table_1'] = 0.02 * jax.random.normal(ks[3], (BUCKETS, E_DIM), dtype=jnp.float32)
    inp['table_2'] = 0.02 * jax.random.normal(ks[4], (BUCKETS, E_DIM), dtype=jnp.float32)
    inp['table_3'] = 0.02 * jax.random.normal(ks[5], (BUCKETS, E_DIM), dtype=jnp.float32)
    inp['cond_w'] = 0.3 * jax.random.normal(ks[6], (SIGN_BITS, BOUNDARY * E_DIM), dtype=jnp.float32)
    inp['conv_w'] = 0.2 * jax.random.normal(ks[7], (NS * E_DIM, 1, CONV_K), dtype=jnp.float32)
    inp['conv_b'] = 0.02 * jax.random.normal(ks[8], (NS * E_DIM,), dtype=jnp.float32)
    inp['gate_w'] = 0.1 * jax.random.normal(ks[9], (SCAN_DIM, FEAT), dtype=jnp.float32)
    inp['gate_b'] = jnp.zeros((SCAN_DIM,), dtype=jnp.float32)
    inp['in_w'] = 0.1 * jax.random.normal(ks[10], (SCAN_DIM, FEAT), dtype=jnp.float32)
    inp['in_b'] = jnp.zeros((SCAN_DIM,), dtype=jnp.float32)
    inp['scan_out_w'] = 0.1 * jax.random.normal(ks[11], (FEAT, SCAN_DIM), dtype=jnp.float32)
    inp['scan_out_b'] = jnp.zeros((FEAT,), dtype=jnp.float32)
    inp['scan_ln_w'] = jnp.ones((FEAT,), dtype=jnp.float32)
    inp['scan_ln_b'] = jnp.zeros((FEAT,), dtype=jnp.float32)
    inp['proj_w'] = 0.1 * jax.random.normal(ks[12], (HIDDEN, FEAT), dtype=jnp.float32)
    inp['proj_b'] = jnp.zeros((HIDDEN,), dtype=jnp.float32)
    inp['w1'] = 0.06 * jax.random.normal(ks[13], (HIDDEN, HIDDEN), dtype=jnp.float32)
    inp['w2'] = 0.06 * jax.random.normal(ks[14], (HIDDEN, HIDDEN), dtype=jnp.float32)
    inp['sproj'] = 0.06 * jax.random.normal(ks[15], (HIDDEN, HIDDEN), dtype=jnp.float32)
    inp['res_ln_w'] = jnp.ones((HIDDEN,), dtype=jnp.float32)
    inp['res_ln_b'] = jnp.zeros((HIDDEN,), dtype=jnp.float32)
    inp['out_w'] = 0.05 * jax.random.normal(ks[16], (VOCAB, HIDDEN), dtype=jnp.float32)
    inp['out_b'] = jnp.zeros((VOCAB,), dtype=jnp.float32)
    return inp


def _forward(chars, byte_table, table_0, table_1, table_2, table_3, cond_w, conv_w, conv_b, gate_w, gate_b, in_w, in_b, scan_out_w, scan_out_b, scan_ln_w, scan_ln_b, proj_w, proj_b, w1, w2, sproj, res_ln_w, res_ln_b, out_w, out_b):
    tables = [table_0, table_1, table_2, table_3]
    B, T = chars.shape
    byte_emb = jnp.take(byte_table, chars, axis=0)
    keys = [_hash_scale(chars, s) for s in range(NS)]
    short_embeds = [jnp.take(tables[s], keys[s], axis=0) for s in range(BOUNDARY)]
    short_cat = jnp.concatenate(short_embeds, axis=-1)
    cond_logits = short_cat @ cond_w.T
    sign_bits = (cond_logits > 0).astype(jnp.int64)
    cond_key = jnp.zeros((B, T), dtype=jnp.int64)
    for i in range(SIGN_BITS):
        cond_key = jnp.bitwise_xor(cond_key, sign_bits[:, :, i] * jnp.int64(HASH_PRIMES[i]))
    long_embeds = []
    for s in range(BOUNDARY, NS):
        k2 = jnp.bitwise_xor(keys[s], cond_key) % BUCKETS
        long_embeds.append(jnp.take(tables[s], k2, axis=0))
    hash_feat = jnp.concatenate(short_embeds + long_embeds, axis=-1)
    h = jnp.transpose(hash_feat, (0, 2, 1))
    h = jnp.pad(h, ((0, 0), (0, 0), (CONV_K - 1, 0)))
    h = jax.lax.conv_general_dilated(h, conv_w, window_strides=(1,), padding='VALID', feature_group_count=NS * E_DIM, dimension_numbers=('NCH', 'OIH', 'NCH'))
    hash_feat = jnp.transpose(h + conv_b[None, :, None], (0, 2, 1))
    mfeats = []
    for k in MATCH_OFFSETS:
        if k >= T:
            mfeats.append(jnp.zeros((B, T), dtype=jnp.float32))
        else:
            m = (chars == _shift_right(chars, k)).astype(jnp.float32)
            m = m.at[:, :k].set(0.0)
            mfeats.append(m)
    match = jnp.stack(mfeats, axis=-1)
    x = jnp.concatenate([byte_emb, hash_feat, match], axis=-1)
    gates = jax.nn.sigmoid(x @ gate_w.T + gate_b)
    inp_ = x @ in_w.T + in_b
    drive = (1.0 - gates) * inp_
    K = min(CHUNK, T)
    n_chunks = (T + K - 1) // K
    hstate = jnp.zeros((B, SCAN_DIM), dtype=x.dtype)
    outs = []
    for c in range(n_chunks):
        s0, e0 = c * K, min((c + 1) * K, T)
        a = gates[:, s0:e0]
        bb = drive[:, s0:e0]
        log_a = jnp.log(jnp.clip(a, 1e-6, None))
        cum_a = jnp.exp(jnp.cumsum(log_a, axis=1))
        inv_cum_a = 1.0 / jnp.clip(cum_a, 1e-8, None)
        cum_wb = jnp.cumsum(bb * inv_cum_a, axis=1)
        chunk_out = cum_a * (hstate[:, None, :] + cum_wb)
        outs.append(chunk_out)
        hstate = chunk_out[:, -1]
    states = jnp.concatenate(outs, axis=1)
    x = _layer_norm(x + states @ scan_out_w.T + scan_out_b, scan_ln_w, scan_ln_b)
    x = x @ proj_w.T + proj_b
    hmid = (jax.nn.silu(x @ w1.T) * (x @ w2.T)) @ sproj.T
    x = _layer_norm(hmid + x, res_ln_w, res_ln_b)
    return x @ out_w.T + out_b


def reference(chars, byte_table, table_0, table_1, table_2, table_3, cond_w, conv_w, conv_b, gate_w, gate_b, in_w, in_b, scan_out_w, scan_out_b, scan_ln_w, scan_ln_b, proj_w, proj_b, w1, w2, sproj, res_ln_w, res_ln_b, out_w, out_b):
    return _forward(chars, byte_table, table_0, table_1, table_2, table_3, cond_w, conv_w, conv_b, gate_w, gate_b, in_w, in_b, scan_out_w, scan_out_b, scan_ln_w, scan_ln_b, proj_w, proj_b, w1, w2, sproj, res_ln_w, res_ln_b, out_w, out_b)

if __name__ == "__main__":
    import jax
    _d = setup_inputs()
    print(jax.jit(kernel)(*tuple(_d.values())))

</pallas_src>

<mosaic_0001>
#map = affine_map<(d0, d1) -> (0, 0, 0)>
#map1 = affine_map<(d0, d1) -> (0)>
#map2 = affine_map<(d0, d1) -> (0, 0)>
module attributes {stable_mosaic.version = 14 : i64} {
  func.func @_sc_body(%arg0: i32, %arg1: i32, %arg2: memref<32x8x1792xi32, #tpu.memory_space<hbm>>, %arg3: memref<2000000xf32, #tpu.memory_space<hbm>>, %arg4: memref<2000000xf32, #tpu.memory_space<hbm>>, %arg5: memref<2000000xf32, #tpu.memory_space<hbm>>, %arg6: memref<2000000xf32, #tpu.memory_space<hbm>>, %arg7: memref<2000000xf32, #tpu.memory_space<hbm>>, %arg8: memref<2000000xf32, #tpu.memory_space<hbm>>, %arg9: memref<2000000xf32, #tpu.memory_space<hbm>>, %arg10: memref<2000000xf32, #tpu.memory_space<hbm>>, %arg11: memref<32x16xf32, #tpu.memory_space<hbm>>, %arg12: memref<32x8x1792xf32, #tpu.memory_space<hbm>>, %arg13: memref<8x1792xi32, #tpu.memory_space<vmem>>, %arg14: memref<4x1792xi32, #tpu.memory_space<vmem>>, %arg15: memref<4x1792xi32, #tpu.memory_space<vmem>>, %arg16: memref<8x1792xf32, #tpu.memory_space<vmem>>, %arg17: memref<32x16xf32, #tpu.memory_space<vmem>>, %arg18: memref<!tpu.dma_semaphore, #tpu.memory_space<semaphore_mem>>) attributes {dimension_semantics = [#tpu.dimension_semantics<core_parallel>, #tpu.dimension_semantics<subcore_parallel>], iteration_bounds = array<i64: 2, 16>, scalar_prefetch = 0 : i64, scratch_operands = 6 : i64, tpu.core_type = #tpu.core_type<sc_vector_subcore>, window_params = [{transform_indices = #map}, {transform_indices = #map1}, {transform_indices = #map1}, {transform_indices = #map1}, {transform_indices = #map1}, {transform_indices = #map1}, {transform_indices = #map1}, {transform_indices = #map1}, {transform_indices = #map1}, {transform_indices = #map2}, {transform_indices = #map}]} {
    %mul3A = arith.constant 2 : i32
    %mul3A_0 = arith.muli %arg1, %mul3A : i32
    %add3A = arith.addi %mul3A_0, %arg0 : i32
    "tpu.region"() ({
      %run_scoped3A = tpu.sem_alloc : memref<!tpu.dma_semaphore, #tpu.memory_space<semaphore_mem>>
      %dma_start3A = arith.constant 0 : i32
      %dma_start3A_44 = arith.constant 0 : i32
      %dma_start3A_45 = tpu.memref_slice %arg2[%add3A, %dma_start3A, %dma_start3A_44] : memref<32x8x1792xi32, #tpu.memory_space<hbm>> -> memref<1x8x1792xi32, #tpu.memory_space<hbm>>
      %dma_start3A_46 = tpu.memref_squeeze %dma_start3A_45 : memref<1x8x1792xi32, #tpu.memory_space<hbm>> -> memref<8x1792xi32, #tpu.memory_space<hbm>>
      %dma_start3A_47 = arith.constant 0 : i32
      %dma_start3A_48 = arith.constant 0 : i32
      %dma_start3A_49 = tpu.memref_slice %arg2[%add3A, %dma_start3A_47, %dma_start3A_48] : memref<32x8x1792xi32, #tpu.memory_space<hbm>> -> memref<1x8x1792xi32, #tpu.memory_space<hbm>>
      %dma_start3A_50 = tpu.memref_squeeze %dma_start3A_49 : memref<1x8x1792xi32, #tpu.memory_space<hbm>> -> memref<8x1792xi32, #tpu.memory_space<hbm>>
      tpu.enqueue_dma source(%dma_start3A_50 : memref<8x1792xi32, #tpu.memory_space<hbm>>) target(%arg13 : memref<8x1792xi32, #tpu.memory_space<vmem>>) target_semaphore(%run_scoped3A : memref<!tpu.dma_semaphore, #tpu.memory_space<semaphore_mem>>)
      %dma_wait3A = arith.constant 0 : i32
      %dma_wait3A_51 = arith.constant 0 : i32
      %dma_wait3A_52 = tpu.memref_slice %arg2[%add3A, %dma_wait3A, %dma_wait3A_51] : memref<32x8x1792xi32, #tpu.memory_space<hbm>> -> memref<1x8x1792xi32, #tpu.memory_space<hbm>>
      %dma_wait3A_53 = tpu.memref_squeeze %dma_wait3A_52 : memref<1x8x1792xi32, #tpu.memory_space<hbm>> -> memref<8x1792xi32, #tpu.memory_space<hbm>>
      %dma_wait3A_54 = arith.constant 0 : i32
      %dma_wait3A_55 = arith.constant 0 : i32
      %dma_wait3A_56 = tpu.memref_slice %arg2[%add3A, %dma_wait3A_54, %dma_wait3A_55] : memref<32x8x1792xi32, #tpu.memory_space<hbm>> -> memref<1x8x1792xi32, #tpu.memory_space<hbm>>
      %dma_wait3A_57 = tpu.memref_squeeze %dma_wait3A_56 : memref<1x8x1792xi32, #tpu.memory_space<hbm>> -> memref<8x1792xi32, #tpu.memory_space<hbm>>
      tpu.wait_dma2 semaphore(%run_scoped3A : memref<!tpu.dma_semaphore, #tpu.memory_space<semaphore_mem>>) src(%dma_wait3A_57 : memref<8x1792xi32, #tpu.memory_space<hbm>>) dst(%arg13 : memref<8x1792xi32, #tpu.memory_space<vmem>>)
      tpu.yield
    }) : () -> ()
    "tpu.region"() ({
      %run_scoped3A = tpu.sem_alloc : memref<!tpu.dma_semaphore, #tpu.memory_space<semaphore_mem>>
      tpu.enqueue_dma source(%arg11 : memref<32x16xf32, #tpu.memory_space<hbm>>) target(%arg17 : memref<32x16xf32, #tpu.memory_space<vmem>>) target_semaphore(%run_scoped3A : memref<!tpu.dma_semaphore, #tpu.memory_space<semaphore_mem>>)
      tpu.wait_dma2 semaphore(%run_scoped3A : memref<!tpu.dma_semaphore, #tpu.memory_space<semaphore_mem>>) src(%arg11 : memref<32x16xf32, #tpu.memory_space<hbm>>) dst(%arg17 : memref<32x16xf32, #tpu.memory_space<vmem>>)
      tpu.yield
    }) : () -> ()
    %while3A = arith.constant 0 : i32
    %while3A_1 = arith.constant 0 : i32
    %while3A_2 = arith.constant 112 : i32
    %while3A_3 = arith.subi %while3A_2, %while3A_1 : i32
    %while3A_4 = arith.addi %while3A_1, %while3A_3 : i32
    %while3A_5 = arith.constant 1 : i32
    %while3A_6 = arith.divsi %while3A_3, %while3A_5 : i32
    %while3A_7 = arith.muli %while3A_6, %while3A_5 : i32
    %while3A_8 = arith.addi %while3A_1, %while3A_7 : i32
    %while3A_9 = arith.constant 1 : i32
    scf.for %while3A_44 = %while3A_1 to %while3A_8 step %while3A_9  : i32 {
      %mul3A_45 = arith.constant 16 : i32
      %mul3A_46 = arith.muli %while3A_44, %mul3A_45 : i32
      %broadcast_in_dim3A = arith.constant 0 : i32
      %broadcast_in_dim3A_47 = vector.broadcast %broadcast_in_dim3A : i32 to vector<16xi32>
      %broadcast_in_dim3A_48 = arith.constant 0 : i32
      %broadcast_in_dim3A_49 = vector.broadcast %broadcast_in_dim3A_48 : i32 to vector<16xi32>
      %get3A = arith.constant 0 : i64
      %get3A_50 = arith.index_cast %get3A : i64 to index
      %get3A_51 = arith.index_cast %mul3A_46 : i32 to index
      %get3A_52 = tpu.vector_load %arg13[%get3A_50, %get3A_51] {strides = array<i32>} : memref<8x1792xi32, #tpu.memory_space<vmem>>, vector<1x16xi32>,
      %get3A_53 = vector.shape_cast %get3A_52 : vector<1x16xi32> to vector<16xi32>
      %mul3A_54 = arith.constant 1538481 : i32
      %mul3A_55 = vector.broadcast %mul3A_54 : i32 to vector<16xi32>
      %mul3A_56 = arith.muli %get3A_53, %mul3A_55 : vector<16xi32>
      %mul3A_57 = arith.constant 1265 : i32
      %mul3A_58 = vector.broadcast %mul3A_57 : i32 to vector<16xi32>
      %mul3A_59 = arith.muli %get3A_53, %mul3A_58 : vector<16xi32>
      %shift_right_logical3A = arith.constant 21 : i32
      %shift_right_logical3A_60 = vector.broadcast %shift_right_logical3A : i32 to vector<16xi32>
      %shift_right_logical3A_61 = arith.shrui %mul3A_56, %shift_right_logical3A_60 : vector<16xi32>
      %add3A_62 = arith.addi %mul3A_59, %shift_right_logical3A_61 : vector<16xi32>
      %and3A = arith.constant 2097151 : i32
      %and3A_63 = vector.broadcast %and3A : i32 to vector<16xi32>
      %and3A_64 = arith.andi %mul3A_56, %and3A_63 : vector<16xi32>
      %xor3A = arith.xori %broadcast_in_dim3A_49, %add3A_62 : vector<16xi32>
      %xor3A_65 = arith.xori %broadcast_in_dim3A_47, %and3A_64 : vector<16xi32>
      %ge3A = arith.constant 2000000 : i32
      %ge3A_66 = vector.broadcast %ge3A : i32 to vector<16xi32>
      %ge3A_67 = arith.cmpi sge, %xor3A, %ge3A_66 : vector<16xi32>
      %sub3A = arith.constant 2000000 : i32
      %sub3A_68 = vector.broadcast %sub3A : i32 to vector<16xi32>
      %sub3A_69 = arith.subi %xor3A, %sub3A_68 : vector<16xi32>
      %select_n3A = arith.select %ge3A_67, %sub3A_69, %xor3A : vector<16xi1>, vector<16xi32>
      %shift_right_logical3A_70 = arith.constant 11 : i32
      %shift_right_logical3A_71 = vector.broadcast %shift_right_logical3A_70 : i32 to vector<16xi32>
      %shift_right_logical3A_72 = arith.shrui %select_n3A, %shift_right_logical3A_71 : vector<16xi32>
      %mul3A_73 = arith.constant 967296 : i32
      %mul3A_74 = vector.broadcast %mul3A_73 : i32 to vector<16xi32>
      %mul3A_75 = arith.muli %shift_right_logical3A_72, %mul3A_74 : vector<16xi32>
      %and3A_76 = arith.constant 2047 : i32
      %and3A_77 = vector.broadcast %and3A_76 : i32 to vector<16xi32>
      %and3A_78 = arith.andi %select_n3A, %and3A_77 : vector<16xi32>
      %mul3A_79 = arith.constant 97152 : i32
      %mul3A_80 = vector.broadcast %mul3A_79 : i32 to vector<16xi32>
      %mul3A_81 = arith.muli %and3A_78, %mul3A_80 : vector<16xi32>
      %add3A_82 = arith.addi %mul3A_75, %mul3A_81 : vector<16xi32>
      %add3A_83 = arith.addi %add3A_82, %xor3A_65 : vector<16xi32>
      %convert_element_type3A = arith.sitofp %add3A_83 : vector<16xi32> to vector<16xf32>
      %mul3A_84 = arith.constant 5.000000e-07 : f32
      %mul3A_85 = vector.broadcast %mul3A_84 : f32 to vector<16xf32>
      %mul3A_86 = arith.mulf %convert_element_type3A, %mul3A_85 : vector<16xf32>
      %convert_element_type3A_87 = arith.fptosi %mul3A_86 : vector<16xf32> to vector<16xi32>
      %mul3A_88 = arith.constant 2000000 : i32
      %mul3A_89 = vector.broadcast %mul3A_88 : i32 to vector<16xi32>
      %mul3A_90 = arith.muli %convert_element_type3A_87, %mul3A_89 : vector<16xi32>
      %sub3A_91 = arith.subi %add3A_83, %mul3A_90 : vector<16xi32>
      %lt3A = arith.constant 0 : i32
      %lt3A_92 = vector.broadcast %lt3A : i32 to vector<16xi32>
      %lt3A_93 = arith.cmpi slt, %sub3A_91, %lt3A_92 : vector<16xi32>
      %add3A_94 = arith.constant 2000000 : i32
      %add3A_95 = vector.broadcast %add3A_94 : i32 to vector<16xi32>
      %add3A_96 = arith.addi %sub3A_91, %add3A_95 : vector<16xi32>
      %select_n3A_97 = arith.select %lt3A_93, %add3A_96, %sub3A_91 : vector<16xi1>, vector<16xi32>
      %ge3A_98 = arith.constant 2000000 : i32
      %ge3A_99 = vector.broadcast %ge3A_98 : i32 to vector<16xi32>
      %ge3A_100 = arith.cmpi sge, %select_n3A_97, %ge3A_99 : vector<16xi32>
      %sub3A_101 = arith.constant 2000000 : i32
      %sub3A_102 = vector.broadcast %sub3A_101 : i32 to vector<16xi32>
      %sub3A_103 = arith.subi %select_n3A_97, %sub3A_102 : vector<16xi32>
      %select_n3A_104 = arith.select %ge3A_100, %sub3A_103, %select_n3A_97 : vector<16xi1>, vector<16xi32>
      %swap3A = arith.constant 0 : i64
      %swap3A_105 = arith.index_cast %swap3A : i64 to index
      %swap3A_106 = arith.index_cast %mul3A_46 : i32 to index
      %swap3A_107 = tpu.vector_load %arg14[%swap3A_105, %swap3A_106] {strides = array<i32>} : memref<4x1792xi32, #tpu.memory_space<vmem>>, vector<1x16xi32>,
      %swap3A_108 = vector.shape_cast %swap3A_107 : vector<1x16xi32> to vector<16xi32>
      %swap3A_109 = vector.shape_cast %select_n3A_104 : vector<16xi32> to vector<1x16xi32>
      tpu.vector_store %arg14[%swap3A_105, %swap3A_106], %swap3A_109 {strides = array<i32>} : memref<4x1792xi32, #tpu.memory_space<vmem>>, vector<1x16xi32>,
      %swap3A_110 = arith.constant 0 : i64
      %swap3A_111 = arith.index_cast %swap3A_110 : i64 to index
      %swap3A_112 = arith.index_cast %mul3A_46 : i32 to index
      %swap3A_113 = tpu.vector_load %arg15[%swap3A_111, %swap3A_112] {strides = array<i32>} : memref<4x1792xi32, #tpu.memory_space<vmem>>, vector<1x16xi32>,
      %swap3A_114 = vector.shape_cast %swap3A_113 : vector<1x16xi32> to vector<16xi32>
      %swap3A_115 = vector.shape_cast %select_n3A_104 : vector<16xi32> to vector<1x16xi32>
      tpu.vector_store %arg15[%swap3A_111, %swap3A_112], %swap3A_115 {strides = array<i32>} : memref<4x1792xi32, #tpu.memory_space<vmem>>, vector<1x16xi32>,
      %get3A_116 = arith.constant 1 : i64
      %get3A_117 = arith.index_cast %get3A_116 : i64 to index
      %get3A_118 = arith.index_cast %mul3A_46 : i32 to index
      %get3A_119 = tpu.vector_load %arg13[%get3A_117, %get3A_118] {strides = array<i32>} : memref<8x1792xi32, #tpu.memory_space<vmem>>, vector<1x16xi32>,
      %get3A_120 = vector.shape_cast %get3A_119 : vector<1x16xi32> to vector<16xi32>
      %mul3A_121 = arith.constant 772727 : i32
      %mul3A_122 = vector.broadcast %mul3A_121 : i32 to vector<16xi32>
      %mul3A_123 = arith.muli %get3A_120, %mul3A_122 : vector<16xi32>
      %mul3A_124 = arith.constant 1071 : i32
      %mul3A_125 = vector.broadcast %mul3A_124 : i32 to vector<16xi32>
      %mul3A_126 = arith.muli %get3A_120, %mul3A_125 : vector<16xi32>
      %shift_right_logical3A_127 = arith.constant 21 : i32
      %shift_right_logical3A_128 = vector.broadcast %shift_right_logical3A_127 : i32 to vector<16xi32>
      %shift_right_logical3A_129 = arith.shrui %mul3A_123, %shift_right_logical3A_128 : vector<16xi32>
      %add3A_130 = arith.addi %mul3A_126, %shift_right_logical3A_129 : vector<16xi32>
      %and3A_131 = arith.constant 2097151 : i32
      %and3A_132 = vector.broadcast %and3A_131 : i32 to vector<16xi32>
      %and3A_133 = arith.andi %mul3A_123, %and3A_132 : vector<16xi32>
      %xor3A_134 = arith.xori %xor3A, %add3A_130 : vector<16xi32>
      %xor3A_135 = arith.xori %xor3A_65, %and3A_133 : vector<16xi32>
      %ge3A_136 = arith.constant 2000000 : i32
      %ge3A_137 = vector.broadcast %ge3A_136 : i32 to vector<16xi32>
      %ge3A_138 = arith.cmpi sge, %xor3A_134, %ge3A_137 : vector<16xi32>
      %sub3A_139 = arith.constant 2000000 : i32
      %sub3A_140 = vector.broadcast %sub3A_139 : i32 to vector<16xi32>
      %sub3A_141 = arith.subi %xor3A_134, %sub3A_140 : vector<16xi32>
      %select_n3A_142 = arith.select %ge3A_138, %sub3A_141, %xor3A_134 : vector<16xi1>, vector<16xi32>
      %shift_right_logical3A_143 = arith.constant 11 : i32
      %shift_right_logical3A_144 = vector.broadcast %shift_right_logical3A_143 : i32 to vector<16xi32>
      %shift_right_logical3A_145 = arith.shrui %select_n3A_142, %shift_right_logical3A_144 : vector<16xi32>
      %mul3A_146 = arith.constant 967296 : i32
      %mul3A_147 = vector.broadcast %mul3A_146 : i32 to vector<16xi32>
      %mul3A_148 = arith.muli %shift_right_logical3A_145, %mul3A_147 : vector<16xi32>
      %and3A_149 = arith.constant 2047 : i32
      %and3A_150 = vector.broadcast %and3A_149 : i32 to vector<16xi32>
      %and3A_151 = arith.andi %select_n3A_142, %and3A_150 : vector<16xi32>
      %mul3A_152 = arith.constant 97152 : i32
      %mul3A_153 = vector.broadcast %mul3A_152 : i32 to vector<16xi32>
      %mul3A_154 = arith.muli %and3A_151, %mul3A_153 : vector<16xi32>
      %add3A_155 = arith.addi %mul3A_148, %mul3A_154 : vector<16xi32>
      %add3A_156 = arith.addi %add3A_155, %xor3A_135 : vector<16xi32>
      %convert_element_type3A_157 = arith.sitofp %add3A_156 : vector<16xi32> to vector<16xf32>
      %mul3A_158 = arith.constant 5.000000e-07 : f32
      %mul3A_159 = vector.broadcast %mul3A_158 : f32 to vector<16xf32>
      %mul3A_160 = arith.mulf %convert_element_type3A_157, %mul3A_159 : vector<16xf32>
      %convert_element_type3A_161 = arith.fptosi %mul3A_160 : vector<16xf32> to vector<16xi32>
      %mul3A_162 = arith.constant 2000000 : i32
      %mul3A_163 = vector.broadcast %mul3A_162 : i32 to vector<16xi32>
      %mul3A_164 = arith.muli %convert_element_type3A_161, %mul3A_163 : vector<16xi32>
      %sub3A_165 = arith.subi %add3A_156, %mul3A_164 : vector<16xi32>
      %lt3A_166 = arith.constant 0 : i32
      %lt3A_167 = vector.broadcast %lt3A_166 : i32 to vector<16xi32>
      %lt3A_168 = arith.cmpi slt, %sub3A_165, %lt3A_167 : vector<16xi32>
      %add3A_169 = arith.constant 2000000 : i32
      %add3A_170 = vector.broadcast %add3A_169 : i32 to vector<16xi32>
      %add3A_171 = arith.addi %sub3A_165, %add3A_170 : vector<16xi32>
      %select_n3A_172 = arith.select %lt3A_168, %add3A_171, %sub3A_165 : vector<16xi1>, vector<16xi32>
      %ge3A_173 = arith.constant 2000000 : i32
      %ge3A_174 = vector.broadcast %ge3A_173 : i32 to vector<16xi32>
      %ge3A_175 = arith.cmpi sge, %select_n3A_172, %ge3A_174 : vector<16xi32>
      %sub3A_176 = arith.constant 2000000 : i32
      %sub3A_177 = vector.broadcast %sub3A_176 : i32 to vector<16xi32>
      %sub3A_178 = arith.subi %select_n3A_172, %sub3A_177 : vector<16xi32>
      %select_n3A_179 = arith.select %ge3A_175, %sub3A_178, %select_n3A_172 : vector<16xi1>, vector<16xi32>
      %swap3A_180 = arith.constant 1 : i64
      %swap3A_181 = arith.index_cast %swap3A_180 : i64 to index
      %swap3A_182 = arith.index_cast %mul3A_46 : i32 to index
      %swap3A_183 = tpu.vector_load %arg14[%swap3A_181, %swap3A_182] {strides = array<i32>} : memref<4x1792xi32, #tpu.memory_space<vmem>>, vector<1x16xi32>,
      %swap3A_184 = vector.shape_cast %swap3A_183 : vector<1x16xi32> to vector<16xi32>
      %swap3A_185 = vector.shape_cast %select_n3A_179 : vector<16xi32> to vector<1x16xi32>
      tpu.vector_store %arg14[%swap3A_181, %swap3A_182], %swap3A_185 {strides = array<i32>} : memref<4x1792xi32, #tpu.memory_space<vmem>>, vector<1x16xi32>,
      %swap3A_186 = arith.constant 1 : i64
      %swap3A_187 = arith.index_cast %swap3A_186 : i64 to index
      %swap3A_188 = arith.index_cast %mul3A_46 : i32 to index
      %swap3A_189 = tpu.vector_load %arg15[%swap3A_187, %swap3A_188] {strides = array<i32>} : memref<4x1792xi32, #tpu.memory_space<vmem>>, vector<1x16xi32>,
      %swap3A_190 = vector.shape_cast %swap3A_189 : vector<1x16xi32> to vector<16xi32>
      %swap3A_191 = vector.shape_cast %select_n3A_179 : vector<16xi32> to vector<1x16xi32>
      tpu.vector_store %arg15[%swap3A_187, %swap3A_188], %swap3A_191 {strides = array<i32>} : memref<4x1792xi32, #tpu.memory_space<vmem>>, vector<1x16xi32>,
      %get3A_192 = arith.constant 2 : i64
      %get3A_193 = arith.index_cast %get3A_192 : i64 to index
      %get3A_194 = arith.index_cast %mul3A_46 : i32 to index
      %get3A_195 = tpu.vector_load %arg13[%get3A_193, %get3A_194] {strides = array<i32>} : memref<8x1792xi32, #tpu.memory_space<vmem>>, vector<1x16xi32>,
      %get3A_196 = vector.shape_cast %get3A_195 : vector<1x16xi32> to vector<16xi32>
      %mul3A_197 = arith.constant 1224253 : i32
      %mul3A_198 = vector.broadcast %mul3A_197 : i32 to vector<16xi32>
      %mul3A_199 = arith.muli %get3A_196, %mul3A_198 : vector<16xi32>
      %mul3A_200 = arith.constant 1557 : i32
      %mul3A_201 = vector.broadcast %mul3A_200 : i32 to vector<16xi32>
      %mul3A_202 = arith.muli %get3A_196, %mul3A_201 : vector<16xi32>
      %shift_right_logical3A_203 = arith.constant 21 : i32
      %shift_right_logical3A_204 = vector.broadcast %shift_right_logical3A_203 : i32 to vector<16xi32>
      %shift_right_logical3A_205 = arith.shrui %mul3A_199, %shift_right_logical3A_204 : vector<16xi32>
      %add3A_206 = arith.addi %mul3A_202, %shift_right_logical3A_205 : vector<16xi32>
      %and3A_207 = arith.constant 2097151 : i32
      %and3A_208 = vector.broadcast %and3A_207 : i32 to vector<16xi32>
      %and3A_209 = arith.andi %mul3A_199, %and3A_208 : vector<16xi32>
      %xor3A_210 = arith.xori %xor3A_134, %add3A_206 : vector<16xi32>
      %xor3A_211 = arith.xori %xor3A_135, %and3A_209 : vector<16xi32>
      %get3A_212 = arith.constant 3 : i64
      %get3A_213 = arith.index_cast %get3A_212 : i64 to index
      %get3A_214 = arith.index_cast %mul3A_46 : i32 to index
      %get3A_215 = tpu.vector_load %arg13[%get3A_213, %get3A_214] {strides = array<i32>} : memref<8x1792xi32, #tpu.memory_space<vmem>>, vector<1x16xi32>,
      %get3A_216 = vector.shape_cast %get3A_215 : vector<1x16xi32> to vector<16xi32>
      %mul3A_217 = arith.constant 232529 : i32
      %mul3A_218 = vector.broadcast %mul3A_217 : i32 to vector<16xi32>
      %mul3A_219 = arith.muli %get3A_216, %mul3A_218 : vector<16xi32>
      %mul3A_220 = arith.constant 967 : i32
      %mul3A_221 = vector.broadcast %mul3A_220 : i32 to vector<16xi32>
      %mul3A_222 = arith.muli %get3A_216, %mul3A_221 : vector<16xi32>
      %shift_right_logical3A_223 = arith.constant 21 : i32
      %shift_right_logical3A_224 = vector.broadcast %shift_right_logical3A_223 : i32 to vector<16xi32>
      %shift_right_logical3A_225 = arith.shrui %mul3A_219, %shift_right_logical3A_224 : vector<16xi32>
      %add3A_226 = arith.addi %mul3A_222, %shift_right_logical3A_225 : vector<16xi32>
      %and3A_227 = arith.constant 2097151 : i32
      %and3A_228 = vector.broadcast %and3A_227 : i32 to vector<16xi32>
      %and3A_229 = arith.andi %mul3A_219, %and3A_228 : vector<16xi32>
      %xor3A_230 = arith.xori %xor3A_210, %add3A_226 : vector<16xi32>
      %xor3A_231 = arith.xori %xor3A_211, %and3A_229 : vector<16xi32>
      %ge3A_232 = arith.constant 2000000 : i32
      %ge3A_233 = vector.broadcast %ge3A_232 : i32 to vector<16xi32>
      %ge3A_234 = arith.cmpi sge, %xor3A_230, %ge3A_233 : vector<16xi32>
      %sub3A_235 = arith.constant 2000000 : i32
      %sub3A_236 = vector.broadcast %sub3A_235 : i32 to vector<16xi32>
      %sub3A_237 = arith.subi %xor3A_230, %sub3A_236 : vector<16xi32>
      %select_n3A_238 = arith.select %ge3A_234, %sub3A_237, %xor3A_230 : vector<16xi1>, vector<16xi32>
      %shift_right_logical3A_239 = arith.constant 11 : i32
      %shift_right_logical3A_240 = vector.broadcast %shift_right_logical3A_239 : i32 to vector<16xi32>
      %shift_right_logical3A_241 = arith.shrui %select_n3A_238, %shift_right_logical3A_240 : vector<16xi32>
      %mul3A_242 = arith.constant 967296 : i32
      %mul3A_243 = vector.broadcast %mul3A_242 : i32 to vector<16xi32>
      %mul3A_244 = arith.muli %shift_right_logical3A_241, %mul3A_243 : vector<16xi32>
      %and3A_245 = arith.constant 2047 : i32
      %and3A_246 = vector.broadcast %and3A_245 : i32 to vector<16xi32>
      %and3A_247 = arith.andi %select_n3A_238, %and3A_246 : vector<16xi32>
      %mul3A_248 = arith.constant 97152 : i32
      %mul3A_249 = vector.broadcast %mul3A_248 : i32 to vector<16xi32>
      %mul3A_250 = arith.muli %and3A_247, %mul3A_249 : vector<16xi32>
      %add3A_251 = arith.addi %mul3A_244, %mul3A_250 : vector<16xi32>
      %add3A_252 = arith.addi %add3A_251, %xor3A_231 : vector<16xi32>
      %convert_element_type3A_253 = arith.sitofp %add3A_252 : vector<16xi32> to vector<16xf32>
      %mul3A_254 = arith.constant 5.000000e-07 : f32
      %mul3A_255 = vector.broadcast %mul3A_254 : f32 to vector<16xf32>
      %mul3A_256 = arith.mulf %convert_element_type3A_253, %mul3A_255 : vector<16xf32>
      %convert_element_type3A_257 = arith.fptosi %mul3A_256 : vector<16xf32> to vector<16xi32>
      %mul3A_258 = arith.constant 2000000 : i32
      %mul3A_259 = vector.broadcast %mul3A_258 : i32 to vector<16xi32>
      %mul3A_260 = arith.muli %convert_element_type3A_257, %mul3A_259 : vector<16xi32>
      %sub3A_261 = arith.subi %add3A_252, %mul3A_260 : vector<16xi32>
      %lt3A_262 = arith.constant 0 : i32
      %lt3A_263 = vector.broadcast %lt3A_262 : i32 to vector<16xi32>
      %lt3A_264 = arith.cmpi slt, %sub3A_261, %lt3A_263 : vector<16xi32>
      %add3A_265 = arith.constant 2000000 : i32
      %add3A_266 = vector.broadcast %add3A_265 : i32 to vector<16xi32>
      %add3A_267 = arith.addi %sub3A_261, %add3A_266 : vector<16xi32>
      %select_n3A_268 = arith.select %lt3A_264, %add3A_267, %sub3A_261 : vector<16xi1>, vector<16xi32>
      %ge3A_269 = arith.constant 2000000 : i32
      %ge3A_270 = vector.broadcast %ge3A_269 : i32 to vector<16xi32>
      %ge3A_271 = arith.cmpi sge, %select_n3A_268, %ge3A_270 : vector<16xi32>
      %sub3A_272 = arith.constant 2000000 : i32
      %sub3A_273 = vector.broadcast %sub3A_272 : i32 to vector<16xi32>
      %sub3A_274 = arith.subi %select_n3A_268, %sub3A_273 : vector<16xi32>
      %select_n3A_275 = arith.select %ge3A_271, %sub3A_274, %select_n3A_268 : vector<16xi1>, vector<16xi32>
      %swap3A_276 = arith.constant 2 : i64
      %swap3A_277 = arith.index_cast %swap3A_276 : i64 to index
      %swap3A_278 = arith.index_cast %mul3A_46 : i32 to index
      %swap3A_279 = tpu.vector_load %arg14[%swap3A_277, %swap3A_278] {strides = array<i32>} : memref<4x1792xi32, #tpu.memory_space<vmem>>, vector<1x16xi32>,
      %swap3A_280 = vector.shape_cast %swap3A_279 : vector<1x16xi32> to vector<16xi32>
      %swap3A_281 = vector.shape_cast %select_n3A_275 : vector<16xi32> to vector<1x16xi32>
      tpu.vector_store %arg14[%swap3A_277, %swap3A_278], %swap3A_281 {strides = array<i32>} : memref<4x1792xi32, #tpu.memory_space<vmem>>, vector<1x16xi32>,
      %swap3A_282 = arith.constant 2 : i64
      %swap3A_283 = arith.index_cast %swap3A_282 : i64 to index
      %swap3A_284 = arith.index_cast %mul3A_46 : i32 to index
      %swap3A_285 = tpu.vector_load %arg15[%swap3A_283, %swap3A_284] {strides = array<i32>} : memref<4x1792xi32, #tpu.memory_space<vmem>>, vector<1x16xi32>,
      %swap3A_286 = vector.shape_cast %swap3A_285 : vector<1x16xi32> to vector<16xi32>
      %swap3A_287 = vector.shape_cast %select_n3A_275 : vector<16xi32> to vector<1x16xi32>
      tpu.vector_store %arg15[%swap3A_283, %swap3A_284], %swap3A_287 {strides = array<i32>} : memref<4x1792xi32, #tpu.memory_space<vmem>>, vector<1x16xi32>,
      %get3A_288 = arith.constant 4 : i64
      %get3A_289 = arith.index_cast %get3A_288 : i64 to index
      %get3A_290 = arith.index_cast %mul3A_46 : i32 to index
      %get3A_291 = tpu.vector_load %arg13[%get3A_289, %get3A_290] {strides = array<i32>} : memref<8x1792xi32, #tpu.memory_space<vmem>>, vector<1x16xi32>,
      %get3A_292 = vector.shape_cast %get3A_291 : vector<1x16xi32> to vector<16xi32>
      %mul3A_293 = arith.constant 160661 : i32
      %mul3A_294 = vector.broadcast %mul3A_293 : i32 to vector<16xi32>
      %mul3A_295 = arith.muli %get3A_292, %mul3A_294 : vector<16xi32>
      %mul3A_296 = arith.constant 582 : i32
      %mul3A_297 = vector.broadcast %mul3A_296 : i32 to vector<16xi32>
      %mul3A_298 = arith.muli %get3A_292, %mul3A_297 : vector<16xi32>
      %shift_right_logical3A_299 = arith.constant 21 : i32
      %shift_right_logical3A_300 = vector.broadcast %shift_right_logical3A_299 : i32 to vector<16xi32>
      %shift_right_logical3A_301 = arith.shrui %mul3A_295, %shift_right_logical3A_300 : vector<16xi32>
      %add3A_302 = arith.addi %mul3A_298, %shift_right_logical3A_301 : vector<16xi32>
      %and3A_303 = arith.constant 2097151 : i32
      %and3A_304 = vector.broadcast %and3A_303 : i32 to vector<16xi32>
      %and3A_305 = arith.andi %mul3A_295, %and3A_304 : vector<16xi32>
      %xor3A_306 = arith.xori %xor3A_230, %add3A_302 : vector<16xi32>
      %xor3A_307 = arith.xori %xor3A_231, %and3A_305 : vector<16xi32>
      %get3A_308 = arith.constant 5 : i64
      %get3A_309 = arith.index_cast %get3A_308 : i64 to index
      %get3A_310 = arith.index_cast %mul3A_46 : i32 to index
      %get3A_311 = tpu.vector_load %arg13[%get3A_309, %get3A_310] {strides = array<i32>} : memref<8x1792xi32, #tpu.memory_space<vmem>>, vector<1x16xi32>,
      %get3A_312 = vector.shape_cast %get3A_311 : vector<1x16xi32> to vector<16xi32>
      %mul3A_313 = arith.constant 5 : i32
      %mul3A_314 = vector.broadcast %mul3A_313 : i32 to vector<16xi32>
      %mul3A_315 = arith.muli %get3A_312, %mul3A_314 : vector<16xi32>
      %mul3A_316 = arith.constant 768 : i32
      %mul3A_317 = vector.broadcast %mul3A_316 : i32 to vector<16xi32>
      %mul3A_318 = arith.muli %get3A_312, %mul3A_317 : vector<16xi32>
      %shift_right_logical3A_319 = arith.constant 21 : i32
      %shift_right_logical3A_320 = vector.broadcast %shift_right_logical3A_319 : i32 to vector<16xi32>
      %shift_right_logical3A_321 = arith.shrui %mul3A_315, %shift_right_logical3A_320 : vector<16xi32>
      %add3A_322 = arith.addi %mul3A_318, %shift_right_logical3A_321 : vector<16xi32>
      %and3A_323 = arith.constant 2097151 : i32
      %and3A_324 = vector.broadcast %and3A_323 : i32 to vector<16xi32>
      %and3A_325 = arith.andi %mul3A_315, %and3A_324 : vector<16xi32>
      %xor3A_326 = arith.xori %xor3A_306, %add3A_322 : vector<16xi32>
      %xor3A_327 = arith.xori %xor3A_307, %and3A_325 : vector<16xi32>
      %get3A_328 = arith.constant 6 : i64
      %get3A_329 = arith.index_cast %get3A_328 : i64 to index
      %get3A_330 = arith.index_cast %mul3A_46 : i32 to index
      %get3A_331 = tpu.vector_load %arg13[%get3A_329, %get3A_330] {strides = array<i32>} : memref<8x1792xi32, #tpu.memory_space<vmem>>, vector<1x16xi32>,
      %get3A_332 = vector.shape_cast %get3A_331 : vector<1x16xi32> to vector<16xi32>
      %mul3A_333 = arith.constant 89 : i32
      %mul3A_334 = vector.broadcast %mul3A_333 : i32 to vector<16xi32>
      %mul3A_335 = arith.muli %get3A_332, %mul3A_334 : vector<16xi32>
      %mul3A_336 = arith.constant 384 : i32
      %mul3A_337 = vector.broadcast %mul3A_336 : i32 to vector<16xi32>
      %mul3A_338 = arith.muli %get3A_332, %mul3A_337 : vector<16xi32>
      %shift_right_logical3A_339 = arith.constant 21 : i32
      %shift_right_logical3A_340 = vector.broadcast %shift_right_logical3A_339 : i32 to vector<16xi32>
      %shift_right_logical3A_341 = arith.shrui %mul3A_335, %shift_right_logical3A_340 : vector<16xi32>
      %add3A_342 = arith.addi %mul3A_338, %shift_right_logical3A_341 : vector<16xi32>
      %and3A_343 = arith.constant 2097151 : i32
      %and3A_344 = vector.broadcast %and3A_343 : i32 to vector<16xi32>
      %and3A_345 = arith.andi %mul3A_335, %and3A_344 : vector<16xi32>
      %xor3A_346 = arith.xori %xor3A_326, %add3A_342 : vector<16xi32>
      %xor3A_347 = arith.xori %xor3A_327, %and3A_345 : vector<16xi32>
      %get3A_348 = arith.constant 7 : i64
      %get3A_349 = arith.index_cast %get3A_348 : i64 to index
      %get3A_350 = arith.index_cast %mul3A_46 : i32 to index
      %get3A_351 = tpu.vector_load %arg13[%get3A_349, %get3A_350] {strides = array<i32>} : memref<8x1792xi32, #tpu.memory_space<vmem>>, vector<1x16xi32>,
      %get3A_352 = vector.shape_cast %get3A_351 : vector<1x16xi32> to vector<16xi32>
      %mul3A_353 = arith.constant 5 : i32
      %mul3A_354 = vector.broadcast %mul3A_353 : i32 to vector<16xi32>
      %mul3A_355 = arith.muli %get3A_352, %mul3A_354 : vector<16xi32>
      %mul3A_356 = arith.constant 192 : i32
      %mul3A_357 = vector.broadcast %mul3A_356 : i32 to vector<16xi32>
      %mul3A_358 = arith.muli %get3A_352, %mul3A_357 : vector<16xi32>
      %shift_right_logical3A_359 = arith.constant 21 : i32
      %shift_right_logical3A_360 = vector.broadcast %shift_right_logical3A_359 : i32 to vector<16xi32>
      %shift_right_logical3A_361 = arith.shrui %mul3A_355, %shift_right_logical3A_360 : vector<16xi32>
      %add3A_362 = arith.addi %mul3A_358, %shift_right_logical3A_361 : vector<16xi32>
      %and3A_363 = arith.constant 2097151 : i32
      %and3A_364 = vector.broadcast %and3A_363 : i32 to vector<16xi32>
      %and3A_365 = arith.andi %mul3A_355, %and3A_364 : vector<16xi32>
      %xor3A_366 = arith.xori %xor3A_346, %add3A_362 : vector<16xi32>
      %xor3A_367 = arith.xori %xor3A_347, %and3A_365 : vector<16xi32>
      %ge3A_368 = arith.constant 2000000 : i32
      %ge3A_369 = vector.broadcast %ge3A_368 : i32 to vector<16xi32>
      %ge3A_370 = arith.cmpi sge, %xor3A_366, %ge3A_369 : vector<16xi32>
      %sub3A_371 = arith.constant 2000000 : i32
      %sub3A_372 = vector.broadcast %sub3A_371 : i32 to vector<16xi32>
      %sub3A_373 = arith.subi %xor3A_366, %sub3A_372 : vector<16xi32>
      %select_n3A_374 = arith.select %ge3A_370, %sub3A_373, %xor3A_366 : vector<16xi1>, vector<16xi32>
      %shift_right_logical3A_375 = arith.constant 11 : i32
      %shift_right_logical3A_376 = vector.broadcast %shift_right_logical3A_375 : i32 to vector<16xi32>
      %shift_right_logical3A_377 = arith.shrui %select_n3A_374, %shift_right_logical3A_376 : vector<16xi32>
      %mul3A_378 = arith.constant 967296 : i32
      %mul3A_379 = vector.broadcast %mul3A_378 : i32 to vector<16xi32>
      %mul3A_380 = arith.muli %shift_right_logical3A_377, %mul3A_379 : vector<16xi32>
      %and3A_381 = arith.constant 2047 : i32
      %and3A_382 = vector.broadcast %and3A_381 : i32 to vector<16xi32>
      %and3A_383 = arith.andi %select_n3A_374, %and3A_382 : vector<16xi32>
      %mul3A_384 = arith.constant 97152 : i32
      %mul3A_385 = vector.broadcast %mul3A_384 : i32 to vector<16xi32>
      %mul3A_386 = arith.muli %and3A_383, %mul3A_385 : vector<16xi32>
      %add3A_387 = arith.addi %mul3A_380, %mul3A_386 : vector<16xi32>
      %add3A_388 = arith.addi %add3A_387, %xor3A_367 : vector<16xi32>
      %convert_element_type3A_389 = arith.sitofp %add3A_388 : vector<16xi32> to vector<16xf32>
      %mul3A_390 = arith.constant 5.000000e-07 : f32
      %mul3A_391 = vector.broadcast %mul3A_390 : f32 to vector<16xf32>
      %mul3A_392 = arith.mulf %convert_element_type3A_389, %mul3A_391 : vector<16xf32>
      %convert_element_type3A_393 = arith.fptosi %mul3A_392 : vector<16xf32> to vector<16xi32>
      %mul3A_394 = arith.constant 2000000 : i32
      %mul3A_395 = vector.broadcast %mul3A_394 : i32 to vector<16xi32>
      %mul3A_396 = arith.muli %convert_element_type3A_393, %mul3A_395 : vector<16xi32>
      %sub3A_397 = arith.subi %add3A_388, %mul3A_396 : vector<16xi32>
      %lt3A_398 = arith.constant 0 : i32
      %lt3A_399 = vector.broadcast %lt3A_398 : i32 to vector<16xi32>
      %lt3A_400 = arith.cmpi slt, %sub3A_397, %lt3A_399 : vector<16xi32>
      %add3A_401 = arith.constant 2000000 : i32
      %add3A_402 = vector.broadcast %add3A_401 : i32 to vector<16xi32>
      %add3A_403 = arith.addi %sub3A_397, %add3A_402 : vector<16xi32>
      %select_n3A_404 = arith.select %lt3A_400, %add3A_403, %sub3A_397 : vector<16xi1>, vector<16xi32>
      %ge3A_405 = arith.constant 2000000 : i32
      %ge3A_406 = vector.broadcast %ge3A_405 : i32 to vector<16xi32>
      %ge3A_407 = arith.cmpi sge, %select_n3A_404, %ge3A_406 : vector<16xi32>
      %sub3A_408 = arith.constant 2000000 : i32
      %sub3A_409 = vector.broadcast %sub3A_408 : i32 to vector<16xi32>
      %sub3A_410 = arith.subi %select_n3A_404, %sub3A_409 : vector<16xi32>
      %select_n3A_411 = arith.select %ge3A_407, %sub3A_410, %select_n3A_404 : vector<16xi1>, vector<16xi32>
      %swap3A_412 = arith.constant 3 : i64
      %swap3A_413 = arith.index_cast %swap3A_412 : i64 to index
      %swap3A_414 = arith.index_cast %mul3A_46 : i32 to index
      %swap3A_415 = tpu.vector_load %arg14[%swap3A_413, %swap3A_414] {strides = array<i32>} : memref<4x1792xi32, #tpu.memory_space<vmem>>, vector<1x16xi32>,
      %swap3A_416 = vector.shape_cast %swap3A_415 : vector<1x16xi32> to vector<16xi32>
      %swap3A_417 = vector.shape_cast %select_n3A_411 : vector<16xi32> to vector<1x16xi32>
      tpu.vector_store %arg14[%swap3A_413, %swap3A_414], %swap3A_417 {strides = array<i32>} : memref<4x1792xi32, #tpu.memory_space<vmem>>, vector<1x16xi32>,
      %swap3A_418 = arith.constant 3 : i64
      %swap3A_419 = arith.index_cast %swap3A_418 : i64 to index
      %swap3A_420 = arith.index_cast %mul3A_46 : i32 to index
      %swap3A_421 = tpu.vector_load %arg15[%swap3A_419, %swap3A_420] {strides = array<i32>} : memref<4x1792xi32, #tpu.memory_space<vmem>>, vector<1x16xi32>,
      %swap3A_422 = vector.shape_cast %swap3A_421 : vector<1x16xi32> to vector<16xi32>
      %swap3A_423 = vector.shape_cast %select_n3A_411 : vector<16xi32> to vector<1x16xi32>
      tpu.vector_store %arg15[%swap3A_419, %swap3A_420], %swap3A_423 {strides = array<i32>} : memref<4x1792xi32, #tpu.memory_space<vmem>>, vector<1x16xi32>,
    }
    %while3A_10 = arith.constant 1 : i32
    scf.for %while3A_44 = %while3A_8 to %while3A_4 step %while3A_10  : i32 {
      %mul3A_45 = arith.constant 16 : i32
      %mul3A_46 = arith.muli %while3A_44, %mul3A_45 : i32
      %broadcast_in_dim3A = arith.constant 0 : i32
      %broadcast_in_dim3A_47 = vector.broadcast %broadcast_in_dim3A : i32 to vector<16xi32>
      %broadcast_in_dim3A_48 = arith.constant 0 : i32
      %broadcast_in_dim3A_49 = vector.broadcast %broadcast_in_dim3A_48 : i32 to vector<16xi32>
      %get3A = arith.constant 0 : i64
      %get3A_50 = arith.index_cast %get3A : i64 to index
      %get3A_51 = arith.index_cast %mul3A_46 : i32 to index
      %get3A_52 = tpu.vector_load %arg13[%get3A_50, %get3A_51] {strides = array<i32>} : memref<8x1792xi32, #tpu.memory_space<vmem>>, vector<1x16xi32>,
      %get3A_53 = vector.shape_cast %get3A_52 : vector<1x16xi32> to vector<16xi32>
      %mul3A_54 = arith.constant 1538481 : i32
      %mul3A_55 = vector.broadcast %mul3A_54 : i32 to vector<16xi32>
      %mul3A_56 = arith.muli %get3A_53, %mul3A_55 : vector<16xi32>
      %mul3A_57 = arith.constant 1265 : i32
      %mul3A_58 = vector.broadcast %mul3A_57 : i32 to vector<16xi32>
      %mul3A_59 = arith.muli %get3A_53, %mul3A_58 : vector<16xi32>
      %shift_right_logical3A = arith.constant 21 : i32
      %shift_right_logical3A_60 = vector.broadcast %shift_right_logical3A : i32 to vector<16xi32>
      %shift_right_logical3A_61 = arith.shrui %mul3A_56, %shift_right_logical3A_60 : vector<16xi32>
      %add3A_62 = arith.addi %mul3A_59, %shift_right_logical3A_61 : vector<16xi32>
      %and3A = arith.constant 2097151 : i32
      %and3A_63 = vector.broadcast %and3A : i32 to vector<16xi32>
      %and3A_64 = arith.andi %mul3A_56, %and3A_63 : vector<16xi32>
      %xor3A = arith.xori %broadcast_in_dim3A_49, %add3A_62 : vector<16xi32>
      %xor3A_65 = arith.xori %broadcast_in_dim3A_47, %and3A_64 : vector<16xi32>
      %ge3A = arith.constant 2000000 : i32
      %ge3A_66 = vector.broadcast %ge3A : i32 to vector<16xi32>
      %ge3A_67 = arith.cmpi sge, %xor3A, %ge3A_66 : vector<16xi32>
      %sub3A = arith.constant 2000000 : i32
      %sub3A_68 = vector.broadcast %sub3A : i32 to vector<16xi32>
      %sub3A_69 = arith.subi %xor3A, %sub3A_68 : vector<16xi32>
      %select_n3A = arith.select %ge3A_67, %sub3A_69, %xor3A : vector<16xi1>, vector<16xi32>
      %shift_right_logical3A_70 = arith.constant 11 : i32
      %shift_right_logical3A_71 = vector.broadcast %shift_right_logical3A_70 : i32 to vector<16xi32>
      %shift_right_logical3A_72 = arith.shrui %select_n3A, %shift_right_logical3A_71 : vector<16xi32>
      %mul3A_73 = arith.constant 967296 : i32
      %mul3A_74 = vector.broadcast %mul3A_73 : i32 to vector<16xi32>
      %mul3A_75 = arith.muli %shift_right_logical3A_72, %mul3A_74 : vector<16xi32>
      %and3A_76 = arith.constant 2047 : i32
      %and3A_77 = vector.broadcast %and3A_76 : i32 to vector<16xi32>
      %and3A_78 = arith.andi %select_n3A, %and3A_77 : vector<16xi32>
      %mul3A_79 = arith.constant 97152 : i32
      %mul3A_80 = vector.broadcast %mul3A_79 : i32 to vector<16xi32>
      %mul3A_81 = arith.muli %and3A_78, %mul3A_80 : vector<16xi32>
      %add3A_82 = arith.addi %mul3A_75, %mul3A_81 : vector<16xi32>
      %add3A_83 = arith.addi %add3A_82, %xor3A_65 : vector<16xi32>
      %convert_element_type3A = arith.sitofp %add3A_83 : vector<16xi32> to vector<16xf32>
      %mul3A_84 = arith.constant 5.000000e-07 : f32
      %mul3A_85 = vector.broadcast %mul3A_84 : f32 to vector<16xf32>
      %mul3A_86 = arith.mulf %convert_element_type3A, %mul3A_85 : vector<16xf32>
      %convert_element_type3A_87 = arith.fptosi %mul3A_86 : vector<16xf32> to vector<16xi32>
      %mul3A_88 = arith.constant 2000000 : i32
      %mul3A_89 = vector.broadcast %mul3A_88 : i32 to vector<16xi32>
      %mul3A_90 = arith.muli %convert_element_type3A_87, %mul3A_89 : vector<16xi32>
      %sub3A_91 = arith.subi %add3A_83, %mul3A_90 : vector<16xi32>
      %lt3A = arith.constant 0 : i32
      %lt3A_92 = vector.broadcast %lt3A : i32 to vector<16xi32>
      %lt3A_93 = arith.cmpi slt, %sub3A_91, %lt3A_92 : vector<16xi32>
      %add3A_94 = arith.constant 2000000 : i32
      %add3A_95 = vector.broadcast %add3A_94 : i32 to vector<16xi32>
      %add3A_96 = arith.addi %sub3A_91, %add3A_95 : vector<16xi32>
      %select_n3A_97 = arith.select %lt3A_93, %add3A_96, %sub3A_91 : vector<16xi1>, vector<16xi32>
      %ge3A_98 = arith.constant 2000000 : i32
      %ge3A_99 = vector.broadcast %ge3A_98 : i32 to vector<16xi32>
      %ge3A_100 = arith.cmpi sge, %select_n3A_97, %ge3A_99 : vector<16xi32>
      %sub3A_101 = arith.constant 2000000 : i32
      %sub3A_102 = vector.broadcast %sub3A_101 : i32 to vector<16xi32>
      %sub3A_103 = arith.subi %select_n3A_97, %sub3A_102 : vector<16xi32>
      %select_n3A_104 = arith.select %ge3A_100, %sub3A_103, %select_n3A_97 : vector<16xi1>, vector<16xi32>
      %swap3A = arith.constant 0 : i64
      %swap3A_105 = arith.index_cast %swap3A : i64 to index
      %swap3A_106 = arith.index_cast %mul3A_46 : i32 to index
      %swap3A_107 = tpu.vector_load %arg14[%swap3A_105, %swap3A_106] {strides = array<i32>} : memref<4x1792xi32, #tpu.memory_space<vmem>>, vector<1x16xi32>,
      %swap3A_108 = vector.shape_cast %swap3A_107 : vector<1x16xi32> to vector<16xi32>
      %swap3A_109 = vector.shape_cast %select_n3A_104 : vector<16xi32> to vector<1x16xi32>
      tpu.vector_store %arg14[%swap3A_105, %swap3A_106], %swap3A_109 {strides = array<i32>} : memref<4x1792xi32, #tpu.memory_space<vmem>>, vector<1x16xi32>,
      %swap3A_110 = arith.constant 0 : i64
      %swap3A_111 = arith.index_cast %swap3A_110 : i64 to index
      %swap3A_112 = arith.index_cast %mul3A_46 : i32 to index
      %swap3A_113 = tpu.vector_load %arg15[%swap3A_111, %swap3A_112] {strides = array<i32>} : memref<4x1792xi32, #tpu.memory_space<vmem>>, vector<1x16xi32>,
      %swap3A_114 = vector.shape_cast %swap3A_113 : vector<1x16xi32> to vector<16xi32>
      %swap3A_115 = vector.shape_cast %select_n3A_104 : vector<16xi32> to vector<1x16xi32>
      tpu.vector_store %arg15[%swap3A_111, %swap3A_112], %swap3A_115 {strides = array<i32>} : memref<4x1792xi32, #tpu.memory_space<vmem>>, vector<1x16xi32>,
      %get3A_116 = arith.constant 1 : i64
      %get3A_117 = arith.index_cast %get3A_116 : i64 to index
      %get3A_118 = arith.index_cast %mul3A_46 : i32 to index
      %get3A_119 = tpu.vector_load %arg13[%get3A_117, %get3A_118] {strides = array<i32>} : memref<8x1792xi32, #tpu.memory_space<vmem>>, vector<1x16xi32>,
      %get3A_120 = vector.shape_cast %get3A_119 : vector<1x16xi32> to vector<16xi32>
      %mul3A_121 = arith.constant 772727 : i32
      %mul3A_122 = vector.broadcast %mul3A_121 : i32 to vector<16xi32>
      %mul3A_123 = arith.muli %get3A_120, %mul3A_122 : vector<16xi32>
      %mul3A_124 = arith.constant 1071 : i32
      %mul3A_125 = vector.broadcast %mul3A_124 : i32 to vector<16xi32>
      %mul3A_126 = arith.muli %get3A_120, %mul3A_125 : vector<16xi32>
      %shift_right_logical3A_127 = arith.constant 21 : i32
      %shift_right_logical3A_128 = vector.broadcast %shift_right_logical3A_127 : i32 to vector<16xi32>
      %shift_right_logical3A_129 = arith.shrui %mul3A_123, %shift_right_logical3A_128 : vector<16xi32>
      %add3A_130 = arith.addi %mul3A_126, %shift_right_logical3A_129 : vector<16xi32>
      %and3A_131 = arith.constant 2097151 : i32
      %and3A_132 = vector.broadcast %and3A_131 : i32 to vector<16xi32>
      %and3A_133 = arith.andi %mul3A_123, %and3A_132 : vector<16xi32>
      %xor3A_134 = arith.xori %xor3A, %add3A_130 : vector<16xi32>
      %xor3A_135 = arith.xori %xor3A_65, %and3A_133 : vector<16xi32>
      %ge3A_136 = arith.constant 2000000 : i32
      %ge3A_137 = vector.broadcast %ge3A_136 : i32 to vector<16xi32>
      %ge3A_138 = arith.cmpi sge, %xor3A_134, %ge3A_137 : vector<16xi32>
      %sub3A_139 = arith.constant 2000000 : i32
      %sub3A_140 = vector.broadcast %sub3A_139 : i32 to vector<16xi32>
      %sub3A_141 = arith.subi %xor3A_134, %sub3A_140 : vector<16xi32>
      %select_n3A_142 = arith.select %ge3A_138, %sub3A_141, %xor3A_134 : vector<16xi1>, vector<16xi32>
      %shift_right_logical3A_143 = arith.constant 11 : i32
      %shift_right_logical3A_144 = vector.broadcast %shift_right_logical3A_143 : i32 to vector<16xi32>
      %shift_right_logical3A_145 = arith.shrui %select_n3A_142, %shift_right_logical3A_144 : vector<16xi32>
      %mul3A_146 = arith.constant 967296 : i32
      %mul3A_147 = vector.broadcast %mul3A_146 : i32 to vector<16xi32>
      %mul3A_148 = arith.muli %shift_right_logical3A_145, %mul3A_147 : vector<16xi32>
      %and3A_149 = arith.constant 2047 : i32
      %and3A_150 = vector.broadcast %and3A_149 : i32 to vector<16xi32>
      %and3A_151 = arith.andi %select_n3A_142, %and3A_150 : vector<16xi32>
      %mul3A_152 = arith.constant 97152 : i32
      %mul3A_153 = vector.broadcast %mul3A_152 : i32 to vector<16xi32>
      %mul3A_154 = arith.muli %and3A_151, %mul3A_153 : vector<16xi32>
      %add3A_155 = arith.addi %mul3A_148, %mul3A_154 : vector<16xi32>
      %add3A_156 = arith.addi %add3A_155, %xor3A_135 : vector<16xi32>
      %convert_element_type3A_157 = arith.sitofp %add3A_156 : vector<16xi32> to vector<16xf32>
      %mul3A_158 = arith.constant 5.000000e-07 : f32
      %mul3A_159 = vector.broadcast %mul3A_158 : f32 to vector<16xf32>
      %mul3A_160 = arith.mulf %convert_element_type3A_157, %mul3A_159 : vector<16xf32>
      %convert_element_type3A_161 = arith.fptosi %mul3A_160 : vector<16xf32> to vector<16xi32>
      %mul3A_162 = arith.constant 2000000 : i32
      %mul3A_163 = vector.broadcast %mul3A_162 : i32 to vector<16xi32>
      %mul3A_164 = arith.muli %convert_element_type3A_161, %mul3A_163 : vector<16xi32>
      %sub3A_165 = arith.subi %add3A_156, %mul3A_164 : vector<16xi32>
      %lt3A_166 = arith.constant 0 : i32
      %lt3A_167 = vector.broadcast %lt3A_166 : i32 to vector<16xi32>
      %lt3A_168 = arith.cmpi slt, %sub3A_165, %lt3A_167 : vector<16xi32>
      %add3A_169 = arith.constant 2000000 : i32
      %add3A_170 = vector.broadcast %add3A_169 : i32 to vector<16xi32>
      %add3A_171 = arith.addi %sub3A_165, %add3A_170 : vector<16xi32>
      %select_n3A_172 = arith.select %lt3A_168, %add3A_171, %sub3A_165 : vector<16xi1>, vector<16xi32>
      %ge3A_173 = arith.constant 2000000 : i32
      %ge3A_174 = vector.broadcast %ge3A_173 : i32 to vector<16xi32>
      %ge3A_175 = arith.cmpi sge, %select_n3A_172, %ge3A_174 : vector<16xi32>
      %sub3A_176 = arith.constant 2000000 : i32
      %sub3A_177 = vector.broadcast %sub3A_176 : i32 to vector<16xi32>
      %sub3A_178 = arith.subi %select_n3A_172, %sub3A_177 : vector<16xi32>
      %select_n3A_179 = arith.select %ge3A_175, %sub3A_178, %select_n3A_172 : vector<16xi1>, vector<16xi32>
      %swap3A_180 = arith.constant 1 : i64
      %swap3A_181 = arith.index_cast %swap3A_180 : i64 to index
      %swap3A_182 = arith.index_cast %mul3A_46 : i32 to index
      %swap3A_183 = tpu.vector_load %arg14[%swap3A_181, %swap3A_182] {strides = array<i32>} : memref<4x1792xi32, #tpu.memory_space<vmem>>, vector<1x16xi32>,
      %swap3A_184 = vector.shape_cast %swap3A_183 : vector<1x16xi32> to vector<16xi32>
      %swap3A_185 = vector.shape_cast %select_n3A_179 : vector<16xi32> to vector<1x16xi32>
      tpu.vector_store %arg14[%swap3A_181, %swap3A_182], %swap3A_185 {strides = array<i32>} : memref<4x1792xi32, #tpu.memory_space<vmem>>, vector<1x16xi32>,
      %swap3A_186 = arith.constant 1 : i64
      %swap3A_187 = arith.index_cast %swap3A_186 : i64 to index
      %swap3A_188 = arith.index_cast %mul3A_46 : i32 to index
      %swap3A_189 = tpu.vector_load %arg15[%swap3A_187, %swap3A_188] {strides = array<i32>} : memref<4x1792xi32, #tpu.memory_space<vmem>>, vector<1x16xi32>,
      %swap3A_190 = vector.shape_cast %swap3A_189 : vector<1x16xi32> to vector<16xi32>
      %swap3A_191 = vector.shape_cast %select_n3A_179 : vector<16xi32> to vector<1x16xi32>
      tpu.vector_store %arg15[%swap3A_187, %swap3A_188], %swap3A_191 {strides = array<i32>} : memref<4x1792xi32, #tpu.memory_space<vmem>>, vector<1x16xi32>,
      %get3A_192 = arith.constant 2 : i64
      %get3A_193 = arith.index_cast %get3A_192 : i64 to index
      %get3A_194 = arith.index_cast %mul3A_46 : i32 to index
      %get3A_195 = tpu.vector_load %arg13[%get3A_193, %get3A_194] {strides = array<i32>} : memref<8x1792xi32, #tpu.memory_space<vmem>>, vector<1x16xi32>,
      %get3A_196 = vector.shape_cast %get3A_195 : vector<1x16xi32> to vector<16xi32>
      %mul3A_197 = arith.constant 1224253 : i32
      %mul3A_198 = vector.broadcast %mul3A_197 : i32 to vector<16xi32>
      %mul3A_199 = arith.muli %get3A_196, %mul3A_198 : vector<16xi32>
      %mul3A_200 = arith.constant 1557 : i32
      %mul3A_201 = vector.broadcast %mul3A_200 : i32 to vector<16xi32>
      %mul3A_202 = arith.muli %get3A_196, %mul3A_201 : vector<16xi32>
      %shift_right_logical3A_203 = arith.constant 21 : i32
      %shift_right_logical3A_204 = vector.broadcast %shift_right_logical3A_203 : i32 to vector<16xi32>
      %shift_right_logical3A_205 = arith.shrui %mul3A_199, %shift_right_logical3A_204 : vector<16xi32>
      %add3A_206 = arith.addi %mul3A_202, %shift_right_logical3A_205 : vector<16xi32>
      %and3A_207 = arith.constant 2097151 : i32
      %and3A_208 = vector.broadcast %and3A_207 : i32 to vector<16xi32>
      %and3A_209 = arith.andi %mul3A_199, %and3A_208 : vector<16xi32>
      %xor3A_210 = arith.xori %xor3A_134, %add3A_206 : vector<16xi32>
      %xor3A_211 = arith.xori %xor3A_135, %and3A_209 : vector<16xi32>
      %get3A_212 = arith.constant 3 : i64
      %get3A_213 = arith.index_cast %get3A_212 : i64 to index
      %get3A_214 = arith.index_cast %mul3A_46 : i32 to index
      %get3A_215 = tpu.vector_load %arg13[%get3A_213, %get3A_214] {strides = array<i32>} : memref<8x1792xi32, #tpu.memory_space<vmem>>, vector<1x16xi32>,
      %get3A_216 = vector.shape_cast %get3A_215 : vector<1x16xi32> to vector<16xi32>
      %mul3A_217 = arith.constant 232529 : i32
      %mul3A_218 = vector.broadcast %mul3A_217 : i32 to vector<16xi32>
      %mul3A_219 = arith.muli %get3A_216, %mul3A_218 : vector<16xi32>
      %mul3A_220 = arith.constant 967 : i32
      %mul3A_221 = vector.broadcast %mul3A_220 : i32 to vector<16xi32>
      %mul3A_222 = arith.muli %get3A_216, %mul3A_221 : vector<16xi32>
      %shift_right_logical3A_223 = arith.constant 21 : i32
      %shift_right_logical3A_224 = vector.broadcast %shift_right_logical3A_223 : i32 to vector<16xi32>
      %shift_right_logical3A_225 = arith.shrui %mul3A_219, %shift_right_logical3A_224 : vector<16xi32>
      %add3A_226 = arith.addi %mul3A_222, %shift_right_logical3A_225 : vector<16xi32>
      %and3A_227 = arith.constant 2097151 : i32
      %and3A_228 = vector.broadcast %and3A_227 : i32 to vector<16xi32>
      %and3A_229 = arith.andi %mul3A_219, %and3A_228 : vector<16xi32>
      %xor3A_230 = arith.xori %xor3A_210, %add3A_226 : vector<16xi32>
      %xor3A_231 = arith.xori %xor3A_211, %and3A_229 : vector<16xi32>
      %ge3A_232 = arith.constant 2000000 : i32
      %ge3A_233 = vector.broadcast %ge3A_232 : i32 to vector<16xi32>
      %ge3A_234 = arith.cmpi sge, %xor3A_230, %ge3A_233 : vector<16xi32>
      %sub3A_235 = arith.constant 2000000 : i32
      %sub3A_236 = vector.broadcast %sub3A_235 : i32 to vector<16xi32>
      %sub3A_237 = arith.subi %xor3A_230, %sub3A_236 : vector<16xi32>
      %select_n3A_238 = arith.select %ge3A_234, %sub3A_237, %xor3A_230 : vector<16xi1>, vector<16xi32>
      %shift_right_logical3A_239 = arith.constant 11 : i32
      %shift_right_logical3A_240 = vector.broadcast %shift_right_logical3A_239 : i32 to vector<16xi32>
      %shift_right_logical3A_241 = arith.shrui %select_n3A_238, %shift_right_logical3A_240 : vector<16xi32>
      %mul3A_242 = arith.constant 967296 : i32
      %mul3A_243 = vector.broadcast %mul3A_242 : i32 to vector<16xi32>
      %mul3A_244 = arith.muli %shift_right_logical3A_241, %mul3A_243 : vector<16xi32>
      %and3A_245 = arith.constant 2047 : i32
      %and3A_246 = vector.broadcast %and3A_245 : i32 to vector<16xi32>
      %and3A_247 = arith.andi %select_n3A_238, %and3A_246 : vector<16xi32>
      %mul3A_248 = arith.constant 97152 : i32
      %mul3A_249 = vector.broadcast %mul3A_248 : i32 to vector<16xi32>
      %mul3A_250 = arith.muli %and3A_247, %mul3A_249 : vector<16xi32>
      %add3A_251 = arith.addi %mul3A_244, %mul3A_250 : vector<16xi32>
      %add3A_252 = arith.addi %add3A_251, %xor3A_231 : vector<16xi32>
      %convert_element_type3A_253 = arith.sitofp %add3A_252 : vector<16xi32> to vector<16xf32>
      %mul3A_254 = arith.constant 5.000000e-07 : f32
      %mul3A_255 = vector.broadcast %mul3A_254 : f32 to vector<16xf32>
      %mul3A_256 = arith.mulf %convert_element_type3A_253, %mul3A_255 : vector<16xf32>
      %convert_element_type3A_257 = arith.fptosi %mul3A_256 : vector<16xf32> to vector<16xi32>
      %mul3A_258 = arith.constant 2000000 : i32
      %mul3A_259 = vector.broadcast %mul3A_258 : i32 to vector<16xi32>
      %mul3A_260 = arith.muli %convert_element_type3A_257, %mul3A_259 : vector<16xi32>
      %sub3A_261 = arith.subi %add3A_252, %mul3A_260 : vector<16xi32>
      %lt3A_262 = arith.constant 0 : i32
      %lt3A_263 = vector.broadcast %lt3A_262 : i32 to vector<16xi32>
      %lt3A_264 = arith.cmpi slt, %sub3A_261, %lt3A_263 : vector<16xi32>
      %add3A_265 = arith.constant 2000000 : i32
      %add3A_266 = vector.broadcast %add3A_265 : i32 to vector<16xi32>
      %add3A_267 = arith.addi %sub3A_261, %add3A_266 : vector<16xi32>
      %select_n3A_268 = arith.select %lt3A_264, %add3A_267, %sub3A_261 : vector<16xi1>, vector<16xi32>
      %ge3A_269 = arith.constant 2000000 : i32
      %ge3A_270 = vector.broadcast %ge3A_269 : i32 to vector<16xi32>
      %ge3A_271 = arith.cmpi sge, %select_n3A_268, %ge3A_270 : vector<16xi32>
      %sub3A_272 = arith.constant 2000000 : i32
      %sub3A_273 = vector.broadcast %sub3A_272 : i32 to vector<16xi32>
      %sub3A_274 = arith.subi %select_n3A_268, %sub3A_273 : vector<16xi32>
      %select_n3A_275 = arith.select %ge3A_271, %sub3A_274, %select_n3A_268 : vector<16xi1>, vector<16xi32>
      %swap3A_276 = arith.constant 2 : i64
      %swap3A_277 = arith.index_cast %swap3A_276 : i64 to index
      %swap3A_278 = arith.index_cast %mul3A_46 : i32 to index
      %swap3A_279 = tpu.vector_load %arg14[%swap3A_277, %swap3A_278] {strides = array<i32>} : memref<4x1792xi32, #tpu.memory_space<vmem>>, vector<1x16xi32>,
      %swap3A_280 = vector.shape_cast %swap3A_279 : vector<1x16xi32> to vector<16xi32>
      %swap3A_281 = vector.shape_cast %select_n3A_275 : vector<16xi32> to vector<1x16xi32>
      tpu.vector_store %arg14[%swap3A_277, %swap3A_278], %swap3A_281 {strides = array<i32>} : memref<4x1792xi32, #tpu.memory_space<vmem>>, vector<1x16xi32>,
      %swap3A_282 = arith.constant 2 : i64
      %swap3A_283 = arith.index_cast %swap3A_282 : i64 to index
      %swap3A_284 = arith.index_cast %mul3A_46 : i32 to index
      %swap3A_285 = tpu.vector_load %arg15[%swap3A_283, %swap3A_284] {strides = array<i32>} : memref<4x1792xi32, #tpu.memory_space<vmem>>, vector<1x16xi32>,
      %swap3A_286 = vector.shape_cast %swap3A_285 : vector<1x16xi32> to vector<16xi32>
      %swap3A_287 = vector.shape_cast %select_n3A_275 : vector<16xi32> to vector<1x16xi32>
      tpu.vector_store %arg15[%swap3A_283, %swap3A_284], %swap3A_287 {strides = array<i32>} : memref<4x1792xi32, #tpu.memory_space<vmem>>, vector<1x16xi32>,
      %get3A_288 = arith.constant 4 : i64
      %get3A_289 = arith.index_cast %get3A_288 : i64 to index
      %get3A_290 = arith.index_cast %mul3A_46 : i32 to index
      %get3A_291 = tpu.vector_load %arg13[%get3A_289, %get3A_290] {strides = array<i32>} : memref<8x1792xi32, #tpu.memory_space<vmem>>, vector<1x16xi32>,
      %get3A_292 = vector.shape_cast %get3A_291 : vector<1x16xi32> to vector<16xi32>
      %mul3A_293 = arith.constant 160661 : i32
      %mul3A_294 = vector.broadcast %mul3A_293 : i32 to vector<16xi32>
      %mul3A_295 = arith.muli %get3A_292, %mul3A_294 : vector<16xi32>
      %mul3A_296 = arith.constant 582 : i32
      %mul3A_297 = vector.broadcast %mul3A_296 : i32 to vector<16xi32>
      %mul3A_298 = arith.muli %get3A_292, %mul3A_297 : vector<16xi32>
      %shift_right_logical3A_299 = arith.constant 21 : i32
      %shift_right_logical3A_300 = vector.broadcast %shift_right_logical3A_299 : i32 to vector<16xi32>
      %shift_right_logical3A_301 = arith.shrui %mul3A_295, %shift_right_logical3A_300 : vector<16xi32>
      %add3A_302 = arith.addi %mul3A_298, %shift_right_logical3A_301 : vector<16xi32>
      %and3A_303 = arith.constant 2097151 : i32
      %and3A_304 = vector.broadcast %and3A_303 : i32 to vector<16xi32>
      %and3A_305 = arith.andi %mul3A_295, %and3A_304 : vector<16xi32>
      %xor3A_306 = arith.xori %xor3A_230, %add3A_302 : vector<16xi32>
      %xor3A_307 = arith.xori %xor3A_231, %and3A_305 : vector<16xi32>
      %get3A_308 = arith.constant 5 : i64
      %get3A_309 = arith.index_cast %get3A_308 : i64 to index
      %get3A_310 = arith.index_cast %mul3A_46 : i32 to index
      %get3A_311 = tpu.vector_load %arg13[%get3A_309, %get3A_310] {strides = array<i32>} : memref<8x1792xi32, #tpu.memory_space<vmem>>, vector<1x16xi32>,
      %get3A_312 = vector.shape_cast %get3A_311 : vector<1x16xi32> to vector<16xi32>
      %mul3A_313 = arith.constant 5 : i32
      %mul3A_314 = vector.broadcast %mul3A_313 : i32 to vector<16xi32>
      %mul3A_315 = arith.muli %get3A_312, %mul3A_314 : vector<16xi32>
      %mul3A_316 = arith.constant 768 : i32
      %mul3A_317 = vector.broadcast %mul3A_316 : i32 to vector<16xi32>
      %mul3A_318 = arith.muli %get3A_312, %mul3A_317 : vector<16xi32>
      %shift_right_logical3A_319 = arith.constant 21 : i32
      %shift_right_logical3A_320 = vector.broadcast %shift_right_logical3A_319 : i32 to vector<16xi32>
      %shift_right_logical3A_321 = arith.shrui %mul3A_315, %shift_right_logical3A_320 : vector<16xi32>
      %add3A_322 = arith.addi %mul3A_318, %shift_right_logical3A_321 : vector<16xi32>
      %and3A_323 = arith.constant 2097151 : i32
      %and3A_324 = vector.broadcast %and3A_323 : i32 to vector<16xi32>
      %and3A_325 = arith.andi %mul3A_315, %and3A_324 : vector<16xi32>
      %xor3A_326 = arith.xori %xor3A_306, %add3A_322 : vector<16xi32>
      %xor3A_327 = arith.xori %xor3A_307, %and3A_325 : vector<16xi32>
      %get3A_328 = arith.constant 6 : i64
      %get3A_329 = arith.index_cast %get3A_328 : i64 to index
      %get3A_330 = arith.index_cast %mul3A_46 : i32 to index
      %get3A_331 = tpu.vector_load %arg13[%get3A_329, %get3A_330] {strides = array<i32>} : memref<8x1792xi32, #tpu.memory_space<vmem>>, vector<1x16xi32>,
      %get3A_332 = vector.shape_cast %get3A_331 : vector<1x16xi32> to vector<16xi32>
      %mul3A_333 = arith.constant 89 : i32
      %mul3A_334 = vector.broadcast %mul3A_333 : i32 to vector<16xi32>
      %mul3A_335 = arith.muli %get3A_332, %mul3A_334 : vector<16xi32>
      %mul3A_336 = arith.constant 384 : i32
      %mul3A_337 = vector.broadcast %mul3A_336 : i32 to vector<16xi32>
      %mul3A_338 = arith.muli %get3A_332, %mul3A_337 : vector<16xi32>
      %shift_right_logical3A_339 = arith.constant 21 : i32
      %shift_right_logical3A_340 = vector.broadcast %shift_right_logical3A_339 : i32 to vector<16xi32>
      %shift_right_logical3A_341 = arith.shrui %mul3A_335, %shift_right_logical3A_340 : vector<16xi32>
      %add3A_342 = arith.addi %mul3A_338, %shift_right_logical3A_341 : vector<16xi32>
      %and3A_343 = arith.constant 2097151 : i32
      %and3A_344 = vector.broadcast %and3A_343 : i32 to vector<16xi32>
      %and3A_345 = arith.andi %mul3A_335, %and3A_344 : vector<16xi32>
      %xor3A_346 = arith.xori %xor3A_326, %add3A_342 : vector<16xi32>
      %xor3A_347 = arith.xori %xor3A_327, %and3A_345 : vector<16xi32>
      %get3A_348 = arith.constant 7 : i64
      %get3A_349 = arith.index_cast %get3A_348 : i64 to index
      %get3A_350 = arith.index_cast %mul3A_46 : i32 to index
      %get3A_351 = tpu.vector_load %arg13[%get3A_349, %get3A_350] {strides = array<i32>} : memref<8x1792xi32, #tpu.memory_space<vmem>>, vector<1x16xi32>,
      %get3A_352 = vector.shape_cast %get3A_351 : vector<1x16xi32> to vector<16xi32>
      %mul3A_353 = arith.constant 5 : i32
      %mul3A_354 = vector.broadcast %mul3A_353 : i32 to vector<16xi32>
      %mul3A_355 = arith.muli %get3A_352, %mul3A_354 : vector<16xi32>
      %mul3A_356 = arith.constant 192 : i32
      %mul3A_357 = vector.broadcast %mul3A_356 : i32 to vector<16xi32>
      %mul3A_358 = arith.muli %get3A_352, %mul3A_357 : vector<16xi32>
      %shift_right_logical3A_359 = arith.constant 21 : i32
      %shift_right_logical3A_360 = vector.broadcast %shift_right_logical3A_359 : i32 to vector<16xi32>
      %shift_right_logical3A_361 = arith.shrui %mul3A_355, %shift_right_logical3A_360 : vector<16xi32>
      %add3A_362 = arith.addi %mul3A_358, %shift_right_logical3A_361 : vector<16xi32>
      %and3A_363 = arith.constant 2097151 : i32
      %and3A_364 = vector.broadcast %and3A_363 : i32 to vector<16xi32>
      %and3A_365 = arith.andi %mul3A_355, %and3A_364 : vector<16xi32>
      %xor3A_366 = arith.xori %xor3A_346, %add3A_362 : vector<16xi32>
      %xor3A_367 = arith.xori %xor3A_347, %and3A_365 : vector<16xi32>
      %ge3A_368 = arith.constant 2000000 : i32
      %ge3A_369 = vector.broadcast %ge3A_368 : i32 to vector<16xi32>
      %ge3A_370 = arith.cmpi sge, %xor3A_366, %ge3A_369 : vector<16xi32>
      %sub3A_371 = arith.constant 2000000 : i32
      %sub3A_372 = vector.broadcast %sub3A_371 : i32 to vector<16xi32>
      %sub3A_373 = arith.subi %xor3A_366, %sub3A_372 : vector<16xi32>
      %select_n3A_374 = arith.select %ge3A_370, %sub3A_373, %xor3A_366 : vector<16xi1>, vector<16xi32>
      %shift_right_logical3A_375 = arith.constant 11 : i32
      %shift_right_logical3A_376 = vector.broadcast %shift_right_logical3A_375 : i32 to vector<16xi32>
      %shift_right_logical3A_377 = arith.shrui %select_n3A_374, %shift_right_logical3A_376 : vector<16xi32>
      %mul3A_378 = arith.constant 967296 : i32
      %mul3A_379 = vector.broadcast %mul3A_378 : i32 to vector<16xi32>
      %mul3A_380 = arith.muli %shift_right_logical3A_377, %mul3A_379 : vector<16xi32>
      %and3A_381 = arith.constant 2047 : i32
      %and3A_382 = vector.broadcast %and3A_381 : i32 to vector<16xi32>
      %and3A_383 = arith.andi %select_n3A_374, %and3A_382 : vector<16xi32>
      %mul3A_384 = arith.constant 97152 : i32
      %mul3A_385 = vector.broadcast %mul3A_384 : i32 to vector<16xi32>
      %mul3A_386 = arith.muli %and3A_383, %mul3A_385 : vector<16xi32>
      %add3A_387 = arith.addi %mul3A_380, %mul3A_386 : vector<16xi32>
      %add3A_388 = arith.addi %add3A_387, %xor3A_367 : vector<16xi32>
      %convert_element_type3A_389 = arith.sitofp %add3A_388 : vector<16xi32> to vector<16xf32>
      %mul3A_390 = arith.constant 5.000000e-07 : f32
      %mul3A_391 = vector.broadcast %mul3A_390 : f32 to vector<16xf32>
      %mul3A_392 = arith.mulf %convert_element_type3A_389, %mul3A_391 : vector<16xf32>
      %convert_element_type3A_393 = arith.fptosi %mul3A_392 : vector<16xf32> to vector<16xi32>
      %mul3A_394 = arith.constant 2000000 : i32
      %mul3A_395 = vector.broadcast %mul3A_394 : i32 to vector<16xi32>
      %mul3A_396 = arith.muli %convert_element_type3A_393, %mul3A_395 : vector<16xi32>
      %sub3A_397 = arith.subi %add3A_388, %mul3A_396 : vector<16xi32>
      %lt3A_398 = arith.constant 0 : i32
      %lt3A_399 = vector.broadcast %lt3A_398 : i32 to vector<16xi32>
      %lt3A_400 = arith.cmpi slt, %sub3A_397, %lt3A_399 : vector<16xi32>
      %add3A_401 = arith.constant 2000000 : i32
      %add3A_402 = vector.broadcast %add3A_401 : i32 to vector<16xi32>
      %add3A_403 = arith.addi %sub3A_397, %add3A_402 : vector<16xi32>
      %select_n3A_404 = arith.select %lt3A_400, %add3A_403, %sub3A_397 : vector<16xi1>, vector<16xi32>
      %ge3A_405 = arith.constant 2000000 : i32
      %ge3A_406 = vector.broadcast %ge3A_405 : i32 to vector<16xi32>
      %ge3A_407 = arith.cmpi sge, %select_n3A_404, %ge3A_406 : vector<16xi32>
      %sub3A_408 = arith.constant 2000000 : i32
      %sub3A_409 = vector.broadcast %sub3A_408 : i32 to vector<16xi32>
      %sub3A_410 = arith.subi %select_n3A_404, %sub3A_409 : vector<16xi32>
      %select_n3A_411 = arith.select %ge3A_407, %sub3A_410, %select_n3A_404 : vector<16xi1>, vector<16xi32>
      %swap3A_412 = arith.constant 3 : i64
      %swap3A_413 = arith.index_cast %swap3A_412 : i64 to index
      %swap3A_414 = arith.index_cast %mul3A_46 : i32 to index
      %swap3A_415 = tpu.vector_load %arg14[%swap3A_413, %swap3A_414] {strides = array<i32>} : memref<4x1792xi32, #tpu.memory_space<vmem>>, vector<1x16xi32>,
      %swap3A_416 = vector.shape_cast %swap3A_415 : vector<1x16xi32> to vector<16xi32>
      %swap3A_417 = vector.shape_cast %select_n3A_411 : vector<16xi32> to vector<1x16xi32>
      tpu.vector_store %arg14[%swap3A_413, %swap3A_414], %swap3A_417 {strides = array<i32>} : memref<4x1792xi32, #tpu.memory_space<vmem>>, vector<1x16xi32>,
      %swap3A_418 = arith.constant 3 : i64
      %swap3A_419 = arith.index_cast %swap3A_418 : i64 to index
      %swap3A_420 = arith.index_cast %mul3A_46 : i32 to index
      %swap3A_421 = tpu.vector_load %arg15[%swap3A_419, %swap3A_420] {strides = array<i32>} : memref<4x1792xi32, #tpu.memory_space<vmem>>, vector<1x16xi32>,
      %swap3A_422 = vector.shape_cast %swap3A_421 : vector<1x16xi32> to vector<16xi32>
      %swap3A_423 = vector.shape_cast %select_n3A_411 : vector<16xi32> to vector<1x16xi32>
      tpu.vector_store %arg15[%swap3A_419, %swap3A_420], %swap3A_423 {strides = array<i32>} : memref<4x1792xi32, #tpu.memory_space<vmem>>, vector<1x16xi32>,
    }
    %while3A_11 = arith.constant 0 : i32
    %while3A_12 = arith.constant 0 : i32
    %while3A_13 = arith.constant 14 : i32
    %while3A_14 = arith.subi %while3A_13, %while3A_12 : i32
    %while3A_15 = arith.addi %while3A_12, %while3A_14 : i32
    %while3A_16 = arith.constant 1 : i32
    %while3A_17 = arith.divsi %while3A_14, %while3A_16 : i32
    %while3A_18 = arith.muli %while3A_17, %while3A_16 : i32
    %while3A_19 = arith.addi %while3A_12, %while3A_18 : i32
    %while3A_20 = arith.constant 1 : i32
    scf.for %while3A_44 = %while3A_12 to %while3A_19 step %while3A_20  : i32 {
      %mul3A_45 = arith.constant 128 : i32
      %mul3A_46 = arith.muli %while3A_44, %mul3A_45 : i32
      %mul3A_47 = arith.constant 128 : i32
      %mul3A_48 = arith.muli %while3A_44, %mul3A_47 : i32
      %dma_start3A = arith.constant 0 : i32
      %dma_start3A_49 = arith.constant 0 : i32
      %dma_start3A_50 = tpu.memref_slice %arg16[%dma_start3A_49, %mul3A_48] : memref<8x1792xf32, #tpu.memory_space<vmem>> -> memref<1x128xf32, #tpu.memory_space<vmem>>
      %dma_start3A_51 = tpu.memref_squeeze %dma_start3A_50 : memref<1x128xf32, #tpu.memory_space<vmem>> -> memref<128xf32, #tpu.memory_space<vmem>>
      %dma_start3A_52 = tpu.memref_slice %arg15[%dma_start3A, %mul3A_46] : memref<4x1792xi32, #tpu.memory_space<vmem>> -> memref<1x128xi32, #tpu.memory_space<vmem>>
      %dma_start3A_53 = tpu.memref_squeeze %dma_start3A_52 : memref<1x128xi32, #tpu.memory_space<vmem>> -> memref<128xi32, #tpu.memory_space<vmem>>
      %dma_start3A_54 = arith.constant 0 : i32
      %dma_start3A_55 = tpu.memref_slice %arg3[%dma_start3A_54] : memref<2000000xf32, #tpu.memory_space<hbm>> -> memref<2000000xf32, #tpu.memory_space<hbm>>
      tpu.enqueue_indirect_dma source(%dma_start3A_55 : memref<2000000xf32, #tpu.memory_space<hbm>>) target(%dma_start3A_51 : memref<128xf32, #tpu.memory_space<vmem>>) offsets(%dma_start3A_53 : memref<128xi32, #tpu.memory_space<vmem>>) semaphore(%arg18 : memref<!tpu.dma_semaphore, #tpu.memory_space<semaphore_mem>>)
      %mul3A_56 = arith.constant 128 : i32
      %mul3A_57 = arith.muli %while3A_44, %mul3A_56 : i32
      %mul3A_58 = arith.constant 128 : i32
      %mul3A_59 = arith.muli %while3A_44, %mul3A_58 : i32
      %dma_start3A_60 = arith.constant 0 : i32
      %dma_start3A_61 = arith.constant 1 : i32
      %dma_start3A_62 = tpu.memref_slice %arg16[%dma_start3A_61, %mul3A_59] : memref<8x1792xf32, #tpu.memory_space<vmem>> -> memref<1x128xf32, #tpu.memory_space<vmem>>
      %dma_start3A_63 = tpu.memref_squeeze %dma_start3A_62 : memref<1x128xf32, #tpu.memory_space<vmem>> -> memref<128xf32, #tpu.memory_space<vmem>>
      %dma_start3A_64 = tpu.memref_slice %arg15[%dma_start3A_60, %mul3A_57] : memref<4x1792xi32, #tpu.memory_space<vmem>> -> memref<1x128xi32, #tpu.memory_space<vmem>>
      %dma_start3A_65 = tpu.memref_squeeze %dma_start3A_64 : memref<1x128xi32, #tpu.memory_space<vmem>> -> memref<128xi32, #tpu.memory_space<vmem>>
      %dma_start3A_66 = arith.constant 0 : i32
      %dma_start3A_67 = tpu.memref_slice %arg4[%dma_start3A_66] : memref<2000000xf32, #tpu.memory_space<hbm>> -> memref<2000000xf32, #tpu.memory_space<hbm>>
      tpu.enqueue_indirect_dma source(%dma_start3A_67 : memref<2000000xf32, #tpu.memory_space<hbm>>) target(%dma_start3A_63 : memref<128xf32, #tpu.memory_space<vmem>>) offsets(%dma_start3A_65 : memref<128xi32, #tpu.memory_space<vmem>>) semaphore(%arg18 : memref<!tpu.dma_semaphore, #tpu.memory_space<semaphore_mem>>)
      %mul3A_68 = arith.constant 128 : i32
      %mul3A_69 = arith.muli %while3A_44, %mul3A_68 : i32
      %mul3A_70 = arith.constant 128 : i32
      %mul3A_71 = arith.muli %while3A_44, %mul3A_70 : i32
      %dma_start3A_72 = arith.constant 1 : i32
      %dma_start3A_73 = arith.constant 2 : i32
      %dma_start3A_74 = tpu.memref_slice %arg16[%dma_start3A_73, %mul3A_71] : memref<8x1792xf32, #tpu.memory_space<vmem>> -> memref<1x128xf32, #tpu.memory_space<vmem>>
      %dma_start3A_75 = tpu.memref_squeeze %dma_start3A_74 : memref<1x128xf32, #tpu.memory_space<vmem>> -> memref<128xf32, #tpu.memory_space<vmem>>
      %dma_start3A_76 = tpu.memref_slice %arg15[%dma_start3A_72, %mul3A_69] : memref<4x1792xi32, #tpu.memory_space<vmem>> -> memref<1x128xi32, #tpu.memory_space<vmem>>
      %dma_start3A_77 = tpu.memref_squeeze %dma_start3A_76 : memref<1x128xi32, #tpu.memory_space<vmem>> -> memref<128xi32, #tpu.memory_space<vmem>>
      %dma_start3A_78 = arith.constant 0 : i32
      %dma_start3A_79 = tpu.memref_slice %arg5[%dma_start3A_78] : memref<2000000xf32, #tpu.memory_space<hbm>> -> memref<2000000xf32, #tpu.memory_space<hbm>>
      tpu.enqueue_indirect_dma source(%dma_start3A_79 : memref<2000000xf32, #tpu.memory_space<hbm>>) target(%dma_start3A_75 : memref<128xf32, #tpu.memory_space<vmem>>) offsets(%dma_start3A_77 : memref<128xi32, #tpu.memory_space<vmem>>) semaphore(%arg18 : memref<!tpu.dma_semaphore, #tpu.memory_space<semaphore_mem>>)
      %mul3A_80 = arith.constant 128 : i32
      %mul3A_81 = arith.muli %while3A_44, %mul3A_80 : i32
      %mul3A_82 = arith.constant 128 : i32
      %mul3A_83 = arith.muli %while3A_44, %mul3A_82 : i32
      %dma_start3A_84 = arith.constant 1 : i32
      %dma_start3A_85 = arith.constant 3 : i32
      %dma_start3A_86 = tpu.memref_slice %arg16[%dma_start3A_85, %mul3A_83] : memref<8x1792xf32, #tpu.memory_space<vmem>> -> memref<1x128xf32, #tpu.memory_space<vmem>>
      %dma_start3A_87 = tpu.memref_squeeze %dma_start3A_86 : memref<1x128xf32, #tpu.memory_space<vmem>> -> memref<128xf32, #tpu.memory_space<vmem>>
      %dma_start3A_88 = tpu.memref_slice %arg15[%dma_start3A_84, %mul3A_81] : memref<4x1792xi32, #tpu.memory_space<vmem>> -> memref<1x128xi32, #tpu.memory_space<vmem>>
      %dma_start3A_89 = tpu.memref_squeeze %dma_start3A_88 : memref<1x128xi32, #tpu.memory_space<vmem>> -> memref<128xi32, #tpu.memory_space<vmem>>
      %dma_start3A_90 = arith.constant 0 : i32
      %dma_start3A_91 = tpu.memref_slice %arg6[%dma_start3A_90] : memref<2000000xf32, #tpu.memory_space<hbm>> -> memref<2000000xf32, #tpu.memory_space<hbm>>
      tpu.enqueue_indirect_dma source(%dma_start3A_91 : memref<2000000xf32, #tpu.memory_space<hbm>>) target(%dma_start3A_87 : memref<128xf32, #tpu.memory_space<vmem>>) offsets(%dma_start3A_89 : memref<128xi32, #tpu.memory_space<vmem>>) semaphore(%arg18 : memref<!tpu.dma_semaphore, #tpu.memory_space<semaphore_mem>>)
      %dma_wait3A = arith.constant 0 : i32
      %dma_wait3A_92 = arith.constant 0 : i32
      %dma_wait3A_93 = tpu.memref_slice %arg16[%dma_wait3A_92, %mul3A_48] : memref<8x1792xf32, #tpu.memory_space<vmem>> -> memref<1x128xf32, #tpu.memory_space<vmem>>
      %dma_wait3A_94 = tpu.memref_squeeze %dma_wait3A_93 : memref<1x128xf32, #tpu.memory_space<vmem>> -> memref<128xf32, #tpu.memory_space<vmem>>
      %dma_wait3A_95 = tpu.memref_slice %arg15[%dma_wait3A, %mul3A_46] : memref<4x1792xi32, #tpu.memory_space<vmem>> -> memref<1x128xi32, #tpu.memory_space<vmem>>
      %dma_wait3A_96 = tpu.memref_squeeze %dma_wait3A_95 : memref<1x128xi32, #tpu.memory_space<vmem>> -> memref<128xi32, #tpu.memory_space<vmem>>
      %dma_wait3A_97 = arith.constant 0 : i32
      %dma_wait3A_98 = tpu.memref_slice %arg3[%dma_wait3A_97] : memref<2000000xf32, #tpu.memory_space<hbm>> -> memref<2000000xf32, #tpu.memory_space<hbm>>
      tpu.wait_indirect_dma semaphore(%arg18 : memref<!tpu.dma_semaphore, #tpu.memory_space<semaphore_mem>>) src(%dma_wait3A_98 : memref<2000000xf32, #tpu.memory_space<hbm>>) dst(%dma_wait3A_94 : memref<128xf32, #tpu.memory_space<vmem>>)
      %dma_wait3A_99 = arith.constant 0 : i32
      %dma_wait3A_100 = arith.constant 1 : i32
      %dma_wait3A_101 = tpu.memref_slice %arg16[%dma_wait3A_100, %mul3A_59] : memref<8x1792xf32, #tpu.memory_space<vmem>> -> memref<1x128xf32, #tpu.memory_space<vmem>>
      %dma_wait3A_102 = tpu.memref_squeeze %dma_wait3A_101 : memref<1x128xf32, #tpu.memory_space<vmem>> -> memref<128xf32, #tpu.memory_space<vmem>>
      %dma_wait3A_103 = tpu.memref_slice %arg15[%dma_wait3A_99, %mul3A_57] : memref<4x1792xi32, #tpu.memory_space<vmem>> -> memref<1x128xi32, #tpu.memory_space<vmem>>
      %dma_wait3A_104 = tpu.memref_squeeze %dma_wait3A_103 : memref<1x128xi32, #tpu.memory_space<vmem>> -> memref<128xi32, #tpu.memory_space<vmem>>
      %dma_wait3A_105 = arith.constant 0 : i32
      %dma_wait3A_106 = tpu.memref_slice %arg4[%dma_wait3A_105] : memref<2000000xf32, #tpu.memory_space<hbm>> -> memref<2000000xf32, #tpu.memory_space<hbm>>
      tpu.wait_indirect_dma semaphore(%arg18 : memref<!tpu.dma_semaphore, #tpu.memory_space<semaphore_mem>>) src(%dma_wait3A_106 : memref<2000000xf32, #tpu.memory_space<hbm>>) dst(%dma_wait3A_102 : memref<128xf32, #tpu.memory_space<vmem>>)
      %dma_wait3A_107 = arith.constant 1 : i32
      %dma_wait3A_108 = arith.constant 2 : i32
      %dma_wait3A_109 = tpu.memref_slice %arg16[%dma_wait3A_108, %mul3A_71] : memref<8x1792xf32, #tpu.memory_space<vmem>> -> memref<1x128xf32, #tpu.memory_space<vmem>>
      %dma_wait3A_110 = tpu.memref_squeeze %dma_wait3A_109 : memref<1x128xf32, #tpu.memory_space<vmem>> -> memref<128xf32, #tpu.memory_space<vmem>>
      %dma_wait3A_111 = tpu.memref_slice %arg15[%dma_wait3A_107, %mul3A_69] : memref<4x1792xi32, #tpu.memory_space<vmem>> -> memref<1x128xi32, #tpu.memory_space<vmem>>
      %dma_wait3A_112 = tpu.memref_squeeze %dma_wait3A_111 : memref<1x128xi32, #tpu.memory_space<vmem>> -> memref<128xi32, #tpu.memory_space<vmem>>
      %dma_wait3A_113 = arith.constant 0 : i32
      %dma_wait3A_114 = tpu.memref_slice %arg5[%dma_wait3A_113] : memref<2000000xf32, #tpu.memory_space<hbm>> -> memref<2000000xf32, #tpu.memory_space<hbm>>
      tpu.wait_indirect_dma semaphore(%arg18 : memref<!tpu.dma_semaphore, #tpu.memory_space<semaphore_mem>>) src(%dma_wait3A_114 : memref<2000000xf32, #tpu.memory_space<hbm>>) dst(%dma_wait3A_110 : memref<128xf32, #tpu.memory_space<vmem>>)
      %dma_wait3A_115 = arith.constant 1 : i32
      %dma_wait3A_116 = arith.constant 3 : i32
      %dma_wait3A_117 = tpu.memref_slice %arg16[%dma_wait3A_116, %mul3A_83] : memref<8x1792xf32, #tpu.memory_space<vmem>> -> memref<1x128xf32, #tpu.memory_space<vmem>>
      %dma_wait3A_118 = tpu.memref_squeeze %dma_wait3A_117 : memref<1x128xf32, #tpu.memory_space<vmem>> -> memref<128xf32, #tpu.memory_space<vmem>>
      %dma_wait3A_119 = tpu.memref_slice %arg15[%dma_wait3A_115, %mul3A_81] : memref<4x1792xi32, #tpu.memory_space<vmem>> -> memref<1x128xi32, #tpu.memory_space<vmem>>
      %dma_wait3A_120 = tpu.memref_squeeze %dma_wait3A_119 : memref<1x128xi32, #tpu.memory_space<vmem>> -> memref<128xi32, #tpu.memory_space<vmem>>
      %dma_wait3A_121 = arith.constant 0 : i32
      %dma_wait3A_122 = tpu.memref_slice %arg6[%dma_wait3A_121] : memref<2000000xf32, #tpu.memory_space<hbm>> -> memref<2000000xf32, #tpu.memory_space<hbm>>
      tpu.wait_indirect_dma semaphore(%arg18 : memref<!tpu.dma_semaphore, #tpu.memory_space<semaphore_mem>>) src(%dma_wait3A_122 : memref<2000000xf32, #tpu.memory_space<hbm>>) dst(%dma_wait3A_118 : memref<128xf32, #tpu.memory_space<vmem>>)
    }
    %while3A_21 = arith.constant 1 : i32
    scf.for %while3A_44 = %while3A_19 to %while3A_15 step %while3A_21  : i32 {
      %mul3A_45 = arith.constant 128 : i32
      %mul3A_46 = arith.muli %while3A_44, %mul3A_45 : i32
      %mul3A_47 = arith.constant 128 : i32
      %mul3A_48 = arith.muli %while3A_44, %mul3A_47 : i32
      %dma_start3A = arith.constant 0 : i32
      %dma_start3A_49 = arith.constant 0 : i32
      %dma_start3A_50 = tpu.memref_slice %arg16[%dma_start3A_49, %mul3A_48] : memref<8x1792xf32, #tpu.memory_space<vmem>> -> memref<1x128xf32, #tpu.memory_space<vmem>>
      %dma_start3A_51 = tpu.memref_squeeze %dma_start3A_50 : memref<1x128xf32, #tpu.memory_space<vmem>> -> memref<128xf32, #tpu.memory_space<vmem>>
      %dma_start3A_52 = tpu.memref_slice %arg15[%dma_start3A, %mul3A_46] : memref<4x1792xi32, #tpu.memory_space<vmem>> -> memref<1x128xi32, #tpu.memory_space<vmem>>
      %dma_start3A_53 = tpu.memref_squeeze %dma_start3A_52 : memref<1x128xi32, #tpu.memory_space<vmem>> -> memref<128xi32, #tpu.memory_space<vmem>>
      %dma_start3A_54 = arith.constant 0 : i32
      %dma_start3A_55 = tpu.memref_slice %arg3[%dma_start3A_54] : memref<2000000xf32, #tpu.memory_space<hbm>> -> memref<2000000xf32, #tpu.memory_space<hbm>>
      tpu.enqueue_indirect_dma source(%dma_start3A_55 : memref<2000000xf32, #tpu.memory_space<hbm>>) target(%dma_start3A_51 : memref<128xf32, #tpu.memory_space<vmem>>) offsets(%dma_start3A_53 : memref<128xi32, #tpu.memory_space<vmem>>) semaphore(%arg18 : memref<!tpu.dma_semaphore, #tpu.memory_space<semaphore_mem>>)
      %mul3A_56 = arith.constant 128 : i32
      %mul3A_57 = arith.muli %while3A_44, %mul3A_56 : i32
      %mul3A_58 = arith.constant 128 : i32
      %mul3A_59 = arith.muli %while3A_44, %mul3A_58 : i32
      %dma_start3A_60 = arith.constant 0 : i32
      %dma_start3A_61 = arith.constant 1 : i32
      %dma_start3A_62 = tpu.memref_slice %arg16[%dma_start3A_61, %mul3A_59] : memref<8x1792xf32, #tpu.memory_space<vmem>> -> memref<1x128xf32, #tpu.memory_space<vmem>>
      %dma_start3A_63 = tpu.memref_squeeze %dma_start3A_62 : memref<1x128xf32, #tpu.memory_space<vmem>> -> memref<128xf32, #tpu.memory_space<vmem>>
      %dma_start3A_64 = tpu.memref_slice %arg15[%dma_start3A_60, %mul3A_57] : memref<4x1792xi32, #tpu.memory_space<vmem>> -> memref<1x128xi32, #tpu.memory_space<vmem>>
      %dma_start3A_65 = tpu.memref_squeeze %dma_start3A_64 : memref<1x128xi32, #tpu.memory_space<vmem>> -> memref<128xi32, #tpu.memory_space<vmem>>
      %dma_start3A_66 = arith.constant 0 : i32
      %dma_start3A_67 = tpu.memref_slice %arg4[%dma_start3A_66] : memref<2000000xf32, #tpu.memory_space<hbm>> -> memref<2000000xf32, #tpu.memory_space<hbm>>
      tpu.enqueue_indirect_dma source(%dma_start3A_67 : memref<2000000xf32, #tpu.memory_space<hbm>>) target(%dma_start3A_63 : memref<128xf32, #tpu.memory_space<vmem>>) offsets(%dma_start3A_65 : memref<128xi32, #tpu.memory_space<vmem>>) semaphore(%arg18 : memref<!tpu.dma_semaphore, #tpu.memory_space<semaphore_mem>>)
      %mul3A_68 = arith.constant 128 : i32
      %mul3A_69 = arith.muli %while3A_44, %mul3A_68 : i32
      %mul3A_70 = arith.constant 128 : i32
      %mul3A_71 = arith.muli %while3A_44, %mul3A_70 : i32
      %dma_start3A_72 = arith.constant 1 : i32
      %dma_start3A_73 = arith.constant 2 : i32
      %dma_start3A_74 = tpu.memref_slice %arg16[%dma_start3A_73, %mul3A_71] : memref<8x1792xf32, #tpu.memory_space<vmem>> -> memref<1x128xf32, #tpu.memory_space<vmem>>
      %dma_start3A_75 = tpu.memref_squeeze %dma_start3A_74 : memref<1x128xf32, #tpu.memory_space<vmem>> -> memref<128xf32, #tpu.memory_space<vmem>>
      %dma_start3A_76 = tpu.memref_slice %arg15[%dma_start3A_72, %mul3A_69] : memref<4x1792xi32, #tpu.memory_space<vmem>> -> memref<1x128xi32, #tpu.memory_space<vmem>>
      %dma_start3A_77 = tpu.memref_squeeze %dma_start3A_76 : memref<1x128xi32, #tpu.memory_space<vmem>> -> memref<128xi32, #tpu.memory_space<vmem>>
      %dma_start3A_78 = arith.constant 0 : i32
      %dma_start3A_79 = tpu.memref_slice %arg5[%dma_start3A_78] : memref<2000000xf32, #tpu.memory_space<hbm>> -> memref<2000000xf32, #tpu.memory_space<hbm>>
      tpu.enqueue_indirect_dma source(%dma_start3A_79 : memref<2000000xf32, #tpu.memory_space<hbm>>) target(%dma_start3A_75 : memref<128xf32, #tpu.memory_space<vmem>>) offsets(%dma_start3A_77 : memref<128xi32, #tpu.memory_space<vmem>>) semaphore(%arg18 : memref<!tpu.dma_semaphore, #tpu.memory_space<semaphore_mem>>)
      %mul3A_80 = arith.constant 128 : i32
      %mul3A_81 = arith.muli %while3A_44, %mul3A_80 : i32
      %mul3A_82 = arith.constant 128 : i32
      %mul3A_83 = arith.muli %while3A_44, %mul3A_82 : i32
      %dma_start3A_84 = arith.constant 1 : i32
      %dma_start3A_85 = arith.constant 3 : i32
      %dma_start3A_86 = tpu.memref_slice %arg16[%dma_start3A_85, %mul3A_83] : memref<8x1792xf32, #tpu.memory_space<vmem>> -> memref<1x128xf32, #tpu.memory_space<vmem>>
      %dma_start3A_87 = tpu.memref_squeeze %dma_start3A_86 : memref<1x128xf32, #tpu.memory_space<vmem>> -> memref<128xf32, #tpu.memory_space<vmem>>
      %dma_start3A_88 = tpu.memref_slice %arg15[%dma_start3A_84, %mul3A_81] : memref<4x1792xi32, #tpu.memory_space<vmem>> -> memref<1x128xi32, #tpu.memory_space<vmem>>
      %dma_start3A_89 = tpu.memref_squeeze %dma_start3A_88 : memref<1x128xi32, #tpu.memory_space<vmem>> -> memref<128xi32, #tpu.memory_space<vmem>>
      %dma_start3A_90 = arith.constant 0 : i32
      %dma_start3A_91 = tpu.memref_slice %arg6[%dma_start3A_90] : memref<2000000xf32, #tpu.memory_space<hbm>> -> memref<2000000xf32, #tpu.memory_space<hbm>>
      tpu.enqueue_indirect_dma source(%dma_start3A_91 : memref<2000000xf32, #tpu.memory_space<hbm>>) target(%dma_start3A_87 : memref<128xf32, #tpu.memory_space<vmem>>) offsets(%dma_start3A_89 : memref<128xi32, #tpu.memory_space<vmem>>) semaphore(%arg18 : memref<!tpu.dma_semaphore, #tpu.memory_space<semaphore_mem>>)
      %dma_wait3A = arith.constant 0 : i32
      %dma_wait3A_92 = arith.constant 0 : i32
      %dma_wait3A_93 = tpu.memref_slice %arg16[%dma_wait3A_92, %mul3A_48] : memref<8x1792xf32, #tpu.memory_space<vmem>> -> memref<1x128xf32, #tpu.memory_space<vmem>>
      %dma_wait3A_94 = tpu.memref_squeeze %dma_wait3A_93 : memref<1x128xf32, #tpu.memory_space<vmem>> -> memref<128xf32, #tpu.memory_space<vmem>>
      %dma_wait3A_95 = tpu.memref_slice %arg15[%dma_wait3A, %mul3A_46] : memref<4x1792xi32, #tpu.memory_space<vmem>> -> memref<1x128xi32, #tpu.memory_space<vmem>>
      %dma_wait3A_96 = tpu.memref_squeeze %dma_wait3A_95 : memref<1x128xi32, #tpu.memory_space<vmem>> -> memref<128xi32, #tpu.memory_space<vmem>>
      %dma_wait3A_97 = arith.constant 0 : i32
      %dma_wait3A_98 = tpu.memref_slice %arg3[%dma_wait3A_97] : memref<2000000xf32, #tpu.memory_space<hbm>> -> memref<2000000xf32, #tpu.memory_space<hbm>>
      tpu.wait_indirect_dma semaphore(%arg18 : memref<!tpu.dma_semaphore, #tpu.memory_space<semaphore_mem>>) src(%dma_wait3A_98 : memref<2000000xf32, #tpu.memory_space<hbm>>) dst(%dma_wait3A_94 : memref<128xf32, #tpu.memory_space<vmem>>)
      %dma_wait3A_99 = arith.constant 0 : i32
      %dma_wait3A_100 = arith.constant 1 : i32
      %dma_wait3A_101 = tpu.memref_slice %arg16[%dma_wait3A_100, %mul3A_59] : memref<8x1792xf32, #tpu.memory_space<vmem>> -> memref<1x128xf32, #tpu.memory_space<vmem>>
      %dma_wait3A_102 = tpu.memref_squeeze %dma_wait3A_101 : memref<1x128xf32, #tpu.memory_space<vmem>> -> memref<128xf32, #tpu.memory_space<vmem>>
      %dma_wait3A_103 = tpu.memref_slice %arg15[%dma_wait3A_99, %mul3A_57] : memref<4x1792xi32, #tpu.memory_space<vmem>> -> memref<1x128xi32, #tpu.memory_space<vmem>>
      %dma_wait3A_104 = tpu.memref_squeeze %dma_wait3A_103 : memref<1x128xi32, #tpu.memory_space<vmem>> -> memref<128xi32, #tpu.memory_space<vmem>>
      %dma_wait3A_105 = arith.constant 0 : i32
      %dma_wait3A_106 = tpu.memref_slice %arg4[%dma_wait3A_105] : memref<2000000xf32, #tpu.memory_space<hbm>> -> memref<2000000xf32, #tpu.memory_space<hbm>>
      tpu.wait_indirect_dma semaphore(%arg18 : memref<!tpu.dma_semaphore, #tpu.memory_space<semaphore_mem>>) src(%dma_wait3A_106 : memref<2000000xf32, #tpu.memory_space<hbm>>) dst(%dma_wait3A_102 : memref<128xf32, #tpu.memory_space<vmem>>)
      %dma_wait3A_107 = arith.constant 1 : i32
      %dma_wait3A_108 = arith.constant 2 : i32
      %dma_wait3A_109 = tpu.memref_slice %arg16[%dma_wait3A_108, %mul3A_71] : memref<8x1792xf32, #tpu.memory_space<vmem>> -> memref<1x128xf32, #tpu.memory_space<vmem>>
      %dma_wait3A_110 = tpu.memref_squeeze %dma_wait3A_109 : memref<1x128xf32, #tpu.memory_space<vmem>> -> memref<128xf32, #tpu.memory_space<vmem>>
      %dma_wait3A_111 = tpu.memref_slice %arg15[%dma_wait3A_107, %mul3A_69] : memref<4x1792xi32, #tpu.memory_space<vmem>> -> memref<1x128xi32, #tpu.memory_space<vmem>>
      %dma_wait3A_112 = tpu.memref_squeeze %dma_wait3A_111 : memref<1x128xi32, #tpu.memory_space<vmem>> -> memref<128xi32, #tpu.memory_space<vmem>>
      %dma_wait3A_113 = arith.constant 0 : i32
      %dma_wait3A_114 = tpu.memref_slice %arg5[%dma_wait3A_113] : memref<2000000xf32, #tpu.memory_space<hbm>> -> memref<2000000xf32, #tpu.memory_space<hbm>>
      tpu.wait_indirect_dma semaphore(%arg18 : memref<!tpu.dma_semaphore, #tpu.memory_space<semaphore_mem>>) src(%dma_wait3A_114 : memref<2000000xf32, #tpu.memory_space<hbm>>) dst(%dma_wait3A_110 : memref<128xf32, #tpu.memory_space<vmem>>)
      %dma_wait3A_115 = arith.constant 1 : i32
      %dma_wait3A_116 = arith.constant 3 : i32
      %dma_wait3A_117 = tpu.memref_slice %arg16[%dma_wait3A_116, %mul3A_83] : memref<8x1792xf32, #tpu.memory_space<vmem>> -> memref<1x128xf32, #tpu.memory_space<vmem>>
      %dma_wait3A_118 = tpu.memref_squeeze %dma_wait3A_117 : memref<1x128xf32, #tpu.memory_space<vmem>> -> memref<128xf32, #tpu.memory_space<vmem>>
      %dma_wait3A_119 = tpu.memref_slice %arg15[%dma_wait3A_115, %mul3A_81] : memref<4x1792xi32, #tpu.memory_space<vmem>> -> memref<1x128xi32, #tpu.memory_space<vmem>>
      %dma_wait3A_120 = tpu.memref_squeeze %dma_wait3A_119 : memref<1x128xi32, #tpu.memory_space<vmem>> -> memref<128xi32, #tpu.memory_space<vmem>>
      %dma_wait3A_121 = arith.constant 0 : i32
      %dma_wait3A_122 = tpu.memref_slice %arg6[%dma_wait3A_121] : memref<2000000xf32, #tpu.memory_space<hbm>> -> memref<2000000xf32, #tpu.memory_space<hbm>>
      tpu.wait_indirect_dma semaphore(%arg18 : memref<!tpu.dma_semaphore, #tpu.memory_space<semaphore_mem>>) src(%dma_wait3A_122 : memref<2000000xf32, #tpu.memory_space<hbm>>) dst(%dma_wait3A_118 : memref<128xf32, #tpu.memory_space<vmem>>)
    }
    %while3A_22 = arith.constant 0 : i32
    %while3A_23 = arith.constant 0 : i32
    %while3A_24 = arith.constant 112 : i32
    %while3A_25 = arith.subi %while3A_24, %while3A_23 : i32
    %while3A_26 = arith.addi %while3A_23, %while3A_25 : i32
    %while3A_27 = arith.constant 1 : i32
    %while3A_28 = arith.divsi %while3A_25, %while3A_27 : i32
    %while3A_29 = arith.muli %while3A_28, %while3A_27 : i32
    %while3A_30 = arith.addi %while3A_23, %while3A_29 : i32
    %while3A_31 = arith.constant 1 : i32
    scf.for %while3A_44 = %while3A_23 to %while3A_30 step %while3A_31  : i32 {
      %mul3A_45 = arith.constant 16 : i32
      %mul3A_46 = arith.muli %while3A_44, %mul3A_45 : i32
      %get3A = arith.constant 0 : i64
      %get3A_47 = arith.index_cast %get3A : i64 to index
      %get3A_48 = arith.index_cast %mul3A_46 : i32 to index
      %get3A_49 = tpu.vector_load %arg16[%get3A_47, %get3A_48] {strides = array<i32>} : memref<8x1792xf32, #tpu.memory_space<vmem>>, vector<1x16xf32>,
      %get3A_50 = vector.shape_cast %get3A_49 : vector<1x16xf32> to vector<16xf32>
      %get3A_51 = arith.constant 1 : i64
      %get3A_52 = arith.index_cast %get3A_51 : i64 to index
      %get3A_53 = arith.index_cast %mul3A_46 : i32 to index
      %get3A_54 = tpu.vector_load %arg16[%get3A_52, %get3A_53] {strides = array<i32>} : memref<8x1792xf32, #tpu.memory_space<vmem>>, vector<1x16xf32>,
      %get3A_55 = vector.shape_cast %get3A_54 : vector<1x16xf32> to vector<16xf32>
      %get3A_56 = arith.constant 2 : i64
      %get3A_57 = arith.index_cast %get3A_56 : i64 to index
      %get3A_58 = arith.index_cast %mul3A_46 : i32 to index
      %get3A_59 = tpu.vector_load %arg16[%get3A_57, %get3A_58] {strides = array<i32>} : memref<8x1792xf32, #tpu.memory_space<vmem>>, vector<1x16xf32>,
      %get3A_60 = vector.shape_cast %get3A_59 : vector<1x16xf32> to vector<16xf32>
      %get3A_61 = arith.constant 3 : i64
      %get3A_62 = arith.index_cast %get3A_61 : i64 to index
      %get3A_63 = arith.index_cast %mul3A_46 : i32 to index
      %get3A_64 = tpu.vector_load %arg16[%get3A_62, %get3A_63] {strides = array<i32>} : memref<8x1792xf32, #tpu.memory_space<vmem>>, vector<1x16xf32>,
      %get3A_65 = vector.shape_cast %get3A_64 : vector<1x16xf32> to vector<16xf32>
      %bitcast_convert_type3A = tpu.bitcast %get3A_50 : vector<16xf32> -> vector<16xi32>
      %add3A_66 = arith.constant 32767 : i32
      %add3A_67 = vector.broadcast %add3A_66 : i32 to vector<16xi32>
      %add3A_68 = arith.addi %bitcast_convert_type3A, %add3A_67 : vector<16xi32>
      %shift_right_logical3A = arith.constant 16 : i32
      %shift_right_logical3A_69 = vector.broadcast %shift_right_logical3A : i32 to vector<16xi32>
      %shift_right_logical3A_70 = arith.shrui %bitcast_convert_type3A, %shift_right_logical3A_69 : vector<16xi32>
      %and3A = arith.constant 1 : i32
      %and3A_71 = vector.broadcast %and3A : i32 to vector<16xi32>
      %and3A_72 = arith.andi %shift_right_logical3A_70, %and3A_71 : vector<16xi32>
      %add3A_73 = arith.addi %add3A_68, %and3A_72 : vector<16xi32>
      %and3A_74 = arith.constant -65536 : i32
      %and3A_75 = vector.broadcast %and3A_74 : i32 to vector<16xi32>
      %and3A_76 = arith.andi %add3A_73, %and3A_75 : vector<16xi32>
      %bitcast_convert_type3A_77 = tpu.bitcast %and3A_76 : vector<16xi32> -> vector<16xf32>
      %bitcast_convert_type3A_78 = tpu.bitcast %get3A_55 : vector<16xf32> -> vector<16xi32>
      %add3A_79 = arith.constant 32767 : i32
      %add3A_80 = vector.broadcast %add3A_79 : i32 to vector<16xi32>
      %add3A_81 = arith.addi %bitcast_convert_type3A_78, %add3A_80 : vector<16xi32>
      %shift_right_logical3A_82 = arith.constant 16 : i32
      %shift_right_logical3A_83 = vector.broadcast %shift_right_logical3A_82 : i32 to vector<16xi32>
      %shift_right_logical3A_84 = arith.shrui %bitcast_convert_type3A_78, %shift_right_logical3A_83 : vector<16xi32>
      %and3A_85 = arith.constant 1 : i32
      %and3A_86 = vector.broadcast %and3A_85 : i32 to vector<16xi32>
      %and3A_87 = arith.andi %shift_right_logical3A_84, %and3A_86 : vector<16xi32>
      %add3A_88 = arith.addi %add3A_81, %and3A_87 : vector<16xi32>
      %and3A_89 = arith.constant -65536 : i32
      %and3A_90 = vector.broadcast %and3A_89 : i32 to vector<16xi32>
      %and3A_91 = arith.andi %add3A_88, %and3A_90 : vector<16xi32>
      %bitcast_convert_type3A_92 = tpu.bitcast %and3A_91 : vector<16xi32> -> vector<16xf32>
      %bitcast_convert_type3A_93 = tpu.bitcast %get3A_60 : vector<16xf32> -> vector<16xi32>
      %add3A_94 = arith.constant 32767 : i32
      %add3A_95 = vector.broadcast %add3A_94 : i32 to vector<16xi32>
      %add3A_96 = arith.addi %bitcast_convert_type3A_93, %add3A_95 : vector<16xi32>
      %shift_right_logical3A_97 = arith.constant 16 : i32
      %shift_right_logical3A_98 = vector.broadcast %shift_right_logical3A_97 : i32 to vector<16xi32>
      %shift_right_logical3A_99 = arith.shrui %bitcast_convert_type3A_93, %shift_right_logical3A_98 : vector<16xi32>
      %and3A_100 = arith.constant 1 : i32
      %and3A_101 = vector.broadcast %and3A_100 : i32 to vector<16xi32>
      %and3A_102 = arith.andi %shift_right_logical3A_99, %and3A_101 : vector<16xi32>
      %add3A_103 = arith.addi %add3A_96, %and3A_102 : vector<16xi32>
      %and3A_104 = arith.constant -65536 : i32
      %and3A_105 = vector.broadcast %and3A_104 : i32 to vector<16xi32>
      %and3A_106 = arith.andi %add3A_103, %and3A_105 : vector<16xi32>
      %bitcast_convert_type3A_107 = tpu.bitcast %and3A_106 : vector<16xi32> -> vector<16xf32>
      %bitcast_convert_type3A_108 = tpu.bitcast %get3A_65 : vector<16xf32> -> vector<16xi32>
      %add3A_109 = arith.constant 32767 : i32
      %add3A_110 = vector.broadcast %add3A_109 : i32 to vector<16xi32>
      %add3A_111 = arith.addi %bitcast_convert_type3A_108, %add3A_110 : vector<16xi32>
      %shift_right_logical3A_112 = arith.constant 16 : i32
      %shift_right_logical3A_113 = vector.broadcast %shift_right_logical3A_112 : i32 to vector<16xi32>
      %shift_right_logical3A_114 = arith.shrui %bitcast_convert_type3A_108, %shift_right_logical3A_113 : vector<16xi32>
      %and3A_115 = arith.constant 1 : i32
      %and3A_116 = vector.broadcast %and3A_115 : i32 to vector<16xi32>
      %and3A_117 = arith.andi %shift_right_logical3A_114, %and3A_116 : vector<16xi32>
      %add3A_118 = arith.addi %add3A_111, %and3A_117 : vector<16xi32>
      %and3A_119 = arith.constant -65536 : i32
      %and3A_120 = vector.broadcast %and3A_119 : i32 to vector<16xi32>
      %and3A_121 = arith.andi %add3A_118, %and3A_120 : vector<16xi32>
      %bitcast_convert_type3A_122 = tpu.bitcast %and3A_121 : vector<16xi32> -> vector<16xf32>
      %broadcast_in_dim3A = arith.constant 0 : i32
      %broadcast_in_dim3A_123 = vector.broadcast %broadcast_in_dim3A : i32 to vector<16xi32>
      %get3A_124 = arith.constant 0 : i64
      %get3A_125 = arith.index_cast %get3A_124 : i64 to index
      %get3A_126 = arith.constant 0 : index
      %get3A_127 = tpu.vector_load %arg17[%get3A_125, %get3A_126] {strides = array<i32>} : memref<32x16xf32, #tpu.memory_space<vmem>>, vector<1x16xf32>,
      %get3A_128 = vector.shape_cast %get3A_127 : vector<1x16xf32> to vector<16xf32>
      %mul3A_129 = arith.mulf %bitcast_convert_type3A_77, %get3A_128 : vector<16xf32>
      %get3A_130 = arith.constant 1 : i64
      %get3A_131 = arith.index_cast %get3A_130 : i64 to index
      %get3A_132 = arith.constant 0 : index
      %get3A_133 = tpu.vector_load %arg17[%get3A_131, %get3A_132] {strides = array<i32>} : memref<32x16xf32, #tpu.memory_space<vmem>>, vector<1x16xf32>,
      %get3A_134 = vector.shape_cast %get3A_133 : vector<1x16xf32> to vector<16xf32>
      %mul3A_135 = arith.mulf %bitcast_convert_type3A_92, %get3A_134 : vector<16xf32>
      %add3A_136 = arith.addf %mul3A_129, %mul3A_135 : vector<16xf32>
      %get3A_137 = arith.constant 2 : i64
      %get3A_138 = arith.index_cast %get3A_137 : i64 to index
      %get3A_139 = arith.constant 0 : index
      %get3A_140 = tpu.vector_load %arg17[%get3A_138, %get3A_139] {strides = array<i32>} : memref<32x16xf32, #tpu.memory_space<vmem>>, vector<1x16xf32>,
      %get3A_141 = vector.shape_cast %get3A_140 : vector<1x16xf32> to vector<16xf32>
      %mul3A_142 = arith.mulf %bitcast_convert_type3A_107, %get3A_141 : vector<16xf32>
      %add3A_143 = arith.addf %add3A_136, %mul3A_142 : vector<16xf32>
      %get3A_144 = arith.constant 3 : i64
      %get3A_145 = arith.index_cast %get3A_144 : i64 to index
      %get3A_146 = arith.constant 0 : index
      %get3A_147 = tpu.vector_load %arg17[%get3A_145, %get3A_146] {strides = array<i32>} : memref<32x16xf32, #tpu.memory_space<vmem>>, vector<1x16xf32>,
      %get3A_148 = vector.shape_cast %get3A_147 : vector<1x16xf32> to vector<16xf32>
      %mul3A_149 = arith.mulf %bitcast_convert_type3A_122, %get3A_148 : vector<16xf32>
      %add3A_150 = arith.addf %add3A_143, %mul3A_149 : vector<16xf32>
      %gt3A = arith.constant 0.000000e+00 : f32
      %gt3A_151 = vector.broadcast %gt3A : f32 to vector<16xf32>
      %gt3A_152 = arith.cmpf ogt, %add3A_150, %gt3A_151 : vector<16xf32>
      %jit3A = arith.constant -1640531535 : i32
      %jit3A_153 = arith.constant 0 : i32
      %broadcast_in_dim3A_154 = vector.broadcast %jit3A : i32 to vector<16xi32>
      %broadcast_in_dim3A_155 = vector.broadcast %jit3A_153 : i32 to vector<16xi32>
      %select_n3A = arith.select %gt3A_152, %broadcast_in_dim3A_154, %broadcast_in_dim3A_155 : vector<16xi1>, vector<16xi32>
      %xor3A = arith.xori %broadcast_in_dim3A_123, %select_n3A : vector<16xi32>
      %get3A_156 = arith.constant 4 : i64
      %get3A_157 = arith.index_cast %get3A_156 : i64 to index
      %get3A_158 = arith.constant 0 : index
      %get3A_159 = tpu.vector_load %arg17[%get3A_157, %get3A_158] {strides = array<i32>} : memref<32x16xf32, #tpu.memory_space<vmem>>, vector<1x16xf32>,
      %get3A_160 = vector.shape_cast %get3A_159 : vector<1x16xf32> to vector<16xf32>
      %mul3A_161 = arith.mulf %bitcast_convert_type3A_77, %get3A_160 : vector<16xf32>
      %get3A_162 = arith.constant 5 : i64
      %get3A_163 = arith.index_cast %get3A_162 : i64 to index
      %get3A_164 = arith.constant 0 : index
      %get3A_165 = tpu.vector_load %arg17[%get3A_163, %get3A_164] {strides = array<i32>} : memref<32x16xf32, #tpu.memory_space<vmem>>, vector<1x16xf32>,
      %get3A_166 = vector.shape_cast %get3A_165 : vector<1x16xf32> to vector<16xf32>
      %mul3A_167 = arith.mulf %bitcast_convert_type3A_92, %get3A_166 : vector<16xf32>
      %add3A_168 = arith.addf %mul3A_161, %mul3A_167 : vector<16xf32>
      %get3A_169 = arith.constant 6 : i64
      %get3A_170 = arith.index_cast %get3A_169 : i64 to index
      %get3A_171 = arith.constant 0 : index
      %get3A_172 = tpu.vector_load %arg17[%get3A_170, %get3A_171] {strides = array<i32>} : memref<32x16xf32, #tpu.memory_space<vmem>>, vector<1x16xf32>,
      %get3A_173 = vector.shape_cast %get3A_172 : vector<1x16xf32> to vector<16xf32>
      %mul3A_174 = arith.mulf %bitcast_convert_type3A_107, %get3A_173 : vector<16xf32>
      %add3A_175 = arith.addf %add3A_168, %mul3A_174 : vector<16xf32>
      %get3A_176 = arith.constant 7 : i64
      %get3A_177 = arith.index_cast %get3A_176 : i64 to index
      %get3A_178 = arith.constant 0 : index
      %get3A_179 = tpu.vector_load %arg17[%get3A_177, %get3A_178] {strides = array<i32>} : memref<32x16xf32, #tpu.memory_space<vmem>>, vector<1x16xf32>,
      %get3A_180 = vector.shape_cast %get3A_179 : vector<1x16xf32> to vector<16xf32>
      %mul3A_181 = arith.mulf %bitcast_convert_type3A_122, %get3A_180 : vector<16xf32>
      %add3A_182 = arith.addf %add3A_175, %mul3A_181 : vector<16xf32>
      %gt3A_183 = arith.constant 0.000000e+00 : f32
      %gt3A_184 = vector.broadcast %gt3A_183 : f32 to vector<16xf32>
      %gt3A_185 = arith.cmpf ogt, %add3A_182, %gt3A_184 : vector<16xf32>
      %jit3A_186 = arith.constant -2048144777 : i32
      %jit3A_187 = arith.constant 0 : i32
      %broadcast_in_dim3A_188 = vector.broadcast %jit3A_186 : i32 to vector<16xi32>
      %broadcast_in_dim3A_189 = vector.broadcast %jit3A_187 : i32 to vector<16xi32>
      %select_n3A_190 = arith.select %gt3A_185, %broadcast_in_dim3A_188, %broadcast_in_dim3A_189 : vector<16xi1>, vector<16xi32>
      %xor3A_191 = arith.xori %xor3A, %select_n3A_190 : vector<16xi32>
      %get3A_192 = arith.constant 8 : i64
      %get3A_193 = arith.index_cast %get3A_192 : i64 to index
      %get3A_194 = arith.constant 0 : index
      %get3A_195 = tpu.vector_load %arg17[%get3A_193, %get3A_194] {strides = array<i32>} : memref<32x16xf32, #tpu.memory_space<vmem>>, vector<1x16xf32>,
      %get3A_196 = vector.shape_cast %get3A_195 : vector<1x16xf32> to vector<16xf32>
      %mul3A_197 = arith.mulf %bitcast_convert_type3A_77, %get3A_196 : vector<16xf32>
      %get3A_198 = arith.constant 9 : i64
      %get3A_199 = arith.index_cast %get3A_198 : i64 to index
      %get3A_200 = arith.constant 0 : index
      %get3A_201 = tpu.vector_load %arg17[%get3A_199, %get3A_200] {strides = array<i32>} : memref<32x16xf32, #tpu.memory_space<vmem>>, vector<1x16xf32>,
      %get3A_202 = vector.shape_cast %get3A_201 : vector<1x16xf32> to vector<16xf32>
      %mul3A_203 = arith.mulf %bitcast_convert_type3A_92, %get3A_202 : vector<16xf32>
      %add3A_204 = arith.addf %mul3A_197, %mul3A_203 : vector<16xf32>
      %get3A_205 = arith.constant 10 : i64
      %get3A_206 = arith.index_cast %get3A_205 : i64 to index
      %get3A_207 = arith.constant 0 : index
      %get3A_208 = tpu.vector_load %arg17[%get3A_206, %get3A_207] {strides = array<i32>} : memref<32x16xf32, #tpu.memory_space<vmem>>, vector<1x16xf32>,
      %get3A_209 = vector.shape_cast %get3A_208 : vector<1x16xf32> to vector<16xf32>
      %mul3A_210 = arith.mulf %bitcast_convert_type3A_107, %get3A_209 : vector<16xf32>
      %add3A_211 = arith.addf %add3A_204, %mul3A_210 : vector<16xf32>
      %get3A_212 = arith.constant 11 : i64
      %get3A_213 = arith.index_cast %get3A_212 : i64 to index
      %get3A_214 = arith.constant 0 : index
      %get3A_215 = tpu.vector_load %arg17[%get3A_213, %get3A_214] {strides = array<i32>} : memref<32x16xf32, #tpu.memory_space<vmem>>, vector<1x16xf32>,
      %get3A_216 = vector.shape_cast %get3A_215 : vector<1x16xf32> to vector<16xf32>
      %mul3A_217 = arith.mulf %bitcast_convert_type3A_122, %get3A_216 : vector<16xf32>
      %add3A_218 = arith.addf %add3A_211, %mul3A_217 : vector<16xf32>
      %gt3A_219 = arith.constant 0.000000e+00 : f32
      %gt3A_220 = vector.broadcast %gt3A_219 : f32 to vector<16xf32>
      %gt3A_221 = arith.cmpf ogt, %add3A_218, %gt3A_220 : vector<16xf32>
      %jit3A_222 = arith.constant -1028477379 : i32
      %jit3A_223 = arith.constant 0 : i32
      %broadcast_in_dim3A_224 = vector.broadcast %jit3A_222 : i32 to vector<16xi32>
      %broadcast_in_dim3A_225 = vector.broadcast %jit3A_223 : i32 to vector<16xi32>
      %select_n3A_226 = arith.select %gt3A_221, %broadcast_in_dim3A_224, %broadcast_in_dim3A_225 : vector<16xi1>, vector<16xi32>
      %xor3A_227 = arith.xori %xor3A_191, %select_n3A_226 : vector<16xi32>
      %get3A_228 = arith.constant 12 : i64
      %get3A_229 = arith.index_cast %get3A_228 : i64 to index
      %get3A_230 = arith.constant 0 : index
      %get3A_231 = tpu.vector_load %arg17[%get3A_229, %get3A_230] {strides = array<i32>} : memref<32x16xf32, #tpu.memory_space<vmem>>, vector<1x16xf32>,
      %get3A_232 = vector.shape_cast %get3A_231 : vector<1x16xf32> to vector<16xf32>
      %mul3A_233 = arith.mulf %bitcast_convert_type3A_77, %get3A_232 : vector<16xf32>
      %get3A_234 = arith.constant 13 : i64
      %get3A_235 = arith.index_cast %get3A_234 : i64 to index
      %get3A_236 = arith.constant 0 : index
      %get3A_237 = tpu.vector_load %arg17[%get3A_235, %get3A_236] {strides = array<i32>} : memref<32x16xf32, #tpu.memory_space<vmem>>, vector<1x16xf32>,
      %get3A_238 = vector.shape_cast %get3A_237 : vector<1x16xf32> to vector<16xf32>
      %mul3A_239 = arith.mulf %bitcast_convert_type3A_92, %get3A_238 : vector<16xf32>
      %add3A_240 = arith.addf %mul3A_233, %mul3A_239 : vector<16xf32>
      %get3A_241 = arith.constant 14 : i64
      %get3A_242 = arith.index_cast %get3A_241 : i64 to index
      %get3A_243 = arith.constant 0 : index
      %get3A_244 = tpu.vector_load %arg17[%get3A_242, %get3A_243] {strides = array<i32>} : memref<32x16xf32, #tpu.memory_space<vmem>>, vector<1x16xf32>,
      %get3A_245 = vector.shape_cast %get3A_244 : vector<1x16xf32> to vector<16xf32>
      %mul3A_246 = arith.mulf %bitcast_convert_type3A_107, %get3A_245 : vector<16xf32>
      %add3A_247 = arith.addf %add3A_240, %mul3A_246 : vector<16xf32>
      %get3A_248 = arith.constant 15 : i64
      %get3A_249 = arith.index_cast %get3A_248 : i64 to index
      %get3A_250 = arith.constant 0 : index
      %get3A_251 = tpu.vector_load %arg17[%get3A_249, %get3A_250] {strides = array<i32>} : memref<32x16xf32, #tpu.memory_space<vmem>>, vector<1x16xf32>,
      %get3A_252 = vector.shape_cast %get3A_251 : vector<1x16xf32> to vector<16xf32>
      %mul3A_253 = arith.mulf %bitcast_convert_type3A_122, %get3A_252 : vector<16xf32>
      %add3A_254 = arith.addf %add3A_247, %mul3A_253 : vector<16xf32>
      %gt3A_255 = arith.constant 0.000000e+00 : f32
      %gt3A_256 = vector.broadcast %gt3A_255 : f32 to vector<16xf32>
      %gt3A_257 = arith.cmpf ogt, %add3A_254, %gt3A_256 : vector<16xf32>
      %jit3A_258 = arith.constant 2028178513 : i32
      %jit3A_259 = arith.constant 0 : i32
      %broadcast_in_dim3A_260 = vector.broadcast %jit3A_258 : i32 to vector<16xi32>
      %broadcast_in_dim3A_261 = vector.broadcast %jit3A_259 : i32 to vector<16xi32>
      %select_n3A_262 = arith.select %gt3A_257, %broadcast_in_dim3A_260, %broadcast_in_dim3A_261 : vector<16xi1>, vector<16xi32>
      %xor3A_263 = arith.xori %xor3A_227, %select_n3A_262 : vector<16xi32>
      %get3A_264 = arith.constant 16 : i64
      %get3A_265 = arith.index_cast %get3A_264 : i64 to index
      %get3A_266 = arith.constant 0 : index
      %get3A_267 = tpu.vector_load %arg17[%get3A_265, %get3A_266] {strides = array<i32>} : memref<32x16xf32, #tpu.memory_space<vmem>>, vector<1x16xf32>,
      %get3A_268 = vector.shape_cast %get3A_267 : vector<1x16xf32> to vector<16xf32>
      %mul3A_269 = arith.mulf %bitcast_convert_type3A_77, %get3A_268 : vector<16xf32>
      %get3A_270 = arith.constant 17 : i64
      %get3A_271 = arith.index_cast %get3A_270 : i64 to index
      %get3A_272 = arith.constant 0 : index
      %get3A_273 = tpu.vector_load %arg17[%get3A_271, %get3A_272] {strides = array<i32>} : memref<32x16xf32, #tpu.memory_space<vmem>>, vector<1x16xf32>,
      %get3A_274 = vector.shape_cast %get3A_273 : vector<1x16xf32> to vector<16xf32>
      %mul3A_275 = arith.mulf %bitcast_convert_type3A_92, %get3A_274 : vector<16xf32>
      %add3A_276 = arith.addf %mul3A_269, %mul3A_275 : vector<16xf32>
      %get3A_277 = arith.constant 18 : i64
      %get3A_278 = arith.index_cast %get3A_277 : i64 to index
      %get3A_279 = arith.constant 0 : index
      %get3A_280 = tpu.vector_load %arg17[%get3A_278, %get3A_279] {strides = array<i32>} : memref<32x16xf32, #tpu.memory_space<vmem>>, vector<1x16xf32>,
      %get3A_281 = vector.shape_cast %get3A_280 : vector<1x16xf32> to vector<16xf32>
      %mul3A_282 = arith.mulf %bitcast_convert_type3A_107, %get3A_281 : vector<16xf32>
      %add3A_283 = arith.addf %add3A_276, %mul3A_282 : vector<16xf32>
      %get3A_284 = arith.constant 19 : i64
      %get3A_285 = arith.index_cast %get3A_284 : i64 to index
      %get3A_286 = arith.constant 0 : index
      %get3A_287 = tpu.vector_load %arg17[%get3A_285, %get3A_286] {strides = array<i32>} : memref<32x16xf32, #tpu.memory_space<vmem>>, vector<1x16xf32>,
      %get3A_288 = vector.shape_cast %get3A_287 : vector<1x16xf32> to vector<16xf32>
      %mul3A_289 = arith.mulf %bitcast_convert_type3A_122, %get3A_288 : vector<16xf32>
      %add3A_290 = arith.addf %add3A_283, %mul3A_289 : vector<16xf32>
      %gt3A_291 = arith.constant 0.000000e+00 : f32
      %gt3A_292 = vector.broadcast %gt3A_291 : f32 to vector<16xf32>
      %gt3A_293 = arith.cmpf ogt, %add3A_290, %gt3A_292 : vector<16xf32>
      %jit3A_294 = arith.constant 1220703125 : i32
      %jit3A_295 = arith.constant 0 : i32
      %broadcast_in_dim3A_296 = vector.broadcast %jit3A_294 : i32 to vector<16xi32>
      %broadcast_in_dim3A_297 = vector.broadcast %jit3A_295 : i32 to vector<16xi32>
      %select_n3A_298 = arith.select %gt3A_293, %broadcast_in_dim3A_296, %broadcast_in_dim3A_297 : vector<16xi1>, vector<16xi32>
      %xor3A_299 = arith.xori %xor3A_263, %select_n3A_298 : vector<16xi32>
      %get3A_300 = arith.constant 20 : i64
      %get3A_301 = arith.index_cast %get3A_300 : i64 to index
      %get3A_302 = arith.constant 0 : index
      %get3A_303 = tpu.vector_load %arg17[%get3A_301, %get3A_302] {strides = array<i32>} : memref<32x16xf32, #tpu.memory_space<vmem>>, vector<1x16xf32>,
      %get3A_304 = vector.shape_cast %get3A_303 : vector<1x16xf32> to vector<16xf32>
      %mul3A_305 = arith.mulf %bitcast_convert_type3A_77, %get3A_304 : vector<16xf32>
      %get3A_306 = arith.constant 21 : i64
      %get3A_307 = arith.index_cast %get3A_306 : i64 to index
      %get3A_308 = arith.constant 0 : index
      %get3A_309 = tpu.vector_load %arg17[%get3A_307, %get3A_308] {strides = array<i32>} : memref<32x16xf32, #tpu.memory_space<vmem>>, vector<1x16xf32>,
      %get3A_310 = vector.shape_cast %get3A_309 : vector<1x16xf32> to vector<16xf32>
      %mul3A_311 = arith.mulf %bitcast_convert_type3A_92, %get3A_310 : vector<16xf32>
      %add3A_312 = arith.addf %mul3A_305, %mul3A_311 : vector<16xf32>
      %get3A_313 = arith.constant 22 : i64
      %get3A_314 = arith.index_cast %get3A_313 : i64 to index
      %get3A_315 = arith.constant 0 : index
      %get3A_316 = tpu.vector_load %arg17[%get3A_314, %get3A_315] {strides = array<i32>} : memref<32x16xf32, #tpu.memory_space<vmem>>, vector<1x16xf32>,
      %get3A_317 = vector.shape_cast %get3A_316 : vector<1x16xf32> to vector<16xf32>
      %mul3A_318 = arith.mulf %bitcast_convert_type3A_107, %get3A_317 : vector<16xf32>
      %add3A_319 = arith.addf %add3A_312, %mul3A_318 : vector<16xf32>
      %get3A_320 = arith.constant 23 : i64
      %get3A_321 = arith.index_cast %get3A_320 : i64 to index
      %get3A_322 = arith.constant 0 : index
      %get3A_323 = tpu.vector_load %arg17[%get3A_321, %get3A_322] {strides = array<i32>} : memref<32x16xf32, #tpu.memory_space<vmem>>, vector<1x16xf32>,
      %get3A_324 = vector.shape_cast %get3A_323 : vector<1x16xf32> to vector<16xf32>
      %mul3A_325 = arith.mulf %bitcast_convert_type3A_122, %get3A_324 : vector<16xf32>
      %add3A_326 = arith.addf %add3A_319, %mul3A_325 : vector<16xf32>
      %gt3A_327 = arith.constant 0.000000e+00 : f32
      %gt3A_328 = vector.broadcast %gt3A_327 : f32 to vector<16xf32>
      %gt3A_329 = arith.cmpf ogt, %add3A_326, %gt3A_328 : vector<16xf32>
      %jit3A_330 = arith.constant 1610612741 : i32
      %jit3A_331 = arith.constant 0 : i32
      %broadcast_in_dim3A_332 = vector.broadcast %jit3A_330 : i32 to vector<16xi32>
      %broadcast_in_dim3A_333 = vector.broadcast %jit3A_331 : i32 to vector<16xi32>
      %select_n3A_334 = arith.select %gt3A_329, %broadcast_in_dim3A_332, %broadcast_in_dim3A_333 : vector<16xi1>, vector<16xi32>
      %xor3A_335 = arith.xori %xor3A_299, %select_n3A_334 : vector<16xi32>
      %get3A_336 = arith.constant 24 : i64
      %get3A_337 = arith.index_cast %get3A_336 : i64 to index
      %get3A_338 = arith.constant 0 : index
      %get3A_339 = tpu.vector_load %arg17[%get3A_337, %get3A_338] {strides = array<i32>} : memref<32x16xf32, #tpu.memory_space<vmem>>, vector<1x16xf32>,
      %get3A_340 = vector.shape_cast %get3A_339 : vector<1x16xf32> to vector<16xf32>
      %mul3A_341 = arith.mulf %bitcast_convert_type3A_77, %get3A_340 : vector<16xf32>
      %get3A_342 = arith.constant 25 : i64
      %get3A_343 = arith.index_cast %get3A_342 : i64 to index
      %get3A_344 = arith.constant 0 : index
      %get3A_345 = tpu.vector_load %arg17[%get3A_343, %get3A_344] {strides = array<i32>} : memref<32x16xf32, #tpu.memory_space<vmem>>, vector<1x16xf32>,
      %get3A_346 = vector.shape_cast %get3A_345 : vector<1x16xf32> to vector<16xf32>
      %mul3A_347 = arith.mulf %bitcast_convert_type3A_92, %get3A_346 : vector<16xf32>
      %add3A_348 = arith.addf %mul3A_341, %mul3A_347 : vector<16xf32>
      %get3A_349 = arith.constant 26 : i64
      %get3A_350 = arith.index_cast %get3A_349 : i64 to index
      %get3A_351 = arith.constant 0 : index
      %get3A_352 = tpu.vector_load %arg17[%get3A_350, %get3A_351] {strides = array<i32>} : memref<32x16xf32, #tpu.memory_space<vmem>>, vector<1x16xf32>,
      %get3A_353 = vector.shape_cast %get3A_352 : vector<1x16xf32> to vector<16xf32>
      %mul3A_354 = arith.mulf %bitcast_convert_type3A_107, %get3A_353 : vector<16xf32>
      %add3A_355 = arith.addf %add3A_348, %mul3A_354 : vector<16xf32>
      %get3A_356 = arith.constant 27 : i64
      %get3A_357 = arith.index_cast %get3A_356 : i64 to index
      %get3A_358 = arith.constant 0 : index
      %get3A_359 = tpu.vector_load %arg17[%get3A_357, %get3A_358] {strides = array<i32>} : memref<32x16xf32, #tpu.memory_space<vmem>>, vector<1x16xf32>,
      %get3A_360 = vector.shape_cast %get3A_359 : vector<1x16xf32> to vector<16xf32>
      %mul3A_361 = arith.mulf %bitcast_convert_type3A_122, %get3A_360 : vector<16xf32>
      %add3A_362 = arith.addf %add3A_355, %mul3A_361 : vector<16xf32>
      %gt3A_363 = arith.constant 0.000000e+00 : f32
      %gt3A_364 = vector.broadcast %gt3A_363 : f32 to vector<16xf32>
      %gt3A_365 = arith.cmpf ogt, %add3A_362, %gt3A_364 : vector<16xf32>
      %jit3A_366 = arith.constant 805306457 : i32
      %jit3A_367 = arith.constant 0 : i32
      %broadcast_in_dim3A_368 = vector.broadcast %jit3A_366 : i32 to vector<16xi32>
      %broadcast_in_dim3A_369 = vector.broadcast %jit3A_367 : i32 to vector<16xi32>
      %select_n3A_370 = arith.select %gt3A_365, %broadcast_in_dim3A_368, %broadcast_in_dim3A_369 : vector<16xi1>, vector<16xi32>
      %xor3A_371 = arith.xori %xor3A_335, %select_n3A_370 : vector<16xi32>
      %get3A_372 = arith.constant 28 : i64
      %get3A_373 = arith.index_cast %get3A_372 : i64 to index
      %get3A_374 = arith.constant 0 : index
      %get3A_375 = tpu.vector_load %arg17[%get3A_373, %get3A_374] {strides = array<i32>} : memref<32x16xf32, #tpu.memory_space<vmem>>, vector<1x16xf32>,
      %get3A_376 = vector.shape_cast %get3A_375 : vector<1x16xf32> to vector<16xf32>
      %mul3A_377 = arith.mulf %bitcast_convert_type3A_77, %get3A_376 : vector<16xf32>
      %get3A_378 = arith.constant 29 : i64
      %get3A_379 = arith.index_cast %get3A_378 : i64 to index
      %get3A_380 = arith.constant 0 : index
      %get3A_381 = tpu.vector_load %arg17[%get3A_379, %get3A_380] {strides = array<i32>} : memref<32x16xf32, #tpu.memory_space<vmem>>, vector<1x16xf32>,
      %get3A_382 = vector.shape_cast %get3A_381 : vector<1x16xf32> to vector<16xf32>
      %mul3A_383 = arith.mulf %bitcast_convert_type3A_92, %get3A_382 : vector<16xf32>
      %add3A_384 = arith.addf %mul3A_377, %mul3A_383 : vector<16xf32>
      %get3A_385 = arith.constant 30 : i64
      %get3A_386 = arith.index_cast %get3A_385 : i64 to index
      %get3A_387 = arith.constant 0 : index
      %get3A_388 = tpu.vector_load %arg17[%get3A_386, %get3A_387] {strides = array<i32>} : memref<32x16xf32, #tpu.memory_space<vmem>>, vector<1x16xf32>,
      %get3A_389 = vector.shape_cast %get3A_388 : vector<1x16xf32> to vector<16xf32>
      %mul3A_390 = arith.mulf %bitcast_convert_type3A_107, %get3A_389 : vector<16xf32>
      %add3A_391 = arith.addf %add3A_384, %mul3A_390 : vector<16xf32>
      %get3A_392 = arith.constant 31 : i64
      %get3A_393 = arith.index_cast %get3A_392 : i64 to index
      %get3A_394 = arith.constant 0 : index
      %get3A_395 = tpu.vector_load %arg17[%get3A_393, %get3A_394] {strides = array<i32>} : memref<32x16xf32, #tpu.memory_space<vmem>>, vector<1x16xf32>,
      %get3A_396 = vector.shape_cast %get3A_395 : vector<1x16xf32> to vector<16xf32>
      %mul3A_397 = arith.mulf %bitcast_convert_type3A_122, %get3A_396 : vector<16xf32>
      %add3A_398 = arith.addf %add3A_391, %mul3A_397 : vector<16xf32>
      %gt3A_399 = arith.constant 0.000000e+00 : f32
      %gt3A_400 = vector.broadcast %gt3A_399 : f32 to vector<16xf32>
      %gt3A_401 = arith.cmpf ogt, %add3A_398, %gt3A_400 : vector<16xf32>
      %jit3A_402 = arith.constant 402653189 : i32
      %jit3A_403 = arith.constant 0 : i32
      %broadcast_in_dim3A_404 = vector.broadcast %jit3A_402 : i32 to vector<16xi32>
      %broadcast_in_dim3A_405 = vector.broadcast %jit3A_403 : i32 to vector<16xi32>
      %select_n3A_406 = arith.select %gt3A_401, %broadcast_in_dim3A_404, %broadcast_in_dim3A_405 : vector<16xi1>, vector<16xi32>
      %xor3A_407 = arith.xori %xor3A_371, %select_n3A_406 : vector<16xi32>
      %get3A_408 = arith.constant 2 : i64
      %get3A_409 = arith.index_cast %get3A_408 : i64 to index
      %get3A_410 = arith.index_cast %mul3A_46 : i32 to index
      %get3A_411 = tpu.vector_load %arg14[%get3A_409, %get3A_410] {strides = array<i32>} : memref<4x1792xi32, #tpu.memory_space<vmem>>, vector<1x16xi32>,
      %get3A_412 = vector.shape_cast %get3A_411 : vector<1x16xi32> to vector<16xi32>
      %xor3A_413 = arith.xori %get3A_412, %xor3A_407 : vector<16xi32>
      %shift_right_logical3A_414 = arith.constant 21 : i32
      %shift_right_logical3A_415 = vector.broadcast %shift_right_logical3A_414 : i32 to vector<16xi32>
      %shift_right_logical3A_416 = arith.shrui %xor3A_413, %shift_right_logical3A_415 : vector<16xi32>
      %mul3A_417 = arith.constant 97152 : i32
      %mul3A_418 = vector.broadcast %mul3A_417 : i32 to vector<16xi32>
      %mul3A_419 = arith.muli %shift_right_logical3A_416, %mul3A_418 : vector<16xi32>
      %and3A_420 = arith.constant 2097151 : i32
      %and3A_421 = vector.broadcast %and3A_420 : i32 to vector<16xi32>
      %and3A_422 = arith.andi %xor3A_413, %and3A_421 : vector<16xi32>
      %add3A_423 = arith.addi %mul3A_419, %and3A_422 : vector<16xi32>
      %convert_element_type3A = arith.sitofp %add3A_423 : vector<16xi32> to vector<16xf32>
      %mul3A_424 = arith.constant 5.000000e-07 : f32
      %mul3A_425 = vector.broadcast %mul3A_424 : f32 to vector<16xf32>
      %mul3A_426 = arith.mulf %convert_element_type3A, %mul3A_425 : vector<16xf32>
      %convert_element_type3A_427 = arith.fptosi %mul3A_426 : vector<16xf32> to vector<16xi32>
      %mul3A_428 = arith.constant 2000000 : i32
      %mul3A_429 = vector.broadcast %mul3A_428 : i32 to vector<16xi32>
      %mul3A_430 = arith.muli %convert_element_type3A_427, %mul3A_429 : vector<16xi32>
      %sub3A = arith.subi %add3A_423, %mul3A_430 : vector<16xi32>
      %lt3A = arith.constant 0 : i32
      %lt3A_431 = vector.broadcast %lt3A : i32 to vector<16xi32>
      %lt3A_432 = arith.cmpi slt, %sub3A, %lt3A_431 : vector<16xi32>
      %add3A_433 = arith.constant 2000000 : i32
      %add3A_434 = vector.broadcast %add3A_433 : i32 to vector<16xi32>
      %add3A_435 = arith.addi %sub3A, %add3A_434 : vector<16xi32>
      %select_n3A_436 = arith.select %lt3A_432, %add3A_435, %sub3A : vector<16xi1>, vector<16xi32>
      %ge3A = arith.constant 2000000 : i32
      %ge3A_437 = vector.broadcast %ge3A : i32 to vector<16xi32>
      %ge3A_438 = arith.cmpi sge, %select_n3A_436, %ge3A_437 : vector<16xi32>
      %sub3A_439 = arith.constant 2000000 : i32
      %sub3A_440 = vector.broadcast %sub3A_439 : i32 to vector<16xi32>
      %sub3A_441 = arith.subi %select_n3A_436, %sub3A_440 : vector<16xi32>
      %select_n3A_442 = arith.select %ge3A_438, %sub3A_441, %select_n3A_436 : vector<16xi1>, vector<16xi32>
      %swap3A = arith.constant 2 : i64
      %swap3A_443 = arith.index_cast %swap3A : i64 to index
      %swap3A_444 = arith.index_cast %mul3A_46 : i32 to index
      %swap3A_445 = tpu.vector_load %arg15[%swap3A_443, %swap3A_444] {strides = array<i32>} : memref<4x1792xi32, #tpu.memory_space<vmem>>, vector<1x16xi32>,
      %swap3A_446 = vector.shape_cast %swap3A_445 : vector<1x16xi32> to vector<16xi32>
      %swap3A_447 = vector.shape_cast %select_n3A_442 : vector<16xi32> to vector<1x16xi32>
      tpu.vector_store %arg15[%swap3A_443, %swap3A_444], %swap3A_447 {strides = array<i32>} : memref<4x1792xi32, #tpu.memory_space<vmem>>, vector<1x16xi32>,
      %get3A_448 = arith.constant 3 : i64
      %get3A_449 = arith.index_cast %get3A_448 : i64 to index
      %get3A_450 = arith.index_cast %mul3A_46 : i32 to index
      %get3A_451 = tpu.vector_load %arg14[%get3A_449, %get3A_450] {strides = array<i32>} : memref<4x1792xi32, #tpu.memory_space<vmem>>, vector<1x16xi32>,
      %get3A_452 = vector.shape_cast %get3A_451 : vector<1x16xi32> to vector<16xi32>
      %xor3A_453 = arith.xori %get3A_452, %xor3A_407 : vector<16xi32>
      %shift_right_logical3A_454 = arith.constant 21 : i32
      %shift_right_logical3A_455 = vector.broadcast %shift_right_logical3A_454 : i32 to vector<16xi32>
      %shift_right_logical3A_456 = arith.shrui %xor3A_453, %shift_right_logical3A_455 : vector<16xi32>
      %mul3A_457 = arith.constant 97152 : i32
      %mul3A_458 = vector.broadcast %mul3A_457 : i32 to vector<16xi32>
      %mul3A_459 = arith.muli %shift_right_logical3A_456, %mul3A_458 : vector<16xi32>
      %and3A_460 = arith.constant 2097151 : i32
      %and3A_461 = vector.broadcast %and3A_460 : i32 to vector<16xi32>
      %and3A_462 = arith.andi %xor3A_453, %and3A_461 : vector<16xi32>
      %add3A_463 = arith.addi %mul3A_459, %and3A_462 : vector<16xi32>
      %convert_element_type3A_464 = arith.sitofp %add3A_463 : vector<16xi32> to vector<16xf32>
      %mul3A_465 = arith.constant 5.000000e-07 : f32
      %mul3A_466 = vector.broadcast %mul3A_465 : f32 to vector<16xf32>
      %mul3A_467 = arith.mulf %convert_element_type3A_464, %mul3A_466 : vector<16xf32>
      %convert_element_type3A_468 = arith.fptosi %mul3A_467 : vector<16xf32> to vector<16xi32>
      %mul3A_469 = arith.constant 2000000 : i32
      %mul3A_470 = vector.broadcast %mul3A_469 : i32 to vector<16xi32>
      %mul3A_471 = arith.muli %convert_element_type3A_468, %mul3A_470 : vector<16xi32>
      %sub3A_472 = arith.subi %add3A_463, %mul3A_471 : vector<16xi32>
      %lt3A_473 = arith.constant 0 : i32
      %lt3A_474 = vector.broadcast %lt3A_473 : i32 to vector<16xi32>
      %lt3A_475 = arith.cmpi slt, %sub3A_472, %lt3A_474 : vector<16xi32>
      %add3A_476 = arith.constant 2000000 : i32
      %add3A_477 = vector.broadcast %add3A_476 : i32 to vector<16xi32>
      %add3A_478 = arith.addi %sub3A_472, %add3A_477 : vector<16xi32>
      %select_n3A_479 = arith.select %lt3A_475, %add3A_478, %sub3A_472 : vector<16xi1>, vector<16xi32>
      %ge3A_480 = arith.constant 2000000 : i32
      %ge3A_481 = vector.broadcast %ge3A_480 : i32 to vector<16xi32>
      %ge3A_482 = arith.cmpi sge, %select_n3A_479, %ge3A_481 : vector<16xi32>
      %sub3A_483 = arith.constant 2000000 : i32
      %sub3A_484 = vector.broadcast %sub3A_483 : i32 to vector<16xi32>
      %sub3A_485 = arith.subi %select_n3A_479, %sub3A_484 : vector<16xi32>
      %select_n3A_486 = arith.select %ge3A_482, %sub3A_485, %select_n3A_479 : vector<16xi1>, vector<16xi32>
      %swap3A_487 = arith.constant 3 : i64
      %swap3A_488 = arith.index_cast %swap3A_487 : i64 to index
      %swap3A_489 = arith.index_cast %mul3A_46 : i32 to index
      %swap3A_490 = tpu.vector_load %arg15[%swap3A_488, %swap3A_489] {strides = array<i32>} : memref<4x1792xi32, #tpu.memory_space<vmem>>, vector<1x16xi32>,
      %swap3A_491 = vector.shape_cast %swap3A_490 : vector<1x16xi32> to vector<16xi32>
      %swap3A_492 = vector.shape_cast %select_n3A_486 : vector<16xi32> to vector<1x16xi32>
      tpu.vector_store %arg15[%swap3A_488, %swap3A_489], %swap3A_492 {strides = array<i32>} : memref<4x1792xi32, #tpu.memory_space<vmem>>, vector<1x16xi32>,
    }
    %while3A_32 = arith.constant 1 : i32
    scf.for %while3A_44 = %while3A_30 to %while3A_26 step %while3A_32  : i32 {
      %mul3A_45 = arith.constant 16 : i32
      %mul3A_46 = arith.muli %while3A_44, %mul3A_45 : i32
      %get3A = arith.constant 0 : i64
      %get3A_47 = arith.index_cast %get3A : i64 to index
      %get3A_48 = arith.index_cast %mul3A_46 : i32 to index
      %get3A_49 = tpu.vector_load %arg16[%get3A_47, %get3A_48] {strides = array<i32>} : memref<8x1792xf32, #tpu.memory_space<vmem>>, vector<1x16xf32>,
      %get3A_50 = vector.shape_cast %get3A_49 : vector<1x16xf32> to vector<16xf32>
      %get3A_51 = arith.constant 1 : i64
      %get3A_52 = arith.index_cast %get3A_51 : i64 to index
      %get3A_53 = arith.index_cast %mul3A_46 : i32 to index
      %get3A_54 = tpu.vector_load %arg16[%get3A_52, %get3A_53] {strides = array<i32>} : memref<8x1792xf32, #tpu.memory_space<vmem>>, vector<1x16xf32>,
      %get3A_55 = vector.shape_cast %get3A_54 : vector<1x16xf32> to vector<16xf32>
      %get3A_56 = arith.constant 2 : i64
      %get3A_57 = arith.index_cast %get3A_56 : i64 to index
      %get3A_58 = arith.index_cast %mul3A_46 : i32 to index
      %get3A_59 = tpu.vector_load %arg16[%get3A_57, %get3A_58] {strides = array<i32>} : memref<8x1792xf32, #tpu.memory_space<vmem>>, vector<1x16xf32>,
      %get3A_60 = vector.shape_cast %get3A_59 : vector<1x16xf32> to vector<16xf32>
      %get3A_61 = arith.constant 3 : i64
      %get3A_62 = arith.index_cast %get3A_61 : i64 to index
      %get3A_63 = arith.index_cast %mul3A_46 : i32 to index
      %get3A_64 = tpu.vector_load %arg16[%get3A_62, %get3A_63] {strides = array<i32>} : memref<8x1792xf32, #tpu.memory_space<vmem>>, vector<1x16xf32>,
      %get3A_65 = vector.shape_cast %get3A_64 : vector<1x16xf32> to vector<16xf32>
      %bitcast_convert_type3A = tpu.bitcast %get3A_50 : vector<16xf32> -> vector<16xi32>
      %add3A_66 = arith.constant 32767 : i32
      %add3A_67 = vector.broadcast %add3A_66 : i32 to vector<16xi32>
      %add3A_68 = arith.addi %bitcast_convert_type3A, %add3A_67 : vector<16xi32>
      %shift_right_logical3A = arith.constant 16 : i32
      %shift_right_logical3A_69 = vector.broadcast %shift_right_logical3A : i32 to vector<16xi32>
      %shift_right_logical3A_70 = arith.shrui %bitcast_convert_type3A, %shift_right_logical3A_69 : vector<16xi32>
      %and3A = arith.constant 1 : i32
      %and3A_71 = vector.broadcast %and3A : i32 to vector<16xi32>
      %and3A_72 = arith.andi %shift_right_logical3A_70, %and3A_71 : vector<16xi32>
      %add3A_73 = arith.addi %add3A_68, %and3A_72 : vector<16xi32>
      %and3A_74 = arith.constant -65536 : i32
      %and3A_75 = vector.broadcast %and3A_74 : i32 to vector<16xi32>
      %and3A_76 = arith.andi %add3A_73, %and3A_75 : vector<16xi32>
      %bitcast_convert_type3A_77 = tpu.bitcast %and3A_76 : vector<16xi32> -> vector<16xf32>
      %bitcast_convert_type3A_78 = tpu.bitcast %get3A_55 : vector<16xf32> -> vector<16xi32>
      %add3A_79 = arith.constant 32767 : i32
      %add3A_80 = vector.broadcast %add3A_79 : i32 to vector<16xi32>
      %add3A_81 = arith.addi %bitcast_convert_type3A_78, %add3A_80 : vector<16xi32>
      %shift_right_logical3A_82 = arith.constant 16 : i32
      %shift_right_logical3A_83 = vector.broadcast %shift_right_logical3A_82 : i32 to vector<16xi32>
      %shift_right_logical3A_84 = arith.shrui %bitcast_convert_type3A_78, %shift_right_logical3A_83 : vector<16xi32>
      %and3A_85 = arith.constant 1 : i32
      %and3A_86 = vector.broadcast %and3A_85 : i32 to vector<16xi32>
      %and3A_87 = arith.andi %shift_right_logical3A_84, %and3A_86 : vector<16xi32>
      %add3A_88 = arith.addi %add3A_81, %and3A_87 : vector<16xi32>
      %and3A_89 = arith.constant -65536 : i32
      %and3A_90 = vector.broadcast %and3A_89 : i32 to vector<16xi32>
      %and3A_91 = arith.andi %add3A_88, %and3A_90 : vector<16xi32>
      %bitcast_convert_type3A_92 = tpu.bitcast %and3A_91 : vector<16xi32> -> vector<16xf32>
      %bitcast_convert_type3A_93 = tpu.bitcast %get3A_60 : vector<16xf32> -> vector<16xi32>
      %add3A_94 = arith.constant 32767 : i32
      %add3A_95 = vector.broadcast %add3A_94 : i32 to vector<16xi32>
      %add3A_96 = arith.addi %bitcast_convert_type3A_93, %add3A_95 : vector<16xi32>
      %shift_right_logical3A_97 = arith.constant 16 : i32
      %shift_right_logical3A_98 = vector.broadcast %shift_right_logical3A_97 : i32 to vector<16xi32>
      %shift_right_logical3A_99 = arith.shrui %bitcast_convert_type3A_93, %shift_right_logical3A_98 : vector<16xi32>
      %and3A_100 = arith.constant 1 : i32
      %and3A_101 = vector.broadcast %and3A_100 : i32 to vector<16xi32>
      %and3A_102 = arith.andi %shift_right_logical3A_99, %and3A_101 : vector<16xi32>
      %add3A_103 = arith.addi %add3A_96, %and3A_102 : vector<16xi32>
      %and3A_104 = arith.constant -65536 : i32
      %and3A_105 = vector.broadcast %and3A_104 : i32 to vector<16xi32>
      %and3A_106 = arith.andi %add3A_103, %and3A_105 : vector<16xi32>
      %bitcast_convert_type3A_107 = tpu.bitcast %and3A_106 : vector<16xi32> -> vector<16xf32>
      %bitcast_convert_type3A_108 = tpu.bitcast %get3A_65 : vector<16xf32> -> vector<16xi32>
      %add3A_109 = arith.constant 32767 : i32
      %add3A_110 = vector.broadcast %add3A_109 : i32 to vector<16xi32>
      %add3A_111 = arith.addi %bitcast_convert_type3A_108, %add3A_110 : vector<16xi32>
      %shift_right_logical3A_112 = arith.constant 16 : i32
      %shift_right_logical3A_113 = vector.broadcast %shift_right_logical3A_112 : i32 to vector<16xi32>
      %shift_right_logical3A_114 = arith.shrui %bitcast_convert_type3A_108, %shift_right_logical3A_113 : vector<16xi32>
      %and3A_115 = arith.constant 1 : i32
      %and3A_116 = vector.broadcast %and3A_115 : i32 to vector<16xi32>
      %and3A_117 = arith.andi %shift_right_logical3A_114, %and3A_116 : vector<16xi32>
      %add3A_118 = arith.addi %add3A_111, %and3A_117 : vector<16xi32>
      %and3A_119 = arith.constant -65536 : i32
      %and3A_120 = vector.broadcast %and3A_119 : i32 to vector<16xi32>
      %and3A_121 = arith.andi %add3A_118, %and3A_120 : vector<16xi32>
      %bitcast_convert_type3A_122 = tpu.bitcast %and3A_121 : vector<16xi32> -> vector<16xf32>
      %broadcast_in_dim3A = arith.constant 0 : i32
      %broadcast_in_dim3A_123 = vector.broadcast %broadcast_in_dim3A : i32 to vector<16xi32>
      %get3A_124 = arith.constant 0 : i64
      %get3A_125 = arith.index_cast %get3A_124 : i64 to index
      %get3A_126 = arith.constant 0 : index
      %get3A_127 = tpu.vector_load %arg17[%get3A_125, %get3A_126] {strides = array<i32>} : memref<32x16xf32, #tpu.memory_space<vmem>>, vector<1x16xf32>,
      %get3A_128 = vector.shape_cast %get3A_127 : vector<1x16xf32> to vector<16xf32>
      %mul3A_129 = arith.mulf %bitcast_convert_type3A_77, %get3A_128 : vector<16xf32>
      %get3A_130 = arith.constant 1 : i64
      %get3A_131 = arith.index_cast %get3A_130 : i64 to index
      %get3A_132 = arith.constant 0 : index
      %get3A_133 = tpu.vector_load %arg17[%get3A_131, %get3A_132] {strides = array<i32>} : memref<32x16xf32, #tpu.memory_space<vmem>>, vector<1x16xf32>,
      %get3A_134 = vector.shape_cast %get3A_133 : vector<1x16xf32> to vector<16xf32>
      %mul3A_135 = arith.mulf %bitcast_convert_type3A_92, %get3A_134 : vector<16xf32>
      %add3A_136 = arith.addf %mul3A_129, %mul3A_135 : vector<16xf32>
      %get3A_137 = arith.constant 2 : i64
      %get3A_138 = arith.index_cast %get3A_137 : i64 to index
      %get3A_139 = arith.constant 0 : index
      %get3A_140 = tpu.vector_load %arg17[%get3A_138, %get3A_139] {strides = array<i32>} : memref<32x16xf32, #tpu.memory_space<vmem>>, vector<1x16xf32>,
      %get3A_141 = vector.shape_cast %get3A_140 : vector<1x16xf32> to vector<16xf32>
      %mul3A_142 = arith.mulf %bitcast_convert_type3A_107, %get3A_141 : vector<16xf32>
      %add3A_143 = arith.addf %add3A_136, %mul3A_142 : vector<16xf32>
      %get3A_144 = arith.constant 3 : i64
      %get3A_145 = arith.index_cast %get3A_144 : i64 to index
      %get3A_146 = arith.constant 0 : index
      %get3A_147 = tpu.vector_load %arg17[%get3A_145, %get3A_146] {strides = array<i32>} : memref<32x16xf32, #tpu.memory_space<vmem>>, vector<1x16xf32>,
      %get3A_148 = vector.shape_cast %get3A_147 : vector<1x16xf32> to vector<16xf32>
      %mul3A_149 = arith.mulf %bitcast_convert_type3A_122, %get3A_148 : vector<16xf32>
      %add3A_150 = arith.addf %add3A_143, %mul3A_149 : vector<16xf32>
      %gt3A = arith.constant 0.000000e+00 : f32
      %gt3A_151 = vector.broadcast %gt3A : f32 to vector<16xf32>
      %gt3A_152 = arith.cmpf ogt, %add3A_150, %gt3A_151 : vector<16xf32>
      %jit3A = arith.constant -1640531535 : i32
      %jit3A_153 = arith.constant 0 : i32
      %broadcast_in_dim3A_154 = vector.broadcast %jit3A : i32 to vector<16xi32>
      %broadcast_in_dim3A_155 = vector.broadcast %jit3A_153 : i32 to vector<16xi32>
      %select_n3A = arith.select %gt3A_152, %broadcast_in_dim3A_154, %broadcast_in_dim3A_155 : vector<16xi1>, vector<16xi32>
      %xor3A = arith.xori %broadcast_in_dim3A_123, %select_n3A : vector<16xi32>
      %get3A_156 = arith.constant 4 : i64
      %get3A_157 = arith.index_cast %get3A_156 : i64 to index
      %get3A_158 = arith.constant 0 : index
      %get3A_159 = tpu.vector_load %arg17[%get3A_157, %get3A_158] {strides = array<i32>} : memref<32x16xf32, #tpu.memory_space<vmem>>, vector<1x16xf32>,
      %get3A_160 = vector.shape_cast %get3A_159 : vector<1x16xf32> to vector<16xf32>
      %mul3A_161 = arith.mulf %bitcast_convert_type3A_77, %get3A_160 : vector<16xf32>
      %get3A_162 = arith.constant 5 : i64
      %get3A_163 = arith.index_cast %get3A_162 : i64 to index
      %get3A_164 = arith.constant 0 : index
      %get3A_165 = tpu.vector_load %arg17[%get3A_163, %get3A_164] {strides = array<i32>} : memref<32x16xf32, #tpu.memory_space<vmem>>, vector<1x16xf32>,
      %get3A_166 = vector.shape_cast %get3A_165 : vector<1x16xf32> to vector<16xf32>
      %mul3A_167 = arith.mulf %bitcast_convert_type3A_92, %get3A_166 : vector<16xf32>
      %add3A_168 = arith.addf %mul3A_161, %mul3A_167 : vector<16xf32>
      %get3A_169 = arith.constant 6 : i64
      %get3A_170 = arith.index_cast %get3A_169 : i64 to index
      %get3A_171 = arith.constant 0 : index
      %get3A_172 = tpu.vector_load %arg17[%get3A_170, %get3A_171] {strides = array<i32>} : memref<32x16xf32, #tpu.memory_space<vmem>>, vector<1x16xf32>,
      %get3A_173 = vector.shape_cast %get3A_172 : vector<1x16xf32> to vector<16xf32>
      %mul3A_174 = arith.mulf %bitcast_convert_type3A_107, %get3A_173 : vector<16xf32>
      %add3A_175 = arith.addf %add3A_168, %mul3A_174 : vector<16xf32>
      %get3A_176 = arith.constant 7 : i64
      %get3A_177 = arith.index_cast %get3A_176 : i64 to index
      %get3A_178 = arith.constant 0 : index
      %get3A_179 = tpu.vector_load %arg17[%get3A_177, %get3A_178] {strides = array<i32>} : memref<32x16xf32, #tpu.memory_space<vmem>>, vector<1x16xf32>,
      %get3A_180 = vector.shape_cast %get3A_179 : vector<1x16xf32> to vector<16xf32>
      %mul3A_181 = arith.mulf %bitcast_convert_type3A_122, %get3A_180 : vector<16xf32>
      %add3A_182 = arith.addf %add3A_175, %mul3A_181 : vector<16xf32>
      %gt3A_183 = arith.constant 0.000000e+00 : f32
      %gt3A_184 = vector.broadcast %gt3A_183 : f32 to vector<16xf32>
      %gt3A_185 = arith.cmpf ogt, %add3A_182, %gt3A_184 : vector<16xf32>
      %jit3A_186 = arith.constant -2048144777 : i32
      %jit3A_187 = arith.constant 0 : i32
      %broadcast_in_dim3A_188 = vector.broadcast %jit3A_186 : i32 to vector<16xi32>
      %broadcast_in_dim3A_189 = vector.broadcast %jit3A_187 : i32 to vector<16xi32>
      %select_n3A_190 = arith.select %gt3A_185, %broadcast_in_dim3A_188, %broadcast_in_dim3A_189 : vector<16xi1>, vector<16xi32>
      %xor3A_191 = arith.xori %xor3A, %select_n3A_190 : vector<16xi32>
      %get3A_192 = arith.constant 8 : i64
      %get3A_193 = arith.index_cast %get3A_192 : i64 to index
      %get3A_194 = arith.constant 0 : index
      %get3A_195 = tpu.vector_load %arg17[%get3A_193, %get3A_194] {strides = array<i32>} : memref<32x16xf32, #tpu.memory_space<vmem>>, vector<1x16xf32>,
      %get3A_196 = vector.shape_cast %get3A_195 : vector<1x16xf32> to vector<16xf32>
      %mul3A_197 = arith.mulf %bitcast_convert_type3A_77, %get3A_196 : vector<16xf32>
      %get3A_198 = arith.constant 9 : i64
      %get3A_199 = arith.index_cast %get3A_198 : i64 to index
      %get3A_200 = arith.constant 0 : index
      %get3A_201 = tpu.vector_load %arg17[%get3A_199, %get3A_200] {strides = array<i32>} : memref<32x16xf32, #tpu.memory_space<vmem>>, vector<1x16xf32>,
      %get3A_202 = vector.shape_cast %get3A_201 : vector<1x16xf32> to vector<16xf32>
      %mul3A_203 = arith.mulf %bitcast_convert_type3A_92, %get3A_202 : vector<16xf32>
      %add3A_204 = arith.addf %mul3A_197, %mul3A_203 : vector<16xf32>
      %get3A_205 = arith.constant 10 : i64
      %get3A_206 = arith.index_cast %get3A_205 : i64 to index
      %get3A_207 = arith.constant 0 : index
      %get3A_208 = tpu.vector_load %arg17[%get3A_206, %get3A_207] {strides = array<i32>} : memref<32x16xf32, #tpu.memory_space<vmem>>, vector<1x16xf32>,
      %get3A_209 = vector.shape_cast %get3A_208 : vector<1x16xf32> to vector<16xf32>
      %mul3A_210 = arith.mulf %bitcast_convert_type3A_107, %get3A_209 : vector<16xf32>
      %add3A_211 = arith.addf %add3A_204, %mul3A_210 : vector<16xf32>
      %get3A_212 = arith.constant 11 : i64
      %get3A_213 = arith.index_cast %get3A_212 : i64 to index
      %get3A_214 = arith.constant 0 : index
      %get3A_215 = tpu.vector_load %arg17[%get3A_213, %get3A_214] {strides = array<i32>} : memref<32x16xf32, #tpu.memory_space<vmem>>, vector<1x16xf32>,
      %get3A_216 = vector.shape_cast %get3A_215 : vector<1x16xf32> to vector<16xf32>
      %mul3A_217 = arith.mulf %bitcast_convert_type3A_122, %get3A_216 : vector<16xf32>
      %add3A_218 = arith.addf %add3A_211, %mul3A_217 : vector<16xf32>
      %gt3A_219 = arith.constant 0.000000e+00 : f32
      %gt3A_220 = vector.broadcast %gt3A_219 : f32 to vector<16xf32>
      %gt3A_221 = arith.cmpf ogt, %add3A_218, %gt3A_220 : vector<16xf32>
      %jit3A_222 = arith.constant -1028477379 : i32
      %jit3A_223 = arith.constant 0 : i32
      %broadcast_in_dim3A_224 = vector.broadcast %jit3A_222 : i32 to vector<16xi32>
      %broadcast_in_dim3A_225 = vector.broadcast %jit3A_223 : i32 to vector<16xi32>
      %select_n3A_226 = arith.select %gt3A_221, %broadcast_in_dim3A_224, %broadcast_in_dim3A_225 : vector<16xi1>, vector<16xi32>
      %xor3A_227 = arith.xori %xor3A_191, %select_n3A_226 : vector<16xi32>
      %get3A_228 = arith.constant 12 : i64
      %get3A_229 = arith.index_cast %get3A_228 : i64 to index
      %get3A_230 = arith.constant 0 : index
      %get3A_231 = tpu.vector_load %arg17[%get3A_229, %get3A_230] {strides = array<i32>} : memref<32x16xf32, #tpu.memory_space<vmem>>, vector<1x16xf32>,
      %get3A_232 = vector.shape_cast %get3A_231 : vector<1x16xf32> to vector<16xf32>
      %mul3A_233 = arith.mulf %bitcast_convert_type3A_77, %get3A_232 : vector<16xf32>
      %get3A_234 = arith.constant 13 : i64
      %get3A_235 = arith.index_cast %get3A_234 : i64 to index
      %get3A_236 = arith.constant 0 : index
      %get3A_237 = tpu.vector_load %arg17[%get3A_235, %get3A_236] {strides = array<i32>} : memref<32x16xf32, #tpu.memory_space<vmem>>, vector<1x16xf32>,
      %get3A_238 = vector.shape_cast %get3A_237 : vector<1x16xf32> to vector<16xf32>
      %mul3A_239 = arith.mulf %bitcast_convert_type3A_92, %get3A_238 : vector<16xf32>
      %add3A_240 = arith.addf %mul3A_233, %mul3A_239 : vector<16xf32>
      %get3A_241 = arith.constant 14 : i64
      %get3A_242 = arith.index_cast %get3A_241 : i64 to index
      %get3A_243 = arith.constant 0 : index
      %get3A_244 = tpu.vector_load %arg17[%get3A_242, %get3A_243] {strides = array<i32>} : memref<32x16xf32, #tpu.memory_space<vmem>>, vector<1x16xf32>,
      %get3A_245 = vector.shape_cast %get3A_244 : vector<1x16xf32> to vector<16xf32>
      %mul3A_246 = arith.mulf %bitcast_convert_type3A_107, %get3A_245 : vector<16xf32>
      %add3A_247 = arith.addf %add3A_240, %mul3A_246 : vector<16xf32>
      %get3A_248 = arith.constant 15 : i64
      %get3A_249 = arith.index_cast %get3A_248 : i64 to index
      %get3A_250 = arith.constant 0 : index
      %get3A_251 = tpu.vector_load %arg17[%get3A_249, %get3A_250] {strides = array<i32>} : memref<32x16xf32, #tpu.memory_space<vmem>>, vector<1x16xf32>,
      %get3A_252 = vector.shape_cast %get3A_251 : vector<1x16xf32> to vector<16xf32>
      %mul3A_253 = arith.mulf %bitcast_convert_type3A_122, %get3A_252 : vector<16xf32>
      %add3A_254 = arith.addf %add3A_247, %mul3A_253 : vector<16xf32>
      %gt3A_255 = arith.constant 0.000000e+00 : f32
      %gt3A_256 = vector.broadcast %gt3A_255 : f32 to vector<16xf32>
      %gt3A_257 = arith.cmpf ogt, %add3A_254, %gt3A_256 : vector<16xf32>
      %jit3A_258 = arith.constant 2028178513 : i32
      %jit3A_259 = arith.constant 0 : i32
      %broadcast_in_dim3A_260 = vector.broadcast %jit3A_258 : i32 to vector<16xi32>
      %broadcast_in_dim3A_261 = vector.broadcast %jit3A_259 : i32 to vector<16xi32>
      %select_n3A_262 = arith.select %gt3A_257, %broadcast_in_dim3A_260, %broadcast_in_dim3A_261 : vector<16xi1>, vector<16xi32>
      %xor3A_263 = arith.xori %xor3A_227, %select_n3A_262 : vector<16xi32>
      %get3A_264 = arith.constant 16 : i64
      %get3A_265 = arith.index_cast %get3A_264 : i64 to index
      %get3A_266 = arith.constant 0 : index
      %get3A_267 = tpu.vector_load %arg17[%get3A_265, %get3A_266] {strides = array<i32>} : memref<32x16xf32, #tpu.memory_space<vmem>>, vector<1x16xf32>,
      %get3A_268 = vector.shape_cast %get3A_267 : vector<1x16xf32> to vector<16xf32>
      %mul3A_269 = arith.mulf %bitcast_convert_type3A_77, %get3A_268 : vector<16xf32>
      %get3A_270 = arith.constant 17 : i64
      %get3A_271 = arith.index_cast %get3A_270 : i64 to index
      %get3A_272 = arith.constant 0 : index
      %get3A_273 = tpu.vector_load %arg17[%get3A_271, %get3A_272] {strides = array<i32>} : memref<32x16xf32, #tpu.memory_space<vmem>>, vector<1x16xf32>,
      %get3A_274 = vector.shape_cast %get3A_273 : vector<1x16xf32> to vector<16xf32>
      %mul3A_275 = arith.mulf %bitcast_convert_type3A_92, %get3A_274 : vector<16xf32>
      %add3A_276 = arith.addf %mul3A_269, %mul3A_275 : vector<16xf32>
      %get3A_277 = arith.constant 18 : i64
      %get3A_278 = arith.index_cast %get3A_277 : i64 to index
      %get3A_279 = arith.constant 0 : index
      %get3A_280 = tpu.vector_load %arg17[%get3A_278, %get3A_279] {strides = array<i32>} : memref<32x16xf32, #tpu.memory_space<vmem>>, vector<1x16xf32>,
      %get3A_281 = vector.shape_cast %get3A_280 : vector<1x16xf32> to vector<16xf32>
      %mul3A_282 = arith.mulf %bitcast_convert_type3A_107, %get3A_281 : vector<16xf32>
      %add3A_283 = arith.addf %add3A_276, %mul3A_282 : vector<16xf32>
      %get3A_284 = arith.constant 19 : i64
      %get3A_285 = arith.index_cast %get3A_284 : i64 to index
      %get3A_286 = arith.constant 0 : index
      %get3A_287 = tpu.vector_load %arg17[%get3A_285, %get3A_286] {strides = array<i32>} : memref<32x16xf32, #tpu.memory_space<vmem>>, vector<1x16xf32>,
      %get3A_288 = vector.shape_cast %get3A_287 : vector<1x16xf32> to vector<16xf32>
      %mul3A_289 = arith.mulf %bitcast_convert_type3A_122, %get3A_288 : vector<16xf32>
      %add3A_290 = arith.addf %add3A_283, %mul3A_289 : vector<16xf32>
      %gt3A_291 = arith.constant 0.000000e+00 : f32
      %gt3A_292 = vector.broadcast %gt3A_291 : f32 to vector<16xf32>
      %gt3A_293 = arith.cmpf ogt, %add3A_290, %gt3A_292 : vector<16xf32>
      %jit3A_294 = arith.constant 1220703125 : i32
      %jit3A_295 = arith.constant 0 : i32
      %broadcast_in_dim3A_296 = vector.broadcast %jit3A_294 : i32 to vector<16xi32>
      %broadcast_in_dim3A_297 = vector.broadcast %jit3A_295 : i32 to vector<16xi32>
      %select_n3A_298 = arith.select %gt3A_293, %broadcast_in_dim3A_296, %broadcast_in_dim3A_297 : vector<16xi1>, vector<16xi32>
      %xor3A_299 = arith.xori %xor3A_263, %select_n3A_298 : vector<16xi32>
      %get3A_300 = arith.constant 20 : i64
      %get3A_301 = arith.index_cast %get3A_300 : i64 to index
      %get3A_302 = arith.constant 0 : index
      %get3A_303 = tpu.vector_load %arg17[%get3A_301, %get3A_302] {strides = array<i32>} : memref<32x16xf32, #tpu.memory_space<vmem>>, vector<1x16xf32>,
      %get3A_304 = vector.shape_cast %get3A_303 : vector<1x16xf32> to vector<16xf32>
      %mul3A_305 = arith.mulf %bitcast_convert_type3A_77, %get3A_304 : vector<16xf32>
      %get3A_306 = arith.constant 21 : i64
      %get3A_307 = arith.index_cast %get3A_306 : i64 to index
      %get3A_308 = arith.constant 0 : index
      %get3A_309 = tpu.vector_load %arg17[%get3A_307, %get3A_308] {strides = array<i32>} : memref<32x16xf32, #tpu.memory_space<vmem>>, vector<1x16xf32>,
      %get3A_310 = vector.shape_cast %get3A_309 : vector<1x16xf32> to vector<16xf32>
      %mul3A_311 = arith.mulf %bitcast_convert_type3A_92, %get3A_310 : vector<16xf32>
      %add3A_312 = arith.addf %mul3A_305, %mul3A_311 : vector<16xf32>
      %get3A_313 = arith.constant 22 : i64
      %get3A_314 = arith.index_cast %get3A_313 : i64 to index
      %get3A_315 = arith.constant 0 : index
      %get3A_316 = tpu.vector_load %arg17[%get3A_314, %get3A_315] {strides = array<i32>} : memref<32x16xf32, #tpu.memory_space<vmem>>, vector<1x16xf32>,
      %get3A_317 = vector.shape_cast %get3A_316 : vector<1x16xf32> to vector<16xf32>
      %mul3A_318 = arith.mulf %bitcast_convert_type3A_107, %get3A_317 : vector<16xf32>
      %add3A_319 = arith.addf %add3A_312, %mul3A_318 : vector<16xf32>
      %get3A_320 = arith.constant 23 : i64
      %get3A_321 = arith.index_cast %get3A_320 : i64 to index
      %get3A_322 = arith.constant 0 : index
      %get3A_323 = tpu.vector_load %arg17[%get3A_321, %get3A_322] {strides = array<i32>} : memref<32x16xf32, #tpu.memory_space<vmem>>, vector<1x16xf32>,
      %get3A_324 = vector.shape_cast %get3A_323 : vector<1x16xf32> to vector<16xf32>
      %mul3A_325 = arith.mulf %bitcast_convert_type3A_122, %get3A_324 : vector<16xf32>
      %add3A_326 = arith.addf %add3A_319, %mul3A_325 : vector<16xf32>
      %gt3A_327 = arith.constant 0.000000e+00 : f32
      %gt3A_328 = vector.broadcast %gt3A_327 : f32 to vector<16xf32>
      %gt3A_329 = arith.cmpf ogt, %add3A_326, %gt3A_328 : vector<16xf32>
      %jit3A_330 = arith.constant 1610612741 : i32
      %jit3A_331 = arith.constant 0 : i32
      %broadcast_in_dim3A_332 = vector.broadcast %jit3A_330 : i32 to vector<16xi32>
      %broadcast_in_dim3A_333 = vector.broadcast %jit3A_331 : i32 to vector<16xi32>
      %select_n3A_334 = arith.select %gt3A_329, %broadcast_in_dim3A_332, %broadcast_in_dim3A_333 : vector<16xi1>, vector<16xi32>
      %xor3A_335 = arith.xori %xor3A_299, %select_n3A_334 : vector<16xi32>
      %get3A_336 = arith.constant 24 : i64
      %get3A_337 = arith.index_cast %get3A_336 : i64 to index
      %get3A_338 = arith.constant 0 : index
      %get3A_339 = tpu.vector_load %arg17[%get3A_337, %get3A_338] {strides = array<i32>} : memref<32x16xf32, #tpu.memory_space<vmem>>, vector<1x16xf32>,
      %get3A_340 = vector.shape_cast %get3A_339 : vector<1x16xf32> to vector<16xf32>
      %mul3A_341 = arith.mulf %bitcast_convert_type3A_77, %get3A_340 : vector<16xf32>
      %get3A_342 = arith.constant 25 : i64
      %get3A_343 = arith.index_cast %get3A_342 : i64 to index
      %get3A_344 = arith.constant 0 : index
      %get3A_345 = tpu.vector_load %arg17[%get3A_343, %get3A_344] {strides = array<i32>} : memref<32x16xf32, #tpu.memory_space<vmem>>, vector<1x16xf32>,
      %get3A_346 = vector.shape_cast %get3A_345 : vector<1x16xf32> to vector<16xf32>
      %mul3A_347 = arith.mulf %bitcast_convert_type3A_92, %get3A_346 : vector<16xf32>
      %add3A_348 = arith.addf %mul3A_341, %mul3A_347 : vector<16xf32>
      %get3A_349 = arith.constant 26 : i64
      %get3A_350 = arith.index_cast %get3A_349 : i64 to index
      %get3A_351 = arith.constant 0 : index
      %get3A_352 = tpu.vector_load %arg17[%get3A_350, %get3A_351] {strides = array<i32>} : memref<32x16xf32, #tpu.memory_space<vmem>>, vector<1x16xf32>,
      %get3A_353 = vector.shape_cast %get3A_352 : vector<1x16xf32> to vector<16xf32>
      %mul3A_354 = arith.mulf %bitcast_convert_type3A_107, %get3A_353 : vector<16xf32>
      %add3A_355 = arith.addf %add3A_348, %mul3A_354 : vector<16xf32>
      %get3A_356 = arith.constant 27 : i64
      %get3A_357 = arith.index_cast %get3A_356 : i64 to index
      %get3A_358 = arith.constant 0 : index
      %get3A_359 = tpu.vector_load %arg17[%get3A_357, %get3A_358] {strides = array<i32>} : memref<32x16xf32, #tpu.memory_space<vmem>>, vector<1x16xf32>,
      %get3A_360 = vector.shape_cast %get3A_359 : vector<1x16xf32> to vector<16xf32>
      %mul3A_361 = arith.mulf %bitcast_convert_type3A_122, %get3A_360 : vector<16xf32>
      %add3A_362 = arith.addf %add3A_355, %mul3A_361 : vector<16xf32>
      %gt3A_363 = arith.constant 0.000000e+00 : f32
      %gt3A_364 = vector.broadcast %gt3A_363 : f32 to vector<16xf32>
      %gt3A_365 = arith.cmpf ogt, %add3A_362, %gt3A_364 : vector<16xf32>
      %jit3A_366 = arith.constant 805306457 : i32
      %jit3A_367 = arith.constant 0 : i32
      %broadcast_in_dim3A_368 = vector.broadcast %jit3A_366 : i32 to vector<16xi32>
      %broadcast_in_dim3A_369 = vector.broadcast %jit3A_367 : i32 to vector<16xi32>
      %select_n3A_370 = arith.select %gt3A_365, %broadcast_in_dim3A_368, %broadcast_in_dim3A_369 : vector<16xi1>, vector<16xi32>
      %xor3A_371 = arith.xori %xor3A_335, %select_n3A_370 : vector<16xi32>
      %get3A_372 = arith.constant 28 : i64
      %get3A_373 = arith.index_cast %get3A_372 : i64 to index
      %get3A_374 = arith.constant 0 : index
      %get3A_375 = tpu.vector_load %arg17[%get3A_373, %get3A_374] {strides = array<i32>} : memref<32x16xf32, #tpu.memory_space<vmem>>, vector<1x16xf32>,
      %get3A_376 = vector.shape_cast %get3A_375 : vector<1x16xf32> to vector<16xf32>
      %mul3A_377 = arith.mulf %bitcast_convert_type3A_77, %get3A_376 : vector<16xf32>
      %get3A_378 = arith.constant 29 : i64
      %get3A_379 = arith.index_cast %get3A_378 : i64 to index
      %get3A_380 = arith.constant 0 : index
      %get3A_381 = tpu.vector_load %arg17[%get3A_379, %get3A_380] {strides = array<i32>} : memref<32x16xf32, #tpu.memory_space<vmem>>, vector<1x16xf32>,
      %get3A_382 = vector.shape_cast %get3A_381 : vector<1x16xf32> to vector<16xf32>
      %mul3A_383 = arith.mulf %bitcast_convert_type3A_92, %get3A_382 : vector<16xf32>
      %add3A_384 = arith.addf %mul3A_377, %mul3A_383 : vector<16xf32>
      %get3A_385 = arith.constant 30 : i64
      %get3A_386 = arith.index_cast %get3A_385 : i64 to index
      %get3A_387 = arith.constant 0 : index
      %get3A_388 = tpu.vector_load %arg17[%get3A_386, %get3A_387] {strides = array<i32>} : memref<32x16xf32, #tpu.memory_space<vmem>>, vector<1x16xf32>,
      %get3A_389 = vector.shape_cast %get3A_388 : vector<1x16xf32> to vector<16xf32>
      %mul3A_390 = arith.mulf %bitcast_convert_type3A_107, %get3A_389 : vector<16xf32>
      %add3A_391 = arith.addf %add3A_384, %mul3A_390 : vector<16xf32>
      %get3A_392 = arith.constant 31 : i64
      %get3A_393 = arith.index_cast %get3A_392 : i64 to index
      %get3A_394 = arith.constant 0 : index
      %get3A_395 = tpu.vector_load %arg17[%get3A_393, %get3A_394] {strides = array<i32>} : memref<32x16xf32, #tpu.memory_space<vmem>>, vector<1x16xf32>,
      %get3A_396 = vector.shape_cast %get3A_395 : vector<1x16xf32> to vector<16xf32>
      %mul3A_397 = arith.mulf %bitcast_convert_type3A_122, %get3A_396 : vector<16xf32>
      %add3A_398 = arith.addf %add3A_391, %mul3A_397 : vector<16xf32>
      %gt3A_399 = arith.constant 0.000000e+00 : f32
      %gt3A_400 = vector.broadcast %gt3A_399 : f32 to vector<16xf32>
      %gt3A_401 = arith.cmpf ogt, %add3A_398, %gt3A_400 : vector<16xf32>
      %jit3A_402 = arith.constant 402653189 : i32
      %jit3A_403 = arith.constant 0 : i32
      %broadcast_in_dim3A_404 = vector.broadcast %jit3A_402 : i32 to vector<16xi32>
      %broadcast_in_dim3A_405 = vector.broadcast %jit3A_403 : i32 to vector<16xi32>
      %select_n3A_406 = arith.select %gt3A_401, %broadcast_in_dim3A_404, %broadcast_in_dim3A_405 : vector<16xi1>, vector<16xi32>
      %xor3A_407 = arith.xori %xor3A_371, %select_n3A_406 : vector<16xi32>
      %get3A_408 = arith.constant 2 : i64
      %get3A_409 = arith.index_cast %get3A_408 : i64 to index
      %get3A_410 = arith.index_cast %mul3A_46 : i32 to index
      %get3A_411 = tpu.vector_load %arg14[%get3A_409, %get3A_410] {strides = array<i32>} : memref<4x1792xi32, #tpu.memory_space<vmem>>, vector<1x16xi32>,
      %get3A_412 = vector.shape_cast %get3A_411 : vector<1x16xi32> to vector<16xi32>
      %xor3A_413 = arith.xori %get3A_412, %xor3A_407 : vector<16xi32>
      %shift_right_logical3A_414 = arith.constant 21 : i32
      %shift_right_logical3A_415 = vector.broadcast %shift_right_logical3A_414 : i32 to vector<16xi32>
      %shift_right_logical3A_416 = arith.shrui %xor3A_413, %shift_right_logical3A_415 : vector<16xi32>
      %mul3A_417 = arith.constant 97152 : i32
      %mul3A_418 = vector.broadcast %mul3A_417 : i32 to vector<16xi32>
      %mul3A_419 = arith.muli %shift_right_logical3A_416, %mul3A_418 : vector<16xi32>
      %and3A_420 = arith.constant 2097151 : i32
      %and3A_421 = vector.broadcast %and3A_420 : i32 to vector<16xi32>
      %and3A_422 = arith.andi %xor3A_413, %and3A_421 : vector<16xi32>
      %add3A_423 = arith.addi %mul3A_419, %and3A_422 : vector<16xi32>
      %convert_element_type3A = arith.sitofp %add3A_423 : vector<16xi32> to vector<16xf32>
      %mul3A_424 = arith.constant 5.000000e-07 : f32
      %mul3A_425 = vector.broadcast %mul3A_424 : f32 to vector<16xf32>
      %mul3A_426 = arith.mulf %convert_element_type3A, %mul3A_425 : vector<16xf32>
      %convert_element_type3A_427 = arith.fptosi %mul3A_426 : vector<16xf32> to vector<16xi32>
      %mul3A_428 = arith.constant 2000000 : i32
      %mul3A_429 = vector.broadcast %mul3A_428 : i32 to vector<16xi32>
      %mul3A_430 = arith.muli %convert_element_type3A_427, %mul3A_429 : vector<16xi32>
      %sub3A = arith.subi %add3A_423, %mul3A_430 : vector<16xi32>
      %lt3A = arith.constant 0 : i32
      %lt3A_431 = vector.broadcast %lt3A : i32 to vector<16xi32>
      %lt3A_432 = arith.cmpi slt, %sub3A, %lt3A_431 : vector<16xi32>
      %add3A_433 = arith.constant 2000000 : i32
      %add3A_434 = vector.broadcast %add3A_433 : i32 to vector<16xi32>
      %add3A_435 = arith.addi %sub3A, %add3A_434 : vector<16xi32>
      %select_n3A_436 = arith.select %lt3A_432, %add3A_435, %sub3A : vector<16xi1>, vector<16xi32>
      %ge3A = arith.constant 2000000 : i32
      %ge3A_437 = vector.broadcast %ge3A : i32 to vector<16xi32>
      %ge3A_438 = arith.cmpi sge, %select_n3A_436, %ge3A_437 : vector<16xi32>
      %sub3A_439 = arith.constant 2000000 : i32
      %sub3A_440 = vector.broadcast %sub3A_439 : i32 to vector<16xi32>
      %sub3A_441 = arith.subi %select_n3A_436, %sub3A_440 : vector<16xi32>
      %select_n3A_442 = arith.select %ge3A_438, %sub3A_441, %select_n3A_436 : vector<16xi1>, vector<16xi32>
      %swap3A = arith.constant 2 : i64
      %swap3A_443 = arith.index_cast %swap3A : i64 to index
      %swap3A_444 = arith.index_cast %mul3A_46 : i32 to index
      %swap3A_445 = tpu.vector_load %arg15[%swap3A_443, %swap3A_444] {strides = array<i32>} : memref<4x1792xi32, #tpu.memory_space<vmem>>, vector<1x16xi32>,
      %swap3A_446 = vector.shape_cast %swap3A_445 : vector<1x16xi32> to vector<16xi32>
      %swap3A_447 = vector.shape_cast %select_n3A_442 : vector<16xi32> to vector<1x16xi32>
      tpu.vector_store %arg15[%swap3A_443, %swap3A_444], %swap3A_447 {strides = array<i32>} : memref<4x1792xi32, #tpu.memory_space<vmem>>, vector<1x16xi32>,
      %get3A_448 = arith.constant 3 : i64
      %get3A_449 = arith.index_cast %get3A_448 : i64 to index
      %get3A_450 = arith.index_cast %mul3A_46 : i32 to index
      %get3A_451 = tpu.vector_load %arg14[%get3A_449, %get3A_450] {strides = array<i32>} : memref<4x1792xi32, #tpu.memory_space<vmem>>, vector<1x16xi32>,
      %get3A_452 = vector.shape_cast %get3A_451 : vector<1x16xi32> to vector<16xi32>
      %xor3A_453 = arith.xori %get3A_452, %xor3A_407 : vector<16xi32>
      %shift_right_logical3A_454 = arith.constant 21 : i32
      %shift_right_logical3A_455 = vector.broadcast %shift_right_logical3A_454 : i32 to vector<16xi32>
      %shift_right_logical3A_456 = arith.shrui %xor3A_453, %shift_right_logical3A_455 : vector<16xi32>
      %mul3A_457 = arith.constant 97152 : i32
      %mul3A_458 = vector.broadcast %mul3A_457 : i32 to vector<16xi32>
      %mul3A_459 = arith.muli %shift_right_logical3A_456, %mul3A_458 : vector<16xi32>
      %and3A_460 = arith.constant 2097151 : i32
      %and3A_461 = vector.broadcast %and3A_460 : i32 to vector<16xi32>
      %and3A_462 = arith.andi %xor3A_453, %and3A_461 : vector<16xi32>
      %add3A_463 = arith.addi %mul3A_459, %and3A_462 : vector<16xi32>
      %convert_element_type3A_464 = arith.sitofp %add3A_463 : vector<16xi32> to vector<16xf32>
      %mul3A_465 = arith.constant 5.000000e-07 : f32
      %mul3A_466 = vector.broadcast %mul3A_465 : f32 to vector<16xf32>
      %mul3A_467 = arith.mulf %convert_element_type3A_464, %mul3A_466 : vector<16xf32>
      %convert_element_type3A_468 = arith.fptosi %mul3A_467 : vector<16xf32> to vector<16xi32>
      %mul3A_469 = arith.constant 2000000 : i32
      %mul3A_470 = vector.broadcast %mul3A_469 : i32 to vector<16xi32>
      %mul3A_471 = arith.muli %convert_element_type3A_468, %mul3A_470 : vector<16xi32>
      %sub3A_472 = arith.subi %add3A_463, %mul3A_471 : vector<16xi32>
      %lt3A_473 = arith.constant 0 : i32
      %lt3A_474 = vector.broadcast %lt3A_473 : i32 to vector<16xi32>
      %lt3A_475 = arith.cmpi slt, %sub3A_472, %lt3A_474 : vector<16xi32>
      %add3A_476 = arith.constant 2000000 : i32
      %add3A_477 = vector.broadcast %add3A_476 : i32 to vector<16xi32>
      %add3A_478 = arith.addi %sub3A_472, %add3A_477 : vector<16xi32>
      %select_n3A_479 = arith.select %lt3A_475, %add3A_478, %sub3A_472 : vector<16xi1>, vector<16xi32>
      %ge3A_480 = arith.constant 2000000 : i32
      %ge3A_481 = vector.broadcast %ge3A_480 : i32 to vector<16xi32>
      %ge3A_482 = arith.cmpi sge, %select_n3A_479, %ge3A_481 : vector<16xi32>
      %sub3A_483 = arith.constant 2000000 : i32
      %sub3A_484 = vector.broadcast %sub3A_483 : i32 to vector<16xi32>
      %sub3A_485 = arith.subi %select_n3A_479, %sub3A_484 : vector<16xi32>
      %select_n3A_486 = arith.select %ge3A_482, %sub3A_485, %select_n3A_479 : vector<16xi1>, vector<16xi32>
      %swap3A_487 = arith.constant 3 : i64
      %swap3A_488 = arith.index_cast %swap3A_487 : i64 to index
      %swap3A_489 = arith.index_cast %mul3A_46 : i32 to index
      %swap3A_490 = tpu.vector_load %arg15[%swap3A_488, %swap3A_489] {strides = array<i32>} : memref<4x1792xi32, #tpu.memory_space<vmem>>, vector<1x16xi32>,
      %swap3A_491 = vector.shape_cast %swap3A_490 : vector<1x16xi32> to vector<16xi32>
      %swap3A_492 = vector.shape_cast %select_n3A_486 : vector<16xi32> to vector<1x16xi32>
      tpu.vector_store %arg15[%swap3A_488, %swap3A_489], %swap3A_492 {strides = array<i32>} : memref<4x1792xi32, #tpu.memory_space<vmem>>, vector<1x16xi32>,
    }
    %while3A_33 = arith.constant 0 : i32
    %while3A_34 = arith.constant 0 : i32
    %while3A_35 = arith.constant 14 : i32
    %while3A_36 = arith.subi %while3A_35, %while3A_34 : i32
    %while3A_37 = arith.addi %while3A_34, %while3A_36 : i32
    %while3A_38 = arith.constant 1 : i32
    %while3A_39 = arith.divsi %while3A_36, %while3A_38 : i32
    %while3A_40 = arith.muli %while3A_39, %while3A_38 : i32
    %while3A_41 = arith.addi %while3A_34, %while3A_40 : i32
    %while3A_42 = arith.constant 1 : i32
    scf.for %while3A_44 = %while3A_34 to %while3A_41 step %while3A_42  : i32 {
      %mul3A_45 = arith.constant 128 : i32
      %mul3A_46 = arith.muli %while3A_44, %mul3A_45 : i32
      %mul3A_47 = arith.constant 128 : i32
      %mul3A_48 = arith.muli %while3A_44, %mul3A_47 : i32
      %dma_start3A = arith.constant 2 : i32
      %dma_start3A_49 = arith.constant 4 : i32
      %dma_start3A_50 = tpu.memref_slice %arg16[%dma_start3A_49, %mul3A_48] : memref<8x1792xf32, #tpu.memory_space<vmem>> -> memref<1x128xf32, #tpu.memory_space<vmem>>
      %dma_start3A_51 = tpu.memref_squeeze %dma_start3A_50 : memref<1x128xf32, #tpu.memory_space<vmem>> -> memref<128xf32, #tpu.memory_space<vmem>>
      %dma_start3A_52 = tpu.memref_slice %arg15[%dma_start3A, %mul3A_46] : memref<4x1792xi32, #tpu.memory_space<vmem>> -> memref<1x128xi32, #tpu.memory_space<vmem>>
      %dma_start3A_53 = tpu.memref_squeeze %dma_start3A_52 : memref<1x128xi32, #tpu.memory_space<vmem>> -> memref<128xi32, #tpu.memory_space<vmem>>
      %dma_start3A_54 = arith.constant 0 : i32
      %dma_start3A_55 = tpu.memref_slice %arg7[%dma_start3A_54] : memref<2000000xf32, #tpu.memory_space<hbm>> -> memref<2000000xf32, #tpu.memory_space<hbm>>
      tpu.enqueue_indirect_dma source(%dma_start3A_55 : memref<2000000xf32, #tpu.memory_space<hbm>>) target(%dma_start3A_51 : memref<128xf32, #tpu.memory_space<vmem>>) offsets(%dma_start3A_53 : memref<128xi32, #tpu.memory_space<vmem>>) semaphore(%arg18 : memref<!tpu.dma_semaphore, #tpu.memory_space<semaphore_mem>>)
      %mul3A_56 = arith.constant 128 : i32
      %mul3A_57 = arith.muli %while3A_44, %mul3A_56 : i32
      %mul3A_58 = arith.constant 128 : i32
      %mul3A_59 = arith.muli %while3A_44, %mul3A_58 : i32
      %dma_start3A_60 = arith.constant 2 : i32
      %dma_start3A_61 = arith.constant 5 : i32
      %dma_start3A_62 = tpu.memref_slice %arg16[%dma_start3A_61, %mul3A_59] : memref<8x1792xf32, #tpu.memory_space<vmem>> -> memref<1x128xf32, #tpu.memory_space<vmem>>
      %dma_start3A_63 = tpu.memref_squeeze %dma_start3A_62 : memref<1x128xf32, #tpu.memory_space<vmem>> -> memref<128xf32, #tpu.memory_space<vmem>>
      %dma_start3A_64 = tpu.memref_slice %arg15[%dma_start3A_60, %mul3A_57] : memref<4x1792xi32, #tpu.memory_space<vmem>> -> memref<1x128xi32, #tpu.memory_space<vmem>>
      %dma_start3A_65 = tpu.memref_squeeze %dma_start3A_64 : memref<1x128xi32, #tpu.memory_space<vmem>> -> memref<128xi32, #tpu.memory_space<vmem>>
      %dma_start3A_66 = arith.constant 0 : i32
      %dma_start3A_67 = tpu.memref_slice %arg8[%dma_start3A_66] : memref<2000000xf32, #tpu.memory_space<hbm>> -> memref<2000000xf32, #tpu.memory_space<hbm>>
      tpu.enqueue_indirect_dma source(%dma_start3A_67 : memref<2000000xf32, #tpu.memory_space<hbm>>) target(%dma_start3A_63 : memref<128xf32, #tpu.memory_space<vmem>>) offsets(%dma_start3A_65 : memref<128xi32, #tpu.memory_space<vmem>>) semaphore(%arg18 : memref<!tpu.dma_semaphore, #tpu.memory_space<semaphore_mem>>)
      %mul3A_68 = arith.constant 128 : i32
      %mul3A_69 = arith.muli %while3A_44, %mul3A_68 : i32
      %mul3A_70 = arith.constant 128 : i32
      %mul3A_71 = arith.muli %while3A_44, %mul3A_70 : i32
      %dma_start3A_72 = arith.constant 3 : i32
      %dma_start3A_73 = arith.constant 6 : i32
      %dma_start3A_74 = tpu.memref_slice %arg16[%dma_start3A_73, %mul3A_71] : memref<8x1792xf32, #tpu.memory_space<vmem>> -> memref<1x128xf32, #tpu.memory_space<vmem>>
      %dma_start3A_75 = tpu.memref_squeeze %dma_start3A_74 : memref<1x128xf32, #tpu.memory_space<vmem>> -> memref<128xf32, #tpu.memory_space<vmem>>
      %dma_start3A_76 = tpu.memref_slice %arg15[%dma_start3A_72, %mul3A_69] : memref<4x1792xi32, #tpu.memory_space<vmem>> -> memref<1x128xi32, #tpu.memory_space<vmem>>
      %dma_start3A_77 = tpu.memref_squeeze %dma_start3A_76 : memref<1x128xi32, #tpu.memory_space<vmem>> -> memref<128xi32, #tpu.memory_space<vmem>>
      %dma_start3A_78 = arith.constant 0 : i32
      %dma_start3A_79 = tpu.memref_slice %arg9[%dma_start3A_78] : memref<2000000xf32, #tpu.memory_space<hbm>> -> memref<2000000xf32, #tpu.memory_space<hbm>>
      tpu.enqueue_indirect_dma source(%dma_start3A_79 : memref<2000000xf32, #tpu.memory_space<hbm>>) target(%dma_start3A_75 : memref<128xf32, #tpu.memory_space<vmem>>) offsets(%dma_start3A_77 : memref<128xi32, #tpu.memory_space<vmem>>) semaphore(%arg18 : memref<!tpu.dma_semaphore, #tpu.memory_space<semaphore_mem>>)
      %mul3A_80 = arith.constant 128 : i32
      %mul3A_81 = arith.muli %while3A_44, %mul3A_80 : i32
      %mul3A_82 = arith.constant 128 : i32
      %mul3A_83 = arith.muli %while3A_44, %mul3A_82 : i32
      %dma_start3A_84 = arith.constant 3 : i32
      %dma_start3A_85 = arith.constant 7 : i32
      %dma_start3A_86 = tpu.memref_slice %arg16[%dma_start3A_85, %mul3A_83] : memref<8x1792xf32, #tpu.memory_space<vmem>> -> memref<1x128xf32, #tpu.memory_space<vmem>>
      %dma_start3A_87 = tpu.memref_squeeze %dma_start3A_86 : memref<1x128xf32, #tpu.memory_space<vmem>> -> memref<128xf32, #tpu.memory_space<vmem>>
      %dma_start3A_88 = tpu.memref_slice %arg15[%dma_start3A_84, %mul3A_81] : memref<4x1792xi32, #tpu.memory_space<vmem>> -> memref<1x128xi32, #tpu.memory_space<vmem>>
      %dma_start3A_89 = tpu.memref_squeeze %dma_start3A_88 : memref<1x128xi32, #tpu.memory_space<vmem>> -> memref<128xi32, #tpu.memory_space<vmem>>
      %dma_start3A_90 = arith.constant 0 : i32
      %dma_start3A_91 = tpu.memref_slice %arg10[%dma_start3A_90] : memref<2000000xf32, #tpu.memory_space<hbm>> -> memref<2000000xf32, #tpu.memory_space<hbm>>
      tpu.enqueue_indirect_dma source(%dma_start3A_91 : memref<2000000xf32, #tpu.memory_space<hbm>>) target(%dma_start3A_87 : memref<128xf32, #tpu.memory_space<vmem>>) offsets(%dma_start3A_89 : memref<128xi32, #tpu.memory_space<vmem>>) semaphore(%arg18 : memref<!tpu.dma_semaphore, #tpu.memory_space<semaphore_mem>>)
      %dma_wait3A = arith.constant 2 : i32
      %dma_wait3A_92 = arith.constant 4 : i32
      %dma_wait3A_93 = tpu.memref_slice %arg16[%dma_wait3A_92, %mul3A_48] : memref<8x1792xf32, #tpu.memory_space<vmem>> -> memref<1x128xf32, #tpu.memory_space<vmem>>
      %dma_wait3A_94 = tpu.memref_squeeze %dma_wait3A_93 : memref<1x128xf32, #tpu.memory_space<vmem>> -> memref<128xf32, #tpu.memory_space<vmem>>
      %dma_wait3A_95 = tpu.memref_slice %arg15[%dma_wait3A, %mul3A_46] : memref<4x1792xi32, #tpu.memory_space<vmem>> -> memref<1x128xi32, #tpu.memory_space<vmem>>
      %dma_wait3A_96 = tpu.memref_squeeze %dma_wait3A_95 : memref<1x128xi32, #tpu.memory_space<vmem>> -> memref<128xi32, #tpu.memory_space<vmem>>
      %dma_wait3A_97 = arith.constant 0 : i32
      %dma_wait3A_98 = tpu.memref_slice %arg7[%dma_wait3A_97] : memref<2000000xf32, #tpu.memory_space<hbm>> -> memref<2000000xf32, #tpu.memory_space<hbm>>
      tpu.wait_indirect_dma semaphore(%arg18 : memref<!tpu.dma_semaphore, #tpu.memory_space<semaphore_mem>>) src(%dma_wait3A_98 : memref<2000000xf32, #tpu.memory_space<hbm>>) dst(%dma_wait3A_94 : memref<128xf32, #tpu.memory_space<vmem>>)
      %dma_wait3A_99 = arith.constant 2 : i32
      %dma_wait3A_100 = arith.constant 5 : i32
      %dma_wait3A_101 = tpu.memref_slice %arg16[%dma_wait3A_100, %mul3A_59] : memref<8x1792xf32, #tpu.memory_space<vmem>> -> memref<1x128xf32, #tpu.memory_space<vmem>>
      %dma_wait3A_102 = tpu.memref_squeeze %dma_wait3A_101 : memref<1x128xf32, #tpu.memory_space<vmem>> -> memref<128xf32, #tpu.memory_space<vmem>>
      %dma_wait3A_103 = tpu.memref_slice %arg15[%dma_wait3A_99, %mul3A_57] : memref<4x1792xi32, #tpu.memory_space<vmem>> -> memref<1x128xi32, #tpu.memory_space<vmem>>
      %dma_wait3A_104 = tpu.memref_squeeze %dma_wait3A_103 : memref<1x128xi32, #tpu.memory_space<vmem>> -> memref<128xi32, #tpu.memory_space<vmem>>
      %dma_wait3A_105 = arith.constant 0 : i32
      %dma_wait3A_106 = tpu.memref_slice %arg8[%dma_wait3A_105] : memref<2000000xf32, #tpu.memory_space<hbm>> -> memref<2000000xf32, #tpu.memory_space<hbm>>
      tpu.wait_indirect_dma semaphore(%arg18 : memref<!tpu.dma_semaphore, #tpu.memory_space<semaphore_mem>>) src(%dma_wait3A_106 : memref<2000000xf32, #tpu.memory_space<hbm>>) dst(%dma_wait3A_102 : memref<128xf32, #tpu.memory_space<vmem>>)
      %dma_wait3A_107 = arith.constant 3 : i32
      %dma_wait3A_108 = arith.constant 6 : i32
      %dma_wait3A_109 = tpu.memref_slice %arg16[%dma_wait3A_108, %mul3A_71] : memref<8x1792xf32, #tpu.memory_space<vmem>> -> memref<1x128xf32, #tpu.memory_space<vmem>>
      %dma_wait3A_110 = tpu.memref_squeeze %dma_wait3A_109 : memref<1x128xf32, #tpu.memory_space<vmem>> -> memref<128xf32, #tpu.memory_space<vmem>>
      %dma_wait3A_111 = tpu.memref_slice %arg15[%dma_wait3A_107, %mul3A_69] : memref<4x1792xi32, #tpu.memory_space<vmem>> -> memref<1x128xi32, #tpu.memory_space<vmem>>
      %dma_wait3A_112 = tpu.memref_squeeze %dma_wait3A_111 : memref<1x128xi32, #tpu.memory_space<vmem>> -> memref<128xi32, #tpu.memory_space<vmem>>
      %dma_wait3A_113 = arith.constant 0 : i32
      %dma_wait3A_114 = tpu.memref_slice %arg9[%dma_wait3A_113] : memref<2000000xf32, #tpu.memory_space<hbm>> -> memref<2000000xf32, #tpu.memory_space<hbm>>
      tpu.wait_indirect_dma semaphore(%arg18 : memref<!tpu.dma_semaphore, #tpu.memory_space<semaphore_mem>>) src(%dma_wait3A_114 : memref<2000000xf32, #tpu.memory_space<hbm>>) dst(%dma_wait3A_110 : memref<128xf32, #tpu.memory_space<vmem>>)
      %dma_wait3A_115 = arith.constant 3 : i32
      %dma_wait3A_116 = arith.constant 7 : i32
      %dma_wait3A_117 = tpu.memref_slice %arg16[%dma_wait3A_116, %mul3A_83] : memref<8x1792xf32, #tpu.memory_space<vmem>> -> memref<1x128xf32, #tpu.memory_space<vmem>>
      %dma_wait3A_118 = tpu.memref_squeeze %dma_wait3A_117 : memref<1x128xf32, #tpu.memory_space<vmem>> -> memref<128xf32, #tpu.memory_space<vmem>>
      %dma_wait3A_119 = tpu.memref_slice %arg15[%dma_wait3A_115, %mul3A_81] : memref<4x1792xi32, #tpu.memory_space<vmem>> -> memref<1x128xi32, #tpu.memory_space<vmem>>
      %dma_wait3A_120 = tpu.memref_squeeze %dma_wait3A_119 : memref<1x128xi32, #tpu.memory_space<vmem>> -> memref<128xi32, #tpu.memory_space<vmem>>
      %dma_wait3A_121 = arith.constant 0 : i32
      %dma_wait3A_122 = tpu.memref_slice %arg10[%dma_wait3A_121] : memref<2000000xf32, #tpu.memory_space<hbm>> -> memref<2000000xf32, #tpu.memory_space<hbm>>
      tpu.wait_indirect_dma semaphore(%arg18 : memref<!tpu.dma_semaphore, #tpu.memory_space<semaphore_mem>>) src(%dma_wait3A_122 : memref<2000000xf32, #tpu.memory_space<hbm>>) dst(%dma_wait3A_118 : memref<128xf32, #tpu.memory_space<vmem>>)
    }
    %while3A_43 = arith.constant 1 : i32
    scf.for %while3A_44 = %while3A_41 to %while3A_37 step %while3A_43  : i32 {
      %mul3A_45 = arith.constant 128 : i32
      %mul3A_46 = arith.muli %while3A_44, %mul3A_45 : i32
      %mul3A_47 = arith.constant 128 : i32
      %mul3A_48 = arith.muli %while3A_44, %mul3A_47 : i32
      %dma_start3A = arith.constant 2 : i32
      %dma_start3A_49 = arith.constant 4 : i32
      %dma_start3A_50 = tpu.memref_slice %arg16[%dma_start3A_49, %mul3A_48] : memref<8x1792xf32, #tpu.memory_space<vmem>> -> memref<1x128xf32, #tpu.memory_space<vmem>>
      %dma_start3A_51 = tpu.memref_squeeze %dma_start3A_50 : memref<1x128xf32, #tpu.memory_space<vmem>> -> memref<128xf32, #tpu.memory_space<vmem>>
      %dma_start3A_52 = tpu.memref_slice %arg15[%dma_start3A, %mul3A_46] : memref<4x1792xi32, #tpu.memory_space<vmem>> -> memref<1x128xi32, #tpu.memory_space<vmem>>
      %dma_start3A_53 = tpu.memref_squeeze %dma_start3A_52 : memref<1x128xi32, #tpu.memory_space<vmem>> -> memref<128xi32, #tpu.memory_space<vmem>>
      %dma_start3A_54 = arith.constant 0 : i32
      %dma_start3A_55 = tpu.memref_slice %arg7[%dma_start3A_54] : memref<2000000xf32, #tpu.memory_space<hbm>> -> memref<2000000xf32, #tpu.memory_space<hbm>>
      tpu.enqueue_indirect_dma source(%dma_start3A_55 : memref<2000000xf32, #tpu.memory_space<hbm>>) target(%dma_start3A_51 : memref<128xf32, #tpu.memory_space<vmem>>) offsets(%dma_start3A_53 : memref<128xi32, #tpu.memory_space<vmem>>) semaphore(%arg18 : memref<!tpu.dma_semaphore, #tpu.memory_space<semaphore_mem>>)
      %mul3A_56 = arith.constant 128 : i32
      %mul3A_57 = arith.muli %while3A_44, %mul3A_56 : i32
      %mul3A_58 = arith.constant 128 : i32
      %mul3A_59 = arith.muli %while3A_44, %mul3A_58 : i32
      %dma_start3A_60 = arith.constant 2 : i32
      %dma_start3A_61 = arith.constant 5 : i32
      %dma_start3A_62 = tpu.memref_slice %arg16[%dma_start3A_61, %mul3A_59] : memref<8x1792xf32, #tpu.memory_space<vmem>> -> memref<1x128xf32, #tpu.memory_space<vmem>>
      %dma_start3A_63 = tpu.memref_squeeze %dma_start3A_62 : memref<1x128xf32, #tpu.memory_space<vmem>> -> memref<128xf32, #tpu.memory_space<vmem>>
      %dma_start3A_64 = tpu.memref_slice %arg15[%dma_start3A_60, %mul3A_57] : memref<4x1792xi32, #tpu.memory_space<vmem>> -> memref<1x128xi32, #tpu.memory_space<vmem>>
      %dma_start3A_65 = tpu.memref_squeeze %dma_start3A_64 : memref<1x128xi32, #tpu.memory_space<vmem>> -> memref<128xi32, #tpu.memory_space<vmem>>
      %dma_start3A_66 = arith.constant 0 : i32
      %dma_start3A_67 = tpu.memref_slice %arg8[%dma_start3A_66] : memref<2000000xf32, #tpu.memory_space<hbm>> -> memref<2000000xf32, #tpu.memory_space<hbm>>
      tpu.enqueue_indirect_dma source(%dma_start3A_67 : memref<2000000xf32, #tpu.memory_space<hbm>>) target(%dma_start3A_63 : memref<128xf32, #tpu.memory_space<vmem>>) offsets(%dma_start3A_65 : memref<128xi32, #tpu.memory_space<vmem>>) semaphore(%arg18 : memref<!tpu.dma_semaphore, #tpu.memory_space<semaphore_mem>>)
      %mul3A_68 = arith.constant 128 : i32
      %mul3A_69 = arith.muli %while3A_44, %mul3A_68 : i32
      %mul3A_70 = arith.constant 128 : i32
      %mul3A_71 = arith.muli %while3A_44, %mul3A_70 : i32
      %dma_start3A_72 = arith.constant 3 : i32
      %dma_start3A_73 = arith.constant 6 : i32
      %dma_start3A_74 = tpu.memref_slice %arg16[%dma_start3A_73, %mul3A_71] : memref<8x1792xf32, #tpu.memory_space<vmem>> -> memref<1x128xf32, #tpu.memory_space<vmem>>
      %dma_start3A_75 = tpu.memref_squeeze %dma_start3A_74 : memref<1x128xf32, #tpu.memory_space<vmem>> -> memref<128xf32, #tpu.memory_space<vmem>>
      %dma_start3A_76 = tpu.memref_slice %arg15[%dma_start3A_72, %mul3A_69] : memref<4x1792xi32, #tpu.memory_space<vmem>> -> memref<1x128xi32, #tpu.memory_space<vmem>>
      %dma_start3A_77 = tpu.memref_squeeze %dma_start3A_76 : memref<1x128xi32, #tpu.memory_space<vmem>> -> memref<128xi32, #tpu.memory_space<vmem>>
      %dma_start3A_78 = arith.constant 0 : i32
      %dma_start3A_79 = tpu.memref_slice %arg9[%dma_start3A_78] : memref<2000000xf32, #tpu.memory_space<hbm>> -> memref<2000000xf32, #tpu.memory_space<hbm>>
      tpu.enqueue_indirect_dma source(%dma_start3A_79 : memref<2000000xf32, #tpu.memory_space<hbm>>) target(%dma_start3A_75 : memref<128xf32, #tpu.memory_space<vmem>>) offsets(%dma_start3A_77 : memref<128xi32, #tpu.memory_space<vmem>>) semaphore(%arg18 : memref<!tpu.dma_semaphore, #tpu.memory_space<semaphore_mem>>)
      %mul3A_80 = arith.constant 128 : i32
      %mul3A_81 = arith.muli %while3A_44, %mul3A_80 : i32
      %mul3A_82 = arith.constant 128 : i32
      %mul3A_83 = arith.muli %while3A_44, %mul3A_82 : i32
      %dma_start3A_84 = arith.constant 3 : i32
      %dma_start3A_85 = arith.constant 7 : i32
      %dma_start3A_86 = tpu.memref_slice %arg16[%dma_start3A_85, %mul3A_83] : memref<8x1792xf32, #tpu.memory_space<vmem>> -> memref<1x128xf32, #tpu.memory_space<vmem>>
      %dma_start3A_87 = tpu.memref_squeeze %dma_start3A_86 : memref<1x128xf32, #tpu.memory_space<vmem>> -> memref<128xf32, #tpu.memory_space<vmem>>
      %dma_start3A_88 = tpu.memref_slice %arg15[%dma_start3A_84, %mul3A_81] : memref<4x1792xi32, #tpu.memory_space<vmem>> -> memref<1x128xi32, #tpu.memory_space<vmem>>
      %dma_start3A_89 = tpu.memref_squeeze %dma_start3A_88 : memref<1x128xi32, #tpu.memory_space<vmem>> -> memref<128xi32, #tpu.memory_space<vmem>>
      %dma_start3A_90 = arith.constant 0 : i32
      %dma_start3A_91 = tpu.memref_slice %arg10[%dma_start3A_90] : memref<2000000xf32, #tpu.memory_space<hbm>> -> memref<2000000xf32, #tpu.memory_space<hbm>>
      tpu.enqueue_indirect_dma source(%dma_start3A_91 : memref<2000000xf32, #tpu.memory_space<hbm>>) target(%dma_start3A_87 : memref<128xf32, #tpu.memory_space<vmem>>) offsets(%dma_start3A_89 : memref<128xi32, #tpu.memory_space<vmem>>) semaphore(%arg18 : memref<!tpu.dma_semaphore, #tpu.memory_space<semaphore_mem>>)
      %dma_wait3A = arith.constant 2 : i32
      %dma_wait3A_92 = arith.constant 4 : i32
      %dma_wait3A_93 = tpu.memref_slice %arg16[%dma_wait3A_92, %mul3A_48] : memref<8x1792xf32, #tpu.memory_space<vmem>> -> memref<1x128xf32, #tpu.memory_space<vmem>>
      %dma_wait3A_94 = tpu.memref_squeeze %dma_wait3A_93 : memref<1x128xf32, #tpu.memory_space<vmem>> -> memref<128xf32, #tpu.memory_space<vmem>>
      %dma_wait3A_95 = tpu.memref_slice %arg15[%dma_wait3A, %mul3A_46] : memref<4x1792xi32, #tpu.memory_space<vmem>> -> memref<1x128xi32, #tpu.memory_space<vmem>>
      %dma_wait3A_96 = tpu.memref_squeeze %dma_wait3A_95 : memref<1x128xi32, #tpu.memory_space<vmem>> -> memref<128xi32, #tpu.memory_space<vmem>>
      %dma_wait3A_97 = arith.constant 0 : i32
      %dma_wait3A_98 = tpu.memref_slice %arg7[%dma_wait3A_97] : memref<2000000xf32, #tpu.memory_space<hbm>> -> memref<2000000xf32, #tpu.memory_space<hbm>>
      tpu.wait_indirect_dma semaphore(%arg18 : memref<!tpu.dma_semaphore, #tpu.memory_space<semaphore_mem>>) src(%dma_wait3A_98 : memref<2000000xf32, #tpu.memory_space<hbm>>) dst(%dma_wait3A_94 : memref<128xf32, #tpu.memory_space<vmem>>)
      %dma_wait3A_99 = arith.constant 2 : i32
      %dma_wait3A_100 = arith.constant 5 : i32
      %dma_wait3A_101 = tpu.memref_slice %arg16[%dma_wait3A_100, %mul3A_59] : memref<8x1792xf32, #tpu.memory_space<vmem>> -> memref<1x128xf32, #tpu.memory_space<vmem>>
      %dma_wait3A_102 = tpu.memref_squeeze %dma_wait3A_101 : memref<1x128xf32, #tpu.memory_space<vmem>> -> memref<128xf32, #tpu.memory_space<vmem>>
      %dma_wait3A_103 = tpu.memref_slice %arg15[%dma_wait3A_99, %mul3A_57] : memref<4x1792xi32, #tpu.memory_space<vmem>> -> memref<1x128xi32, #tpu.memory_space<vmem>>
      %dma_wait3A_104 = tpu.memref_squeeze %dma_wait3A_103 : memref<1x128xi32, #tpu.memory_space<vmem>> -> memref<128xi32, #tpu.memory_space<vmem>>
      %dma_wait3A_105 = arith.constant 0 : i32
      %dma_wait3A_106 = tpu.memref_slice %arg8[%dma_wait3A_105] : memref<2000000xf32, #tpu.memory_space<hbm>> -> memref<2000000xf32, #tpu.memory_space<hbm>>
      tpu.wait_indirect_dma semaphore(%arg18 : memref<!tpu.dma_semaphore, #tpu.memory_space<semaphore_mem>>) src(%dma_wait3A_106 : memref<2000000xf32, #tpu.memory_space<hbm>>) dst(%dma_wait3A_102 : memref<128xf32, #tpu.memory_space<vmem>>)
      %dma_wait3A_107 = arith.constant 3 : i32
      %dma_wait3A_108 = arith.constant 6 : i32
      %dma_wait3A_109 = tpu.memref_slice %arg16[%dma_wait3A_108, %mul3A_71] : memref<8x1792xf32, #tpu.memory_space<vmem>> -> memref<1x128xf32, #tpu.memory_space<vmem>>
      %dma_wait3A_110 = tpu.memref_squeeze %dma_wait3A_109 : memref<1x128xf32, #tpu.memory_space<vmem>> -> memref<128xf32, #tpu.memory_space<vmem>>
      %dma_wait3A_111 = tpu.memref_slice %arg15[%dma_wait3A_107, %mul3A_69] : memref<4x1792xi32, #tpu.memory_space<vmem>> -> memref<1x128xi32, #tpu.memory_space<vmem>>
      %dma_wait3A_112 = tpu.memref_squeeze %dma_wait3A_111 : memref<1x128xi32, #tpu.memory_space<vmem>> -> memref<128xi32, #tpu.memory_space<vmem>>
      %dma_wait3A_113 = arith.constant 0 : i32
      %dma_wait3A_114 = tpu.memref_slice %arg9[%dma_wait3A_113] : memref<2000000xf32, #tpu.memory_space<hbm>> -> memref<2000000xf32, #tpu.memory_space<hbm>>
      tpu.wait_indirect_dma semaphore(%arg18 : memref<!tpu.dma_semaphore, #tpu.memory_space<semaphore_mem>>) src(%dma_wait3A_114 : memref<2000000xf32, #tpu.memory_space<hbm>>) dst(%dma_wait3A_110 : memref<128xf32, #tpu.memory_space<vmem>>)
      %dma_wait3A_115 = arith.constant 3 : i32
      %dma_wait3A_116 = arith.constant 7 : i32
      %dma_wait3A_117 = tpu.memref_slice %arg16[%dma_wait3A_116, %mul3A_83] : memref<8x1792xf32, #tpu.memory_space<vmem>> -> memref<1x128xf32, #tpu.memory_space<vmem>>
      %dma_wait3A_118 = tpu.memref_squeeze %dma_wait3A_117 : memref<1x128xf32, #tpu.memory_space<vmem>> -> memref<128xf32, #tpu.memory_space<vmem>>
      %dma_wait3A_119 = tpu.memref_slice %arg15[%dma_wait3A_115, %mul3A_81] : memref<4x1792xi32, #tpu.memory_space<vmem>> -> memref<1x128xi32, #tpu.memory_space<vmem>>
      %dma_wait3A_120 = tpu.memref_squeeze %dma_wait3A_119 : memref<1x128xi32, #tpu.memory_space<vmem>> -> memref<128xi32, #tpu.memory_space<vmem>>
      %dma_wait3A_121 = arith.constant 0 : i32
      %dma_wait3A_122 = tpu.memref_slice %arg10[%dma_wait3A_121] : memref<2000000xf32, #tpu.memory_space<hbm>> -> memref<2000000xf32, #tpu.memory_space<hbm>>
      tpu.wait_indirect_dma semaphore(%arg18 : memref<!tpu.dma_semaphore, #tpu.memory_space<semaphore_mem>>) src(%dma_wait3A_122 : memref<2000000xf32, #tpu.memory_space<hbm>>) dst(%dma_wait3A_118 : memref<128xf32, #tpu.memory_space<vmem>>)
    }
    "tpu.region"() ({
      %run_scoped3A = tpu.sem_alloc : memref<!tpu.dma_semaphore, #tpu.memory_space<semaphore_mem>>
      %dma_start3A = arith.constant 0 : i32
      %dma_start3A_44 = arith.constant 0 : i32
      %dma_start3A_45 = tpu.memref_slice %arg12[%add3A, %dma_start3A, %dma_start3A_44] : memref<32x8x1792xf32, #tpu.memory_space<hbm>> -> memref<1x8x1792xf32, #tpu.memory_space<hbm>>
      %dma_start3A_46 = tpu.memref_squeeze %dma_start3A_45 : memref<1x8x1792xf32, #tpu.memory_space<hbm>> -> memref<8x1792xf32, #tpu.memory_space<hbm>>
      %dma_start3A_47 = arith.constant 0 : i32
      %dma_start3A_48 = arith.constant 0 : i32
      %dma_start3A_49 = tpu.memref_slice %arg12[%add3A, %dma_start3A_47, %dma_start3A_48] : memref<32x8x1792xf32, #tpu.memory_space<hbm>> -> memref<1x8x1792xf32, #tpu.memory_space<hbm>>
      %dma_start3A_50 = tpu.memref_squeeze %dma_start3A_49 : memref<1x8x1792xf32, #tpu.memory_space<hbm>> -> memref<8x1792xf32, #tpu.memory_space<hbm>>
      tpu.enqueue_dma source(%arg16 : memref<8x1792xf32, #tpu.memory_space<vmem>>) target(%dma_start3A_50 : memref<8x1792xf32, #tpu.memory_space<hbm>>) target_semaphore(%run_scoped3A : memref<!tpu.dma_semaphore, #tpu.memory_space<semaphore_mem>>)
      %dma_wait3A = arith.constant 0 : i32
      %dma_wait3A_51 = arith.constant 0 : i32
      %dma_wait3A_52 = tpu.memref_slice %arg12[%add3A, %dma_wait3A, %dma_wait3A_51] : memref<32x8x1792xf32, #tpu.memory_space<hbm>> -> memref<1x8x1792xf32, #tpu.memory_space<hbm>>
      %dma_wait3A_53 = tpu.memref_squeeze %dma_wait3A_52 : memref<1x8x1792xf32, #tpu.memory_space<hbm>> -> memref<8x1792xf32, #tpu.memory_space<hbm>>
      %dma_wait3A_54 = arith.constant 0 : i32
      %dma_wait3A_55 = arith.constant 0 : i32
      %dma_wait3A_56 = tpu.memref_slice %arg12[%add3A, %dma_wait3A_54, %dma_wait3A_55] : memref<32x8x1792xf32, #tpu.memory_space<hbm>> -> memref<1x8x1792xf32, #tpu.memory_space<hbm>>
      %dma_wait3A_57 = tpu.memref_squeeze %dma_wait3A_56 : memref<1x8x1792xf32, #tpu.memory_space<hbm>> -> memref<8x1792xf32, #tpu.memory_space<hbm>>
      tpu.wait_dma2 semaphore(%run_scoped3A : memref<!tpu.dma_semaphore, #tpu.memory_space<semaphore_mem>>) src(%arg16 : memref<8x1792xf32, #tpu.memory_space<vmem>>) dst(%dma_wait3A_57 : memref<8x1792xf32, #tpu.memory_space<hbm>>)
      tpu.yield
    }) : () -> ()
    return
  }
}

module attributes {stable_mosaic.version = 14 : i64} {
  func.func @_tc_body(%arg0: i32, %arg1: memref<1792x1xi32, #tpu.memory_space<vmem>>, %arg2: memref<1792x8xf32, #tpu.memory_space<vmem>>, %arg3: memref<1024x64xf32, #tpu.memory_space<vmem>>, %arg4: memref<8x8xf32, #tpu.memory_space<vmem>>, %arg5: memref<1x8xf32, #tpu.memory_space<vmem>>, %arg6: memref<80x32xf32, #tpu.memory_space<vmem>>, %arg7: memref<1x32xf32, #tpu.memory_space<vmem>>, %arg8: memref<80x32xf32, #tpu.memory_space<vmem>>, %arg9: memref<1x32xf32, #tpu.memory_space<vmem>>, %arg10: memref<32x80xf32, #tpu.memory_space<vmem>>, %arg11: memref<1x80xf32, #tpu.memory_space<vmem>>, %arg12: memref<1x80xf32, #tpu.memory_space<vmem>>, %arg13: memref<1x80xf32, #tpu.memory_space<vmem>>, %arg14: memref<80x256xf32, #tpu.memory_space<vmem>>, %arg15: memref<1x256xf32, #tpu.memory_space<vmem>>, %arg16: memref<256x256xf32, #tpu.memory_space<vmem>>, %arg17: memref<256x256xf32, #tpu.memory_space<vmem>>, %arg18: memref<256x256xf32, #tpu.memory_space<vmem>>, %arg19: memref<1x256xf32, #tpu.memory_space<vmem>>, %arg20: memref<1x256xf32, #tpu.memory_space<vmem>>, %arg21: memref<256x1024xf32, #tpu.memory_space<vmem>>, %arg22: memref<1x1024xf32, #tpu.memory_space<vmem>>, %arg23: memref<1792x1024xf32, #tpu.memory_space<vmem>>) attributes {dimension_semantics = [#tpu.dimension_semantics<parallel>], iteration_bounds = array<i64: 32>, scalar_prefetch = 0 : i64, scratch_operands = 0 : i64, tpu.core_type = #tpu.core_type<tc>, window_params = [{transform_indices = @transform_0, window_bounds = array<i64: 1792, 1>}, {transform_indices = @transform_1, window_bounds = array<i64: 1792, 8>}, {pipeline_mode = #tpu.pipeline_mode<synchronous>, transform_indices = @transform_2, window_bounds = array<i64: 1024, 64>}, {pipeline_mode = #tpu.pipeline_mode<synchronous>, transform_indices = @transform_3, window_bounds = array<i64: 8, 8>}, {pipeline_mode = #tpu.pipeline_mode<synchronous>, transform_indices = @transform_4, window_bounds = array<i64: 1, 8>}, {pipeline_mode = #tpu.pipeline_mode<synchronous>, transform_indices = @transform_5, window_bounds = array<i64: 80, 32>}, {pipeline_mode = #tpu.pipeline_mode<synchronous>, transform_indices = @transform_6, window_bounds = array<i64: 1, 32>}, {pipeline_mode = #tpu.pipeline_mode<synchronous>, transform_indices = @transform_7, window_bounds = array<i64: 80, 32>}, {pipeline_mode = #tpu.pipeline_mode<synchronous>, transform_indices = @transform_8, window_bounds = array<i64: 1, 32>}, {pipeline_mode = #tpu.pipeline_mode<synchronous>, transform_indices = @transform_9, window_bounds = array<i64: 32, 80>}, {pipeline_mode = #tpu.pipeline_mode<synchronous>, transform_indices = @transform_10, window_bounds = array<i64: 1, 80>}, {pipeline_mode = #tpu.pipeline_mode<synchronous>, transform_indices = @transform_11, window_bounds = array<i64: 1, 80>}, {pipeline_mode = #tpu.pipeline_mode<synchronous>, transform_indices = @transform_12, window_bounds = array<i64: 1, 80>}, {pipeline_mode = #tpu.pipeline_mode<synchronous>, transform_indices = @transform_13, window_bounds = array<i64: 80, 256>}, {pipeline_mode = #tpu.pipeline_mode<synchronous>, transform_indices = @transform_14, window_bounds = array<i64: 1, 256>}, {pipeline_mode = #tpu.pipeline_mode<synchronous>, transform_indices = @transform_15, window_bounds = array<i64: 256, 256>}, {pipeline_mode = #tpu.pipeline_mode<synchronous>, transform_indices = @transform_16, window_bounds = array<i64: 256, 256>}, {pipeline_mode = #tpu.pipeline_mode<synchronous>, transform_indices = @transform_17, window_bounds = array<i64: 256, 256>}, {pipeline_mode = #tpu.pipeline_mode<synchronous>, transform_indices = @transform_18, window_bounds = array<i64: 1, 256>}, {pipeline_mode = #tpu.pipeline_mode<synchronous>, transform_indices = @transform_19, window_bounds = array<i64: 1, 256>}, {pipeline_mode = #tpu.pipeline_mode<synchronous>, transform_indices = @transform_20, window_bounds = array<i64: 256, 1024>}, {pipeline_mode = #tpu.pipeline_mode<synchronous>, transform_indices = @transform_21, window_bounds = array<i64: 1, 1024>}, {transform_indices = @transform_22, window_bounds = array<i64: 1792, 1024>}]} {
    %get3A = arith.constant 0 : index
    %get3A_0 = arith.constant 0 : index
    %get3A_1 = vector.load %arg1[%get3A, %get3A_0] : memref<1792x1xi32, #tpu.memory_space<vmem>>, vector<1792x1xi32>
    %iota3A = tpu.iota {dimensions = array<i32: 0>} : vector<1792x1xi32>
    %jit3A = arith.constant 56 : i64
    %convert_element_type3A = arith.trunci %jit3A : i64 to i32
    %eq3A = arith.constant 0 : i32
    %eq3A_2 = arith.cmpi eq, %convert_element_type3A, %eq3A : i32
    %jit3A_3 = arith.constant 1 : i32
    %select_n3A = arith.select %eq3A_2, %jit3A_3, %convert_element_type3A : i32
    %rem3A = vector.broadcast %select_n3A : i32 to vector<1792x1xi32>
    %rem3A_4 = arith.remsi %iota3A, %rem3A : vector<1792x1xi32>
    %ne3A = arith.constant 0 : i32
    %ne3A_5 = vector.broadcast %ne3A : i32 to vector<1792x1xi32>
    %ne3A_6 = arith.cmpi ne, %rem3A_4, %ne3A_5 : vector<1792x1xi32>
    %lt3A = arith.constant 0 : i32
    %lt3A_7 = vector.broadcast %lt3A : i32 to vector<1792x1xi32>
    %lt3A_8 = arith.cmpi slt, %rem3A_4, %lt3A_7 : vector<1792x1xi32>
    %lt3A_9 = arith.constant 0 : i32
    %lt3A_10 = arith.cmpi slt, %select_n3A, %lt3A_9 : i32
    %ne3A_11 = vector.broadcast %lt3A_10 : i1 to vector<1792x1xi1>
    %ne3A_12 = vector.broadcast %ne3A_11 : vector<1792x1xi1> to vector<1792x1xi1>
    %ne3A_13 = arith.xori %lt3A_8, %ne3A_12 : vector<1792x1xi1>
    %and3A = arith.andi %ne3A_13, %ne3A_6 : vector<1792x1xi1>
    %add3A = vector.broadcast %select_n3A : i32 to vector<1792x1xi32>
    %add3A_14 = arith.addi %rem3A_4, %add3A : vector<1792x1xi32>
    %select_n3A_15 = arith.select %and3A, %add3A_14, %rem3A_4 : vector<1792x1xi1>, vector<1792x1xi32>
    %iota3A_16 = tpu.iota {dimensions = array<i32: 1>} : vector<1792x1024xi32>
    %eq3A_17 = vector.broadcast %get3A_1 : vector<1792x1xi32> to vector<1792x1024xi32>
    %eq3A_18 = arith.cmpi eq, %eq3A_17, %iota3A_16 : vector<1792x1024xi32>
    %convert_element_type3A_19 = arith.extui %eq3A_18 : vector<1792x1024xi1> to vector<1792x1024xi32>
    %convert_element_type3A_20 = arith.sitofp %convert_element_type3A_19 : vector<1792x1024xi32> to vector<1792x1024xf32>
    %get3A_21 = arith.constant 0 : index
    %get3A_22 = arith.constant 0 : index
    %get3A_23 = vector.load %arg3[%get3A_21, %get3A_22] : memref<1024x64xf32, #tpu.memory_space<vmem>>, vector<1024x64xf32>
    %dot_general3A = arith.constant dense<0.000000e+00> : vector<1792x64xf32>
    %dot_general3A_24 = tpu.matmul %convert_element_type3A_20, %get3A_23, %dot_general3A {dimension_numbers = #tpu.dot_dimension_numbers<[1], [0], [0], [1], [0, 0, 1, 1], [], []>, transpose_lhs_hint = false} : vector<1792x1024xf32>, vector<1024x64xf32>, vector<1792x64xf32> -> vector<1792x64xf32>
    %broadcast_in_dim3A = arith.constant 0 : i32
    %broadcast_in_dim3A_25 = vector.broadcast %broadcast_in_dim3A : i32 to vector<1x1xi32>
    %slice3A = vector.extract_strided_slice %get3A_1 {offsets = [0, 0], sizes = [1791, 1], strides = [1, 1]} : vector<1792x1xi32> to vector<1791x1xi32>
    %concatenate3A = tpu.concatenate %broadcast_in_dim3A_25, %slice3A in 0 : vector<1x1xi32>, vector<1791x1xi32> -> vector<1792x1xi32>
    %eq3A_26 = arith.cmpi eq, %get3A_1, %concatenate3A : vector<1792x1xi32>
    %ge3A = arith.constant 1 : i32
    %ge3A_27 = vector.broadcast %ge3A : i32 to vector<1792x1xi32>
    %ge3A_28 = arith.cmpi sge, %select_n3A_15, %ge3A_27 : vector<1792x1xi32>
    %and3A_29 = arith.andi %eq3A_26, %ge3A_28 : vector<1792x1xi1>
    %convert_element_type3A_30 = arith.extui %and3A_29 : vector<1792x1xi1> to vector<1792x1xi32>
    %convert_element_type3A_31 = arith.sitofp %convert_element_type3A_30 : vector<1792x1xi32> to vector<1792x1xf32>
    %broadcast_in_dim3A_32 = arith.constant 0 : i32
    %broadcast_in_dim3A_33 = vector.broadcast %broadcast_in_dim3A_32 : i32 to vector<2x1xi32>
    %slice3A_34 = vector.extract_strided_slice %get3A_1 {offsets = [0, 0], sizes = [1790, 1], strides = [1, 1]} : vector<1792x1xi32> to vector<1790x1xi32>
    %concatenate3A_35 = tpu.concatenate %broadcast_in_dim3A_33, %slice3A_34 in 0 : vector<2x1xi32>, vector<1790x1xi32> -> vector<1792x1xi32>
    %eq3A_36 = arith.cmpi eq, %get3A_1, %concatenate3A_35 : vector<1792x1xi32>
    %ge3A_37 = arith.constant 2 : i32
    %ge3A_38 = vector.broadcast %ge3A_37 : i32 to vector<1792x1xi32>
    %ge3A_39 = arith.cmpi sge, %select_n3A_15, %ge3A_38 : vector<1792x1xi32>
    %and3A_40 = arith.andi %eq3A_36, %ge3A_39 : vector<1792x1xi1>
    %convert_element_type3A_41 = arith.extui %and3A_40 : vector<1792x1xi1> to vector<1792x1xi32>
    %convert_element_type3A_42 = arith.sitofp %convert_element_type3A_41 : vector<1792x1xi32> to vector<1792x1xf32>
    %broadcast_in_dim3A_43 = arith.constant 0 : i32
    %broadcast_in_dim3A_44 = vector.broadcast %broadcast_in_dim3A_43 : i32 to vector<3x1xi32>
    %slice3A_45 = vector.extract_strided_slice %get3A_1 {offsets = [0, 0], sizes = [1789, 1], strides = [1, 1]} : vector<1792x1xi32> to vector<1789x1xi32>
    %concatenate3A_46 = tpu.concatenate %broadcast_in_dim3A_44, %slice3A_45 in 0 : vector<3x1xi32>, vector<1789x1xi32> -> vector<1792x1xi32>
    %eq3A_47 = arith.cmpi eq, %get3A_1, %concatenate3A_46 : vector<1792x1xi32>
    %ge3A_48 = arith.constant 3 : i32
    %ge3A_49 = vector.broadcast %ge3A_48 : i32 to vector<1792x1xi32>
    %ge3A_50 = arith.cmpi sge, %select_n3A_15, %ge3A_49 : vector<1792x1xi32>
    %and3A_51 = arith.andi %eq3A_47, %ge3A_50 : vector<1792x1xi1>
    %convert_element_type3A_52 = arith.extui %and3A_51 : vector<1792x1xi1> to vector<1792x1xi32>
    %convert_element_type3A_53 = arith.sitofp %convert_element_type3A_52 : vector<1792x1xi32> to vector<1792x1xf32>
    %broadcast_in_dim3A_54 = arith.constant 0 : i32
    %broadcast_in_dim3A_55 = vector.broadcast %broadcast_in_dim3A_54 : i32 to vector<4x1xi32>
    %slice3A_56 = vector.extract_strided_slice %get3A_1 {offsets = [0, 0], sizes = [1788, 1], strides = [1, 1]} : vector<1792x1xi32> to vector<1788x1xi32>
    %concatenate3A_57 = tpu.concatenate %broadcast_in_dim3A_55, %slice3A_56 in 0 : vector<4x1xi32>, vector<1788x1xi32> -> vector<1792x1xi32>
    %eq3A_58 = arith.cmpi eq, %get3A_1, %concatenate3A_57 : vector<1792x1xi32>
    %ge3A_59 = arith.constant 4 : i32
    %ge3A_60 = vector.broadcast %ge3A_59 : i32 to vector<1792x1xi32>
    %ge3A_61 = arith.cmpi sge, %select_n3A_15, %ge3A_60 : vector<1792x1xi32>
    %and3A_62 = arith.andi %eq3A_58, %ge3A_61 : vector<1792x1xi1>
    %convert_element_type3A_63 = arith.extui %and3A_62 : vector<1792x1xi1> to vector<1792x1xi32>
    %convert_element_type3A_64 = arith.sitofp %convert_element_type3A_63 : vector<1792x1xi32> to vector<1792x1xf32>
    %broadcast_in_dim3A_65 = arith.constant 0 : i32
    %broadcast_in_dim3A_66 = vector.broadcast %broadcast_in_dim3A_65 : i32 to vector<5x1xi32>
    %slice3A_67 = vector.extract_strided_slice %get3A_1 {offsets = [0, 0], sizes = [1787, 1], strides = [1, 1]} : vector<1792x1xi32> to vector<1787x1xi32>
    %concatenate3A_68 = tpu.concatenate %broadcast_in_dim3A_66, %slice3A_67 in 0 : vector<5x1xi32>, vector<1787x1xi32> -> vector<1792x1xi32>
    %eq3A_69 = arith.cmpi eq, %get3A_1, %concatenate3A_68 : vector<1792x1xi32>
    %ge3A_70 = arith.constant 5 : i32
    %ge3A_71 = vector.broadcast %ge3A_70 : i32 to vector<1792x1xi32>
    %ge3A_72 = arith.cmpi sge, %select_n3A_15, %ge3A_71 : vector<1792x1xi32>
    %and3A_73 = arith.andi %eq3A_69, %ge3A_72 : vector<1792x1xi1>
    %convert_element_type3A_74 = arith.extui %and3A_73 : vector<1792x1xi1> to vector<1792x1xi32>
    %convert_element_type3A_75 = arith.sitofp %convert_element_type3A_74 : vector<1792x1xi32> to vector<1792x1xf32>
    %broadcast_in_dim3A_76 = arith.constant 0 : i32
    %broadcast_in_dim3A_77 = vector.broadcast %broadcast_in_dim3A_76 : i32 to vector<6x1xi32>
    %slice3A_78 = vector.extract_strided_slice %get3A_1 {offsets = [0, 0], sizes = [1786, 1], strides = [1, 1]} : vector<1792x1xi32> to vector<1786x1xi32>
    %concatenate3A_79 = tpu.concatenate %broadcast_in_dim3A_77, %slice3A_78 in 0 : vector<6x1xi32>, vector<1786x1xi32> -> vector<1792x1xi32>
    %eq3A_80 = arith.cmpi eq, %get3A_1, %concatenate3A_79 : vector<1792x1xi32>
    %ge3A_81 = arith.constant 6 : i32
    %ge3A_82 = vector.broadcast %ge3A_81 : i32 to vector<1792x1xi32>
    %ge3A_83 = arith.cmpi sge, %select_n3A_15, %ge3A_82 : vector<1792x1xi32>
    %and3A_84 = arith.andi %eq3A_80, %ge3A_83 : vector<1792x1xi1>
    %convert_element_type3A_85 = arith.extui %and3A_84 : vector<1792x1xi1> to vector<1792x1xi32>
    %convert_element_type3A_86 = arith.sitofp %convert_element_type3A_85 : vector<1792x1xi32> to vector<1792x1xf32>
    %broadcast_in_dim3A_87 = arith.constant 0 : i32
    %broadcast_in_dim3A_88 = vector.broadcast %broadcast_in_dim3A_87 : i32 to vector<7x1xi32>
    %slice3A_89 = vector.extract_strided_slice %get3A_1 {offsets = [0, 0], sizes = [1785, 1], strides = [1, 1]} : vector<1792x1xi32> to vector<1785x1xi32>
    %concatenate3A_90 = tpu.concatenate %broadcast_in_dim3A_88, %slice3A_89 in 0 : vector<7x1xi32>, vector<1785x1xi32> -> vector<1792x1xi32>
    %eq3A_91 = arith.cmpi eq, %get3A_1, %concatenate3A_90 : vector<1792x1xi32>
    %ge3A_92 = arith.constant 7 : i32
    %ge3A_93 = vector.broadcast %ge3A_92 : i32 to vector<1792x1xi32>
    %ge3A_94 = arith.cmpi sge, %select_n3A_15, %ge3A_93 : vector<1792x1xi32>
    %and3A_95 = arith.andi %eq3A_91, %ge3A_94 : vector<1792x1xi1>
    %convert_element_type3A_96 = arith.extui %and3A_95 : vector<1792x1xi1> to vector<1792x1xi32>
    %convert_element_type3A_97 = arith.sitofp %convert_element_type3A_96 : vector<1792x1xi32> to vector<1792x1xf32>
    %broadcast_in_dim3A_98 = arith.constant 0 : i32
    %broadcast_in_dim3A_99 = vector.broadcast %broadcast_in_dim3A_98 : i32 to vector<8x1xi32>
    %slice3A_100 = vector.extract_strided_slice %get3A_1 {offsets = [0, 0], sizes = [1784, 1], strides = [1, 1]} : vector<1792x1xi32> to vector<1784x1xi32>
    %concatenate3A_101 = tpu.concatenate %broadcast_in_dim3A_99, %slice3A_100 in 0 : vector<8x1xi32>, vector<1784x1xi32> -> vector<1792x1xi32>
    %eq3A_102 = arith.cmpi eq, %get3A_1, %concatenate3A_101 : vector<1792x1xi32>
    %ge3A_103 = arith.constant 8 : i32
    %ge3A_104 = vector.broadcast %ge3A_103 : i32 to vector<1792x1xi32>
    %ge3A_105 = arith.cmpi sge, %select_n3A_15, %ge3A_104 : vector<1792x1xi32>
    %and3A_106 = arith.andi %eq3A_102, %ge3A_105 : vector<1792x1xi1>
    %convert_element_type3A_107 = arith.extui %and3A_106 : vector<1792x1xi1> to vector<1792x1xi32>
    %convert_element_type3A_108 = arith.sitofp %convert_element_type3A_107 : vector<1792x1xi32> to vector<1792x1xf32>
    %concatenate3A_109 = tpu.concatenate %convert_element_type3A_31, %convert_element_type3A_42, %convert_element_type3A_53, %convert_element_type3A_64, %convert_element_type3A_75, %convert_element_type3A_86, %convert_element_type3A_97, %convert_element_type3A_108 in 1 : vector<1792x1xf32>, vector<1792x1xf32>, vector<1792x1xf32>, vector<1792x1xf32>, vector<1792x1xf32>, vector<1792x1xf32>, vector<1792x1xf32>, vector<1792x1xf32> -> vector<1792x8xf32>
    %get3A_110 = arith.constant 0 : index
    %get3A_111 = arith.constant 0 : index
    %get3A_112 = vector.load %arg2[%get3A_110, %get3A_111] : memref<1792x8xf32, #tpu.memory_space<vmem>>, vector<1792x8xf32>
    %get3A_113 = arith.constant 0 : index
    %get3A_114 = arith.constant 0 : index
    %get3A_115 = vector.load %arg4[%get3A_113, %get3A_114] : memref<8x8xf32, #tpu.memory_space<vmem>>, vector<8x8xf32>
    %broadcast_in_dim3A_116 = arith.constant 0.000000e+00 : f32
    %broadcast_in_dim3A_117 = vector.broadcast %broadcast_in_dim3A_116 : f32 to vector<1792x8xf32>
    %broadcast_in_dim3A_118 = arith.constant 0.000000e+00 : f32
    %broadcast_in_dim3A_119 = vector.broadcast %broadcast_in_dim3A_118 : f32 to vector<7x8xf32>
    %slice3A_120 = vector.extract_strided_slice %get3A_112 {offsets = [0, 0], sizes = [1785, 8], strides = [1, 1]} : vector<1792x8xf32> to vector<1785x8xf32>
    %concatenate3A_121 = tpu.concatenate %broadcast_in_dim3A_119, %slice3A_120 in 0 : vector<7x8xf32>, vector<1785x8xf32> -> vector<1792x8xf32>
    %ge3A_122 = arith.constant 7 : i32
    %ge3A_123 = vector.broadcast %ge3A_122 : i32 to vector<1792x1xi32>
    %ge3A_124 = arith.cmpi sge, %select_n3A_15, %ge3A_123 : vector<1792x1xi32>
    %convert_element_type3A_125 = arith.extui %ge3A_124 : vector<1792x1xi1> to vector<1792x1xi32>
    %convert_element_type3A_126 = arith.sitofp %convert_element_type3A_125 : vector<1792x1xi32> to vector<1792x1xf32>
    %mul3A = vector.broadcast %convert_element_type3A_126 : vector<1792x1xf32> to vector<1792x8xf32>
    %mul3A_127 = arith.mulf %concatenate3A_121, %mul3A : vector<1792x8xf32>
    %slice3A_128 = vector.extract_strided_slice %get3A_115 {offsets = [0, 0], sizes = [1, 8], strides = [1, 1]} : vector<8x8xf32> to vector<1x8xf32>
    %squeeze3A = vector.shape_cast %slice3A_128 : vector<1x8xf32> to vector<8xf32>
    %broadcast_in_dim3A_129 = vector.shape_cast %squeeze3A : vector<8xf32> to vector<1x8xf32>
    %mul3A_130 = vector.broadcast %broadcast_in_dim3A_129 : vector<1x8xf32> to vector<1792x8xf32>
    %mul3A_131 = arith.mulf %mul3A_127, %mul3A_130 : vector<1792x8xf32>
    %add3A_132 = arith.addf %broadcast_in_dim3A_117, %mul3A_131 : vector<1792x8xf32>
    %broadcast_in_dim3A_133 = arith.constant 0.000000e+00 : f32
    %broadcast_in_dim3A_134 = vector.broadcast %broadcast_in_dim3A_133 : f32 to vector<6x8xf32>
    %slice3A_135 = vector.extract_strided_slice %get3A_112 {offsets = [0, 0], sizes = [1786, 8], strides = [1, 1]} : vector<1792x8xf32> to vector<1786x8xf32>
    %concatenate3A_136 = tpu.concatenate %broadcast_in_dim3A_134, %slice3A_135 in 0 : vector<6x8xf32>, vector<1786x8xf32> -> vector<1792x8xf32>
    %ge3A_137 = arith.constant 6 : i32
    %ge3A_138 = vector.broadcast %ge3A_137 : i32 to vector<1792x1xi32>
    %ge3A_139 = arith.cmpi sge, %select_n3A_15, %ge3A_138 : vector<1792x1xi32>
    %convert_element_type3A_140 = arith.extui %ge3A_139 : vector<1792x1xi1> to vector<1792x1xi32>
    %convert_element_type3A_141 = arith.sitofp %convert_element_type3A_140 : vector<1792x1xi32> to vector<1792x1xf32>
    %mul3A_142 = vector.broadcast %convert_element_type3A_141 : vector<1792x1xf32> to vector<1792x8xf32>
    %mul3A_143 = arith.mulf %concatenate3A_136, %mul3A_142 : vector<1792x8xf32>
    %slice3A_144 = vector.extract_strided_slice %get3A_115 {offsets = [1, 0], sizes = [1, 8], strides = [1, 1]} : vector<8x8xf32> to vector<1x8xf32>
    %squeeze3A_145 = vector.shape_cast %slice3A_144 : vector<1x8xf32> to vector<8xf32>
    %broadcast_in_dim3A_146 = vector.shape_cast %squeeze3A_145 : vector<8xf32> to vector<1x8xf32>
    %mul3A_147 = vector.broadcast %broadcast_in_dim3A_146 : vector<1x8xf32> to vector<1792x8xf32>
    %mul3A_148 = arith.mulf %mul3A_143, %mul3A_147 : vector<1792x8xf32>
    %add3A_149 = arith.addf %add3A_132, %mul3A_148 : vector<1792x8xf32>
    %broadcast_in_dim3A_150 = arith.constant 0.000000e+00 : f32
    %broadcast_in_dim3A_151 = vector.broadcast %broadcast_in_dim3A_150 : f32 to vector<5x8xf32>
    %slice3A_152 = vector.extract_strided_slice %get3A_112 {offsets = [0, 0], sizes = [1787, 8], strides = [1, 1]} : vector<1792x8xf32> to vector<1787x8xf32>
    %concatenate3A_153 = tpu.concatenate %broadcast_in_dim3A_151, %slice3A_152 in 0 : vector<5x8xf32>, vector<1787x8xf32> -> vector<1792x8xf32>
    %ge3A_154 = arith.constant 5 : i32
    %ge3A_155 = vector.broadcast %ge3A_154 : i32 to vector<1792x1xi32>
    %ge3A_156 = arith.cmpi sge, %select_n3A_15, %ge3A_155 : vector<1792x1xi32>
    %convert_element_type3A_157 = arith.extui %ge3A_156 : vector<1792x1xi1> to vector<1792x1xi32>
    %convert_element_type3A_158 = arith.sitofp %convert_element_type3A_157 : vector<1792x1xi32> to vector<1792x1xf32>
    %mul3A_159 = vector.broadcast %convert_element_type3A_158 : vector<1792x1xf32> to vector<1792x8xf32>
    %mul3A_160 = arith.mulf %concatenate3A_153, %mul3A_159 : vector<1792x8xf32>
    %slice3A_161 = vector.extract_strided_slice %get3A_115 {offsets = [2, 0], sizes = [1, 8], strides = [1, 1]} : vector<8x8xf32> to vector<1x8xf32>
    %squeeze3A_162 = vector.shape_cast %slice3A_161 : vector<1x8xf32> to vector<8xf32>
    %broadcast_in_dim3A_163 = vector.shape_cast %squeeze3A_162 : vector<8xf32> to vector<1x8xf32>
    %mul3A_164 = vector.broadcast %broadcast_in_dim3A_163 : vector<1x8xf32> to vector<1792x8xf32>
    %mul3A_165 = arith.mulf %mul3A_160, %mul3A_164 : vector<1792x8xf32>
    %add3A_166 = arith.addf %add3A_149, %mul3A_165 : vector<1792x8xf32>
    %broadcast_in_dim3A_167 = arith.constant 0.000000e+00 : f32
    %broadcast_in_dim3A_168 = vector.broadcast %broadcast_in_dim3A_167 : f32 to vector<4x8xf32>
    %slice3A_169 = vector.extract_strided_slice %get3A_112 {offsets = [0, 0], sizes = [1788, 8], strides = [1, 1]} : vector<1792x8xf32> to vector<1788x8xf32>
    %concatenate3A_170 = tpu.concatenate %broadcast_in_dim3A_168, %slice3A_169 in 0 : vector<4x8xf32>, vector<1788x8xf32> -> vector<1792x8xf32>
    %ge3A_171 = arith.constant 4 : i32
    %ge3A_172 = vector.broadcast %ge3A_171 : i32 to vector<1792x1xi32>
    %ge3A_173 = arith.cmpi sge, %select_n3A_15, %ge3A_172 : vector<1792x1xi32>
    %convert_element_type3A_174 = arith.extui %ge3A_173 : vector<1792x1xi1> to vector<1792x1xi32>
    %convert_element_type3A_175 = arith.sitofp %convert_element_type3A_174 : vector<1792x1xi32> to vector<1792x1xf32>
    %mul3A_176 = vector.broadcast %convert_element_type3A_175 : vector<1792x1xf32> to vector<1792x8xf32>
    %mul3A_177 = arith.mulf %concatenate3A_170, %mul3A_176 : vector<1792x8xf32>
    %slice3A_178 = vector.extract_strided_slice %get3A_115 {offsets = [3, 0], sizes = [1, 8], strides = [1, 1]} : vector<8x8xf32> to vector<1x8xf32>
    %squeeze3A_179 = vector.shape_cast %slice3A_178 : vector<1x8xf32> to vector<8xf32>
    %broadcast_in_dim3A_180 = vector.shape_cast %squeeze3A_179 : vector<8xf32> to vector<1x8xf32>
    %mul3A_181 = vector.broadcast %broadcast_in_dim3A_180 : vector<1x8xf32> to vector<1792x8xf32>
    %mul3A_182 = arith.mulf %mul3A_177, %mul3A_181 : vector<1792x8xf32>
    %add3A_183 = arith.addf %add3A_166, %mul3A_182 : vector<1792x8xf32>
    %broadcast_in_dim3A_184 = arith.constant 0.000000e+00 : f32
    %broadcast_in_dim3A_185 = vector.broadcast %broadcast_in_dim3A_184 : f32 to vector<3x8xf32>
    %slice3A_186 = vector.extract_strided_slice %get3A_112 {offsets = [0, 0], sizes = [1789, 8], strides = [1, 1]} : vector<1792x8xf32> to vector<1789x8xf32>
    %concatenate3A_187 = tpu.concatenate %broadcast_in_dim3A_185, %slice3A_186 in 0 : vector<3x8xf32>, vector<1789x8xf32> -> vector<1792x8xf32>
    %ge3A_188 = arith.constant 3 : i32
    %ge3A_189 = vector.broadcast %ge3A_188 : i32 to vector<1792x1xi32>
    %ge3A_190 = arith.cmpi sge, %select_n3A_15, %ge3A_189 : vector<1792x1xi32>
    %convert_element_type3A_191 = arith.extui %ge3A_190 : vector<1792x1xi1> to vector<1792x1xi32>
    %convert_element_type3A_192 = arith.sitofp %convert_element_type3A_191 : vector<1792x1xi32> to vector<1792x1xf32>
    %mul3A_193 = vector.broadcast %convert_element_type3A_192 : vector<1792x1xf32> to vector<1792x8xf32>
    %mul3A_194 = arith.mulf %concatenate3A_187, %mul3A_193 : vector<1792x8xf32>
    %slice3A_195 = vector.extract_strided_slice %get3A_115 {offsets = [4, 0], sizes = [1, 8], strides = [1, 1]} : vector<8x8xf32> to vector<1x8xf32>
    %squeeze3A_196 = vector.shape_cast %slice3A_195 : vector<1x8xf32> to vector<8xf32>
    %broadcast_in_dim3A_197 = vector.shape_cast %squeeze3A_196 : vector<8xf32> to vector<1x8xf32>
    %mul3A_198 = vector.broadcast %broadcast_in_dim3A_197 : vector<1x8xf32> to vector<1792x8xf32>
    %mul3A_199 = arith.mulf %mul3A_194, %mul3A_198 : vector<1792x8xf32>
    %add3A_200 = arith.addf %add3A_183, %mul3A_199 : vector<1792x8xf32>
    %broadcast_in_dim3A_201 = arith.constant 0.000000e+00 : f32
    %broadcast_in_dim3A_202 = vector.broadcast %broadcast_in_dim3A_201 : f32 to vector<2x8xf32>
    %slice3A_203 = vector.extract_strided_slice %get3A_112 {offsets = [0, 0], sizes = [1790, 8], strides = [1, 1]} : vector<1792x8xf32> to vector<1790x8xf32>
    %concatenate3A_204 = tpu.concatenate %broadcast_in_dim3A_202, %slice3A_203 in 0 : vector<2x8xf32>, vector<1790x8xf32> -> vector<1792x8xf32>
    %ge3A_205 = arith.constant 2 : i32
    %ge3A_206 = vector.broadcast %ge3A_205 : i32 to vector<1792x1xi32>
    %ge3A_207 = arith.cmpi sge, %select_n3A_15, %ge3A_206 : vector<1792x1xi32>
    %convert_element_type3A_208 = arith.extui %ge3A_207 : vector<1792x1xi1> to vector<1792x1xi32>
    %convert_element_type3A_209 = arith.sitofp %convert_element_type3A_208 : vector<1792x1xi32> to vector<1792x1xf32>
    %mul3A_210 = vector.broadcast %convert_element_type3A_209 : vector<1792x1xf32> to vector<1792x8xf32>
    %mul3A_211 = arith.mulf %concatenate3A_204, %mul3A_210 : vector<1792x8xf32>
    %slice3A_212 = vector.extract_strided_slice %get3A_115 {offsets = [5, 0], sizes = [1, 8], strides = [1, 1]} : vector<8x8xf32> to vector<1x8xf32>
    %squeeze3A_213 = vector.shape_cast %slice3A_212 : vector<1x8xf32> to vector<8xf32>
    %broadcast_in_dim3A_214 = vector.shape_cast %squeeze3A_213 : vector<8xf32> to vector<1x8xf32>
    %mul3A_215 = vector.broadcast %broadcast_in_dim3A_214 : vector<1x8xf32> to vector<1792x8xf32>
    %mul3A_216 = arith.mulf %mul3A_211, %mul3A_215 : vector<1792x8xf32>
    %add3A_217 = arith.addf %add3A_200, %mul3A_216 : vector<1792x8xf32>
    %broadcast_in_dim3A_218 = arith.constant 0.000000e+00 : f32
    %broadcast_in_dim3A_219 = vector.broadcast %broadcast_in_dim3A_218 : f32 to vector<1x8xf32>
    %slice3A_220 = vector.extract_strided_slice %get3A_112 {offsets = [0, 0], sizes = [1791, 8], strides = [1, 1]} : vector<1792x8xf32> to vector<1791x8xf32>
    %concatenate3A_221 = tpu.concatenate %broadcast_in_dim3A_219, %slice3A_220 in 0 : vector<1x8xf32>, vector<1791x8xf32> -> vector<1792x8xf32>
    %ge3A_222 = arith.constant 1 : i32
    %ge3A_223 = vector.broadcast %ge3A_222 : i32 to vector<1792x1xi32>
    %ge3A_224 = arith.cmpi sge, %select_n3A_15, %ge3A_223 : vector<1792x1xi32>
    %convert_element_type3A_225 = arith.extui %ge3A_224 : vector<1792x1xi1> to vector<1792x1xi32>
    %convert_element_type3A_226 = arith.sitofp %convert_element_type3A_225 : vector<1792x1xi32> to vector<1792x1xf32>
    %mul3A_227 = vector.broadcast %convert_element_type3A_226 : vector<1792x1xf32> to vector<1792x8xf32>
    %mul3A_228 = arith.mulf %concatenate3A_221, %mul3A_227 : vector<1792x8xf32>
    %slice3A_229 = vector.extract_strided_slice %get3A_115 {offsets = [6, 0], sizes = [1, 8], strides = [1, 1]} : vector<8x8xf32> to vector<1x8xf32>
    %squeeze3A_230 = vector.shape_cast %slice3A_229 : vector<1x8xf32> to vector<8xf32>
    %broadcast_in_dim3A_231 = vector.shape_cast %squeeze3A_230 : vector<8xf32> to vector<1x8xf32>
    %mul3A_232 = vector.broadcast %broadcast_in_dim3A_231 : vector<1x8xf32> to vector<1792x8xf32>
    %mul3A_233 = arith.mulf %mul3A_228, %mul3A_232 : vector<1792x8xf32>
    %add3A_234 = arith.addf %add3A_217, %mul3A_233 : vector<1792x8xf32>
    %ge3A_235 = arith.constant 0 : i32
    %ge3A_236 = vector.broadcast %ge3A_235 : i32 to vector<1792x1xi32>
    %ge3A_237 = arith.cmpi sge, %select_n3A_15, %ge3A_236 : vector<1792x1xi32>
    %convert_element_type3A_238 = arith.extui %ge3A_237 : vector<1792x1xi1> to vector<1792x1xi32>
    %convert_element_type3A_239 = arith.sitofp %convert_element_type3A_238 : vector<1792x1xi32> to vector<1792x1xf32>
    %mul3A_240 = vector.broadcast %convert_element_type3A_239 : vector<1792x1xf32> to vector<1792x8xf32>
    %mul3A_241 = arith.mulf %get3A_112, %mul3A_240 : vector<1792x8xf32>
    %slice3A_242 = vector.extract_strided_slice %get3A_115 {offsets = [7, 0], sizes = [1, 8], strides = [1, 1]} : vector<8x8xf32> to vector<1x8xf32>
    %squeeze3A_243 = vector.shape_cast %slice3A_242 : vector<1x8xf32> to vector<8xf32>
    %broadcast_in_dim3A_244 = vector.shape_cast %squeeze3A_243 : vector<8xf32> to vector<1x8xf32>
    %mul3A_245 = vector.broadcast %broadcast_in_dim3A_244 : vector<1x8xf32> to vector<1792x8xf32>
    %mul3A_246 = arith.mulf %mul3A_241, %mul3A_245 : vector<1792x8xf32>
    %add3A_247 = arith.addf %add3A_234, %mul3A_246 : vector<1792x8xf32>
    %get3A_248 = arith.constant 0 : index
    %get3A_249 = arith.constant 0 : index
    %get3A_250 = vector.load %arg5[%get3A_248, %get3A_249] : memref<1x8xf32, #tpu.memory_space<vmem>>, vector<1x8xf32>
    %add3A_251 = vector.broadcast %get3A_250 : vector<1x8xf32> to vector<1792x8xf32>
    %add3A_252 = arith.addf %add3A_247, %add3A_251 : vector<1792x8xf32>
    %concatenate3A_253 = tpu.concatenate %dot_general3A_24, %add3A_252, %concatenate3A_109 in 1 : vector<1792x64xf32>, vector<1792x8xf32>, vector<1792x8xf32> -> vector<1792x80xf32>
    %get3A_254 = arith.constant 0 : index
    %get3A_255 = arith.constant 0 : index
    %get3A_256 = vector.load %arg6[%get3A_254, %get3A_255] : memref<80x32xf32, #tpu.memory_space<vmem>>, vector<80x32xf32>
    %dot_general3A_257 = arith.constant dense<0.000000e+00> : vector<1792x32xf32>
    %dot_general3A_258 = tpu.matmul %concatenate3A_253, %get3A_256, %dot_general3A_257 {dimension_numbers = #tpu.dot_dimension_numbers<[1], [0], [0], [1], [0, 0, 1, 1], [], []>, transpose_lhs_hint = false} : vector<1792x80xf32>, vector<80x32xf32>, vector<1792x32xf32> -> vector<1792x32xf32>
    %get3A_259 = arith.constant 0 : index
    %get3A_260 = arith.constant 0 : index
    %get3A_261 = vector.load %arg7[%get3A_259, %get3A_260] : memref<1x32xf32, #tpu.memory_space<vmem>>, vector<1x32xf32>
    %add3A_262 = vector.broadcast %get3A_261 : vector<1x32xf32> to vector<1792x32xf32>
    %add3A_263 = arith.addf %dot_general3A_258, %add3A_262 : vector<1792x32xf32>
    %neg3A = arith.constant 0.000000e+00 : f32
    %neg3A_264 = vector.broadcast %neg3A : f32 to vector<1792x32xf32>
    %neg3A_265 = arith.subf %neg3A_264, %add3A_263 : vector<1792x32xf32>
    %exp3A = math.exp %neg3A_265 : vector<1792x32xf32>
    %add3A_266 = arith.constant 1.000000e+00 : f32
    %add3A_267 = vector.broadcast %add3A_266 : f32 to vector<1792x32xf32>
    %add3A_268 = arith.addf %add3A_267, %exp3A : vector<1792x32xf32>
    %div3A = arith.constant 1.000000e+00 : f32
    %div3A_269 = vector.broadcast %div3A : f32 to vector<1792x32xf32>
    %div3A_270 = arith.divf %div3A_269, %add3A_268 : vector<1792x32xf32>
    %get3A_271 = arith.constant 0 : index
    %get3A_272 = arith.constant 0 : index
    %get3A_273 = vector.load %arg8[%get3A_271, %get3A_272] : memref<80x32xf32, #tpu.memory_space<vmem>>, vector<80x32xf32>
    %dot_general3A_274 = arith.constant dense<0.000000e+00> : vector<1792x32xf32>
    %dot_general3A_275 = tpu.matmul %concatenate3A_253, %get3A_273, %dot_general3A_274 {dimension_numbers = #tpu.dot_dimension_numbers<[1], [0], [0], [1], [0, 0, 1, 1], [], []>, transpose_lhs_hint = false} : vector<1792x80xf32>, vector<80x32xf32>, vector<1792x32xf32> -> vector<1792x32xf32>
    %get3A_276 = arith.constant 0 : index
    %get3A_277 = arith.constant 0 : index
    %get3A_278 = vector.load %arg9[%get3A_276, %get3A_277] : memref<1x32xf32, #tpu.memory_space<vmem>>, vector<1x32xf32>
    %add3A_279 = vector.broadcast %get3A_278 : vector<1x32xf32> to vector<1792x32xf32>
    %add3A_280 = arith.addf %dot_general3A_275, %add3A_279 : vector<1792x32xf32>
    %sub3A = arith.constant 1.000000e+00 : f32
    %sub3A_281 = vector.broadcast %sub3A : f32 to vector<1792x32xf32>
    %sub3A_282 = arith.subf %sub3A_281, %div3A_270 : vector<1792x32xf32>
    %mul3A_283 = arith.mulf %sub3A_282, %add3A_280 : vector<1792x32xf32>
    %reshape3A = vector.shape_cast %div3A_270 : vector<1792x32xf32> to vector<32x56x32xf32>
    %reshape3A_284 = vector.shape_cast %mul3A_283 : vector<1792x32xf32> to vector<32x56x32xf32>
    %broadcast_in_dim3A_285 = arith.constant 0.000000e+00 : f32
    %broadcast_in_dim3A_286 = vector.broadcast %broadcast_in_dim3A_285 : f32 to vector<32x32xf32>
    %slice3A_287 = vector.extract_strided_slice %reshape3A {offsets = [0, 0, 0], sizes = [32, 32, 32], strides = [1, 1, 1]} : vector<32x56x32xf32> to vector<32x32x32xf32>
    %slice3A_288 = vector.extract_strided_slice %reshape3A_284 {offsets = [0, 0, 0], sizes = [32, 32, 32], strides = [1, 1, 1]} : vector<32x56x32xf32> to vector<32x32x32xf32>
    %max3A = arith.constant 9.99999997E-7 : f32
    %max3A_289 = vector.broadcast %max3A : f32 to vector<32x32x32xf32>
    %max3A_290 = arith.maximumf %slice3A_287, %max3A_289 : vector<32x32x32xf32>
    %log3A = math.log %max3A_290 : vector<32x32x32xf32>
    %broadcast_in_dim3A_291 = arith.constant 0.000000e+00 : f32
    %broadcast_in_dim3A_292 = vector.broadcast %broadcast_in_dim3A_291 : f32 to vector<32x1x32xf32>
    %slice3A_293 = vector.extract_strided_slice %log3A {offsets = [0, 0, 0], sizes = [32, 31, 32], strides = [1, 1, 1]} : vector<32x32x32xf32> to vector<32x31x32xf32>
    %concatenate3A_294 = tpu.concatenate %broadcast_in_dim3A_292, %slice3A_293 in 1 : vector<32x1x32xf32>, vector<32x31x32xf32> -> vector<32x32x32xf32>
    %add3A_295 = arith.addf %log3A, %concatenate3A_294 : vector<32x32x32xf32>
    %broadcast_in_dim3A_296 = arith.constant 0.000000e+00 : f32
    %broadcast_in_dim3A_297 = vector.broadcast %broadcast_in_dim3A_296 : f32 to vector<32x2x32xf32>
    %slice3A_298 = vector.extract_strided_slice %add3A_295 {offsets = [0, 0, 0], sizes = [32, 30, 32], strides = [1, 1, 1]} : vector<32x32x32xf32> to vector<32x30x32xf32>
    %concatenate3A_299 = tpu.concatenate %broadcast_in_dim3A_297, %slice3A_298 in 1 : vector<32x2x32xf32>, vector<32x30x32xf32> -> vector<32x32x32xf32>
    %add3A_300 = arith.addf %add3A_295, %concatenate3A_299 : vector<32x32x32xf32>
    %broadcast_in_dim3A_301 = arith.constant 0.000000e+00 : f32
    %broadcast_in_dim3A_302 = vector.broadcast %broadcast_in_dim3A_301 : f32 to vector<32x4x32xf32>
    %slice3A_303 = vector.extract_strided_slice %add3A_300 {offsets = [0, 0, 0], sizes = [32, 28, 32], strides = [1, 1, 1]} : vector<32x32x32xf32> to vector<32x28x32xf32>
    %concatenate3A_304 = tpu.concatenate %broadcast_in_dim3A_302, %slice3A_303 in 1 : vector<32x4x32xf32>, vector<32x28x32xf32> -> vector<32x32x32xf32>
    %add3A_305 = arith.addf %add3A_300, %concatenate3A_304 : vector<32x32x32xf32>
    %broadcast_in_dim3A_306 = arith.constant 0.000000e+00 : f32
    %broadcast_in_dim3A_307 = vector.broadcast %broadcast_in_dim3A_306 : f32 to vector<32x8x32xf32>
    %slice3A_308 = vector.extract_strided_slice %add3A_305 {offsets = [0, 0, 0], sizes = [32, 24, 32], strides = [1, 1, 1]} : vector<32x32x32xf32> to vector<32x24x32xf32>
    %concatenate3A_309 = tpu.concatenate %broadcast_in_dim3A_307, %slice3A_308 in 1 : vector<32x8x32xf32>, vector<32x24x32xf32> -> vector<32x32x32xf32>
    %add3A_310 = arith.addf %add3A_305, %concatenate3A_309 : vector<32x32x32xf32>
    %broadcast_in_dim3A_311 = arith.constant 0.000000e+00 : f32
    %broadcast_in_dim3A_312 = vector.broadcast %broadcast_in_dim3A_311 : f32 to vector<32x16x32xf32>
    %slice3A_313 = vector.extract_strided_slice %add3A_310 {offsets = [0, 0, 0], sizes = [32, 16, 32], strides = [1, 1, 1]} : vector<32x32x32xf32> to vector<32x16x32xf32>
    %concatenate3A_314 = tpu.concatenate %broadcast_in_dim3A_312, %slice3A_313 in 1 : vector<32x16x32xf32>, vector<32x16x32xf32> -> vector<32x32x32xf32>
    %add3A_315 = arith.addf %add3A_310, %concatenate3A_314 : vector<32x32x32xf32>
    %exp3A_316 = math.exp %add3A_315 : vector<32x32x32xf32>
    %max3A_317 = arith.constant 9.99999993E-9 : f32
    %max3A_318 = vector.broadcast %max3A_317 : f32 to vector<32x32x32xf32>
    %max3A_319 = arith.maximumf %exp3A_316, %max3A_318 : vector<32x32x32xf32>
    %div3A_320 = arith.constant 1.000000e+00 : f32
    %div3A_321 = vector.broadcast %div3A_320 : f32 to vector<32x32x32xf32>
    %div3A_322 = arith.divf %div3A_321, %max3A_319 : vector<32x32x32xf32>
    %broadcast_in_dim3A_323 = vector.shape_cast %broadcast_in_dim3A_286 : vector<32x32xf32> to vector<32x1x32xf32>
    %mul3A_324 = arith.mulf %slice3A_288, %div3A_322 : vector<32x32x32xf32>
    %broadcast_in_dim3A_325 = arith.constant 0.000000e+00 : f32
    %broadcast_in_dim3A_326 = vector.broadcast %broadcast_in_dim3A_325 : f32 to vector<32x1x32xf32>
    %slice3A_327 = vector.extract_strided_slice %mul3A_324 {offsets = [0, 0, 0], sizes = [32, 31, 32], strides = [1, 1, 1]} : vector<32x32x32xf32> to vector<32x31x32xf32>
    %concatenate3A_328 = tpu.concatenate %broadcast_in_dim3A_326, %slice3A_327 in 1 : vector<32x1x32xf32>, vector<32x31x32xf32> -> vector<32x32x32xf32>
    %add3A_329 = arith.addf %mul3A_324, %concatenate3A_328 : vector<32x32x32xf32>
    %broadcast_in_dim3A_330 = arith.constant 0.000000e+00 : f32
    %broadcast_in_dim3A_331 = vector.broadcast %broadcast_in_dim3A_330 : f32 to vector<32x2x32xf32>
    %slice3A_332 = vector.extract_strided_slice %add3A_329 {offsets = [0, 0, 0], sizes = [32, 30, 32], strides = [1, 1, 1]} : vector<32x32x32xf32> to vector<32x30x32xf32>
    %concatenate3A_333 = tpu.concatenate %broadcast_in_dim3A_331, %slice3A_332 in 1 : vector<32x2x32xf32>, vector<32x30x32xf32> -> vector<32x32x32xf32>
    %add3A_334 = arith.addf %add3A_329, %concatenate3A_333 : vector<32x32x32xf32>
    %broadcast_in_dim3A_335 = arith.constant 0.000000e+00 : f32
    %broadcast_in_dim3A_336 = vector.broadcast %broadcast_in_dim3A_335 : f32 to vector<32x4x32xf32>
    %slice3A_337 = vector.extract_strided_slice %add3A_334 {offsets = [0, 0, 0], sizes = [32, 28, 32], strides = [1, 1, 1]} : vector<32x32x32xf32> to vector<32x28x32xf32>
    %concatenate3A_338 = tpu.concatenate %broadcast_in_dim3A_336, %slice3A_337 in 1 : vector<32x4x32xf32>, vector<32x28x32xf32> -> vector<32x32x32xf32>
    %add3A_339 = arith.addf %add3A_334, %concatenate3A_338 : vector<32x32x32xf32>
    %broadcast_in_dim3A_340 = arith.constant 0.000000e+00 : f32
    %broadcast_in_dim3A_341 = vector.broadcast %broadcast_in_dim3A_340 : f32 to vector<32x8x32xf32>
    %slice3A_342 = vector.extract_strided_slice %add3A_339 {offsets = [0, 0, 0], sizes = [32, 24, 32], strides = [1, 1, 1]} : vector<32x32x32xf32> to vector<32x24x32xf32>
    %concatenate3A_343 = tpu.concatenate %broadcast_in_dim3A_341, %slice3A_342 in 1 : vector<32x8x32xf32>, vector<32x24x32xf32> -> vector<32x32x32xf32>
    %add3A_344 = arith.addf %add3A_339, %concatenate3A_343 : vector<32x32x32xf32>
    %broadcast_in_dim3A_345 = arith.constant 0.000000e+00 : f32
    %broadcast_in_dim3A_346 = vector.broadcast %broadcast_in_dim3A_345 : f32 to vector<32x16x32xf32>
    %slice3A_347 = vector.extract_strided_slice %add3A_344 {offsets = [0, 0, 0], sizes = [32, 16, 32], strides = [1, 1, 1]} : vector<32x32x32xf32> to vector<32x16x32xf32>
    %concatenate3A_348 = tpu.concatenate %broadcast_in_dim3A_346, %slice3A_347 in 1 : vector<32x16x32xf32>, vector<32x16x32xf32> -> vector<32x32x32xf32>
    %add3A_349 = arith.addf %add3A_344, %concatenate3A_348 : vector<32x32x32xf32>
    %add3A_350 = vector.broadcast %broadcast_in_dim3A_323 : vector<32x1x32xf32> to vector<32x32x32xf32>
    %add3A_351 = arith.addf %add3A_350, %add3A_349 : vector<32x32x32xf32>
    %mul3A_352 = arith.mulf %exp3A_316, %add3A_351 : vector<32x32x32xf32>
    %slice3A_353 = vector.extract_strided_slice %mul3A_352 {offsets = [0, 31, 0], sizes = [32, 1, 32], strides = [1, 1, 1]} : vector<32x32x32xf32> to vector<32x1x32xf32>
    %squeeze3A_354 = vector.shape_cast %slice3A_353 : vector<32x1x32xf32> to vector<32x32xf32>
    %slice3A_355 = vector.extract_strided_slice %reshape3A {offsets = [0, 32, 0], sizes = [32, 24, 32], strides = [1, 1, 1]} : vector<32x56x32xf32> to vector<32x24x32xf32>
    %slice3A_356 = vector.extract_strided_slice %reshape3A_284 {offsets = [0, 32, 0], sizes = [32, 24, 32], strides = [1, 1, 1]} : vector<32x56x32xf32> to vector<32x24x32xf32>
    %max3A_357 = arith.constant 9.99999997E-7 : f32
    %max3A_358 = vector.broadcast %max3A_357 : f32 to vector<32x24x32xf32>
    %max3A_359 = arith.maximumf %slice3A_355, %max3A_358 : vector<32x24x32xf32>
    %log3A_360 = math.log %max3A_359 : vector<32x24x32xf32>
    %broadcast_in_dim3A_361 = arith.constant 0.000000e+00 : f32
    %broadcast_in_dim3A_362 = vector.broadcast %broadcast_in_dim3A_361 : f32 to vector<32x1x32xf32>
    %slice3A_363 = vector.extract_strided_slice %log3A_360 {offsets = [0, 0, 0], sizes = [32, 23, 32], strides = [1, 1, 1]} : vector<32x24x32xf32> to vector<32x23x32xf32>
    %concatenate3A_364 = tpu.concatenate %broadcast_in_dim3A_362, %slice3A_363 in 1 : vector<32x1x32xf32>, vector<32x23x32xf32> -> vector<32x24x32xf32>
    %add3A_365 = arith.addf %log3A_360, %concatenate3A_364 : vector<32x24x32xf32>
    %broadcast_in_dim3A_366 = arith.constant 0.000000e+00 : f32
    %broadcast_in_dim3A_367 = vector.broadcast %broadcast_in_dim3A_366 : f32 to vector<32x2x32xf32>
    %slice3A_368 = vector.extract_strided_slice %add3A_365 {offsets = [0, 0, 0], sizes = [32, 22, 32], strides = [1, 1, 1]} : vector<32x24x32xf32> to vector<32x22x32xf32>
    %concatenate3A_369 = tpu.concatenate %broadcast_in_dim3A_367, %slice3A_368 in 1 : vector<32x2x32xf32>, vector<32x22x32xf32> -> vector<32x24x32xf32>
    %add3A_370 = arith.addf %add3A_365, %concatenate3A_369 : vector<32x24x32xf32>
    %broadcast_in_dim3A_371 = arith.constant 0.000000e+00 : f32
    %broadcast_in_dim3A_372 = vector.broadcast %broadcast_in_dim3A_371 : f32 to vector<32x4x32xf32>
    %slice3A_373 = vector.extract_strided_slice %add3A_370 {offsets = [0, 0, 0], sizes = [32, 20, 32], strides = [1, 1, 1]} : vector<32x24x32xf32> to vector<32x20x32xf32>
    %concatenate3A_374 = tpu.concatenate %broadcast_in_dim3A_372, %slice3A_373 in 1 : vector<32x4x32xf32>, vector<32x20x32xf32> -> vector<32x24x32xf32>
    %add3A_375 = arith.addf %add3A_370, %concatenate3A_374 : vector<32x24x32xf32>
    %broadcast_in_dim3A_376 = arith.constant 0.000000e+00 : f32
    %broadcast_in_dim3A_377 = vector.broadcast %broadcast_in_dim3A_376 : f32 to vector<32x8x32xf32>
    %slice3A_378 = vector.extract_strided_slice %add3A_375 {offsets = [0, 0, 0], sizes = [32, 16, 32], strides = [1, 1, 1]} : vector<32x24x32xf32> to vector<32x16x32xf32>
    %concatenate3A_379 = tpu.concatenate %broadcast_in_dim3A_377, %slice3A_378 in 1 : vector<32x8x32xf32>, vector<32x16x32xf32> -> vector<32x24x32xf32>
    %add3A_380 = arith.addf %add3A_375, %concatenate3A_379 : vector<32x24x32xf32>
    %broadcast_in_dim3A_381 = arith.constant 0.000000e+00 : f32
    %broadcast_in_dim3A_382 = vector.broadcast %broadcast_in_dim3A_381 : f32 to vector<32x16x32xf32>
    %slice3A_383 = vector.extract_strided_slice %add3A_380 {offsets = [0, 0, 0], sizes = [32, 8, 32], strides = [1, 1, 1]} : vector<32x24x32xf32> to vector<32x8x32xf32>
    %concatenate3A_384 = tpu.concatenate %broadcast_in_dim3A_382, %slice3A_383 in 1 : vector<32x16x32xf32>, vector<32x8x32xf32> -> vector<32x24x32xf32>
    %add3A_385 = arith.addf %add3A_380, %concatenate3A_384 : vector<32x24x32xf32>
    %exp3A_386 = math.exp %add3A_385 : vector<32x24x32xf32>
    %max3A_387 = arith.constant 9.99999993E-9 : f32
    %max3A_388 = vector.broadcast %max3A_387 : f32 to vector<32x24x32xf32>
    %max3A_389 = arith.maximumf %exp3A_386, %max3A_388 : vector<32x24x32xf32>
    %div3A_390 = arith.constant 1.000000e+00 : f32
    %div3A_391 = vector.broadcast %div3A_390 : f32 to vector<32x24x32xf32>
    %div3A_392 = arith.divf %div3A_391, %max3A_389 : vector<32x24x32xf32>
    %broadcast_in_dim3A_393 = vector.shape_cast %squeeze3A_354 : vector<32x32xf32> to vector<32x1x32xf32>
    %mul3A_394 = arith.mulf %slice3A_356, %div3A_392 : vector<32x24x32xf32>
    %broadcast_in_dim3A_395 = arith.constant 0.000000e+00 : f32
    %broadcast_in_dim3A_396 = vector.broadcast %broadcast_in_dim3A_395 : f32 to vector<32x1x32xf32>
    %slice3A_397 = vector.extract_strided_slice %mul3A_394 {offsets = [0, 0, 0], sizes = [32, 23, 32], strides = [1, 1, 1]} : vector<32x24x32xf32> to vector<32x23x32xf32>
    %concatenate3A_398 = tpu.concatenate %broadcast_in_dim3A_396, %slice3A_397 in 1 : vector<32x1x32xf32>, vector<32x23x32xf32> -> vector<32x24x32xf32>
    %add3A_399 = arith.addf %mul3A_394, %concatenate3A_398 : vector<32x24x32xf32>
    %broadcast_in_dim3A_400 = arith.constant 0.000000e+00 : f32
    %broadcast_in_dim3A_401 = vector.broadcast %broadcast_in_dim3A_400 : f32 to vector<32x2x32xf32>
    %slice3A_402 = vector.extract_strided_slice %add3A_399 {offsets = [0, 0, 0], sizes = [32, 22, 32], strides = [1, 1, 1]} : vector<32x24x32xf32> to vector<32x22x32xf32>
    %concatenate3A_403 = tpu.concatenate %broadcast_in_dim3A_401, %slice3A_402 in 1 : vector<32x2x32xf32>, vector<32x22x32xf32> -> vector<32x24x32xf32>
    %add3A_404 = arith.addf %add3A_399, %concatenate3A_403 : vector<32x24x32xf32>
    %broadcast_in_dim3A_405 = arith.constant 0.000000e+00 : f32
    %broadcast_in_dim3A_406 = vector.broadcast %broadcast_in_dim3A_405 : f32 to vector<32x4x32xf32>
    %slice3A_407 = vector.extract_strided_slice %add3A_404 {offsets = [0, 0, 0], sizes = [32, 20, 32], strides = [1, 1, 1]} : vector<32x24x32xf32> to vector<32x20x32xf32>
    %concatenate3A_408 = tpu.concatenate %broadcast_in_dim3A_406, %slice3A_407 in 1 : vector<32x4x32xf32>, vector<32x20x32xf32> -> vector<32x24x32xf32>
    %add3A_409 = arith.addf %add3A_404, %concatenate3A_408 : vector<32x24x32xf32>
    %broadcast_in_dim3A_410 = arith.constant 0.000000e+00 : f32
    %broadcast_in_dim3A_411 = vector.broadcast %broadcast_in_dim3A_410 : f32 to vector<32x8x32xf32>
    %slice3A_412 = vector.extract_strided_slice %add3A_409 {offsets = [0, 0, 0], sizes = [32, 16, 32], strides = [1, 1, 1]} : vector<32x24x32xf32> to vector<32x16x32xf32>
    %concatenate3A_413 = tpu.concatenate %broadcast_in_dim3A_411, %slice3A_412 in 1 : vector<32x8x32xf32>, vector<32x16x32xf32> -> vector<32x24x32xf32>
    %add3A_414 = arith.addf %add3A_409, %concatenate3A_413 : vector<32x24x32xf32>
    %broadcast_in_dim3A_415 = arith.constant 0.000000e+00 : f32
    %broadcast_in_dim3A_416 = vector.broadcast %broadcast_in_dim3A_415 : f32 to vector<32x16x32xf32>
    %slice3A_417 = vector.extract_strided_slice %add3A_414 {offsets = [0, 0, 0], sizes = [32, 8, 32], strides = [1, 1, 1]} : vector<32x24x32xf32> to vector<32x8x32xf32>
    %concatenate3A_418 = tpu.concatenate %broadcast_in_dim3A_416, %slice3A_417 in 1 : vector<32x16x32xf32>, vector<32x8x32xf32> -> vector<32x24x32xf32>
    %add3A_419 = arith.addf %add3A_414, %concatenate3A_418 : vector<32x24x32xf32>
    %add3A_420 = vector.broadcast %broadcast_in_dim3A_393 : vector<32x1x32xf32> to vector<32x24x32xf32>
    %add3A_421 = arith.addf %add3A_420, %add3A_419 : vector<32x24x32xf32>
    %mul3A_422 = arith.mulf %exp3A_386, %add3A_421 : vector<32x24x32xf32>
    %concatenate3A_423 = tpu.concatenate %mul3A_352, %mul3A_422 in 1 : vector<32x32x32xf32>, vector<32x24x32xf32> -> vector<32x56x32xf32>
    %reshape3A_424 = vector.shape_cast %concatenate3A_423 : vector<32x56x32xf32> to vector<1792x32xf32>
    %get3A_425 = arith.constant 0 : index
    %get3A_426 = arith.constant 0 : index
    %get3A_427 = vector.load %arg10[%get3A_425, %get3A_426] : memref<32x80xf32, #tpu.memory_space<vmem>>, vector<32x80xf32>
    %dot_general3A_428 = arith.constant dense<0.000000e+00> : vector<1792x80xf32>
    %dot_general3A_429 = tpu.matmul %reshape3A_424, %get3A_427, %dot_general3A_428 {dimension_numbers = #tpu.dot_dimension_numbers<[1], [0], [0], [1], [0, 0, 1, 1], [], []>, transpose_lhs_hint = false} : vector<1792x32xf32>, vector<32x80xf32>, vector<1792x80xf32> -> vector<1792x80xf32>
    %add3A_430 = arith.addf %concatenate3A_253, %dot_general3A_429 : vector<1792x80xf32>
    %get3A_431 = arith.constant 0 : index
    %get3A_432 = arith.constant 0 : index
    %get3A_433 = vector.load %arg11[%get3A_431, %get3A_432] : memref<1x80xf32, #tpu.memory_space<vmem>>, vector<1x80xf32>
    %add3A_434 = vector.broadcast %get3A_433 : vector<1x80xf32> to vector<1792x80xf32>
    %add3A_435 = arith.addf %add3A_430, %add3A_434 : vector<1792x80xf32>
    %get3A_436 = arith.constant 0 : index
    %get3A_437 = arith.constant 0 : index
    %get3A_438 = vector.load %arg12[%get3A_436, %get3A_437] : memref<1x80xf32, #tpu.memory_space<vmem>>, vector<1x80xf32>
    %get3A_439 = arith.constant 0 : index
    %get3A_440 = arith.constant 0 : index
    %get3A_441 = vector.load %arg13[%get3A_439, %get3A_440] : memref<1x80xf32, #tpu.memory_space<vmem>>, vector<1x80xf32>
    %reduce_sum3A = arith.constant dense<0.000000e+00> : vector<1792xf32>
    %reduce_sum3A_442 = vector.multi_reduction <add>, %add3A_435, %reduce_sum3A [1] : vector<1792x80xf32> to vector<1792xf32>
    %broadcast_in_dim3A_443 = vector.shape_cast %reduce_sum3A_442 : vector<1792xf32> to vector<1792x1xf32>
    %div3A_444 = arith.constant 8.000000e+01 : f32
    %div3A_445 = vector.broadcast %div3A_444 : f32 to vector<1792x1xf32>
    %div3A_446 = arith.divf %broadcast_in_dim3A_443, %div3A_445 : vector<1792x1xf32>
    %sub3A_447 = vector.broadcast %div3A_446 : vector<1792x1xf32> to vector<1792x80xf32>
    %sub3A_448 = arith.subf %add3A_435, %sub3A_447 : vector<1792x80xf32>
    %integer_pow3A = arith.mulf %sub3A_448, %sub3A_448 : vector<1792x80xf32>
    %reduce_sum3A_449 = arith.constant dense<0.000000e+00> : vector<1792xf32>
    %reduce_sum3A_450 = vector.multi_reduction <add>, %integer_pow3A, %reduce_sum3A_449 [1] : vector<1792x80xf32> to vector<1792xf32>
    %broadcast_in_dim3A_451 = vector.shape_cast %reduce_sum3A_450 : vector<1792xf32> to vector<1792x1xf32>
    %div3A_452 = arith.constant 8.000000e+01 : f32
    %div3A_453 = vector.broadcast %div3A_452 : f32 to vector<1792x1xf32>
    %div3A_454 = arith.divf %broadcast_in_dim3A_451, %div3A_453 : vector<1792x1xf32>
    %sub3A_455 = vector.broadcast %div3A_446 : vector<1792x1xf32> to vector<1792x80xf32>
    %sub3A_456 = arith.subf %add3A_435, %sub3A_455 : vector<1792x80xf32>
    %add3A_457 = arith.constant 9.99999974E-6 : f32
    %add3A_458 = vector.broadcast %add3A_457 : f32 to vector<1792x1xf32>
    %add3A_459 = arith.addf %div3A_454, %add3A_458 : vector<1792x1xf32>
    %sqrt3A = math.sqrt %add3A_459 : vector<1792x1xf32>
    %div3A_460 = vector.broadcast %sqrt3A : vector<1792x1xf32> to vector<1792x80xf32>
    %div3A_461 = arith.divf %sub3A_456, %div3A_460 : vector<1792x80xf32>
    %mul3A_462 = vector.broadcast %get3A_438 : vector<1x80xf32> to vector<1792x80xf32>
    %mul3A_463 = arith.mulf %div3A_461, %mul3A_462 : vector<1792x80xf32>
    %add3A_464 = vector.broadcast %get3A_441 : vector<1x80xf32> to vector<1792x80xf32>
    %add3A_465 = arith.addf %mul3A_463, %add3A_464 : vector<1792x80xf32>
    %get3A_466 = arith.constant 0 : index
    %get3A_467 = arith.constant 0 : index
    %get3A_468 = vector.load %arg14[%get3A_466, %get3A_467] : memref<80x256xf32, #tpu.memory_space<vmem>>, vector<80x256xf32>
    %dot_general3A_469 = arith.constant dense<0.000000e+00> : vector<1792x256xf32>
    %dot_general3A_470 = tpu.matmul %add3A_465, %get3A_468, %dot_general3A_469 {dimension_numbers = #tpu.dot_dimension_numbers<[1], [0], [0], [1], [0, 0, 1, 1], [], []>, transpose_lhs_hint = false} : vector<1792x80xf32>, vector<80x256xf32>, vector<1792x256xf32> -> vector<1792x256xf32>
    %get3A_471 = arith.constant 0 : index
    %get3A_472 = arith.constant 0 : index
    %get3A_473 = vector.load %arg15[%get3A_471, %get3A_472] : memref<1x256xf32, #tpu.memory_space<vmem>>, vector<1x256xf32>
    %add3A_474 = vector.broadcast %get3A_473 : vector<1x256xf32> to vector<1792x256xf32>
    %add3A_475 = arith.addf %dot_general3A_470, %add3A_474 : vector<1792x256xf32>
    %get3A_476 = arith.constant 0 : index
    %get3A_477 = arith.constant 0 : index
    %get3A_478 = vector.load %arg16[%get3A_476, %get3A_477] : memref<256x256xf32, #tpu.memory_space<vmem>>, vector<256x256xf32>
    %dot_general3A_479 = arith.constant dense<0.000000e+00> : vector<1792x256xf32>
    %dot_general3A_480 = tpu.matmul %add3A_475, %get3A_478, %dot_general3A_479 {dimension_numbers = #tpu.dot_dimension_numbers<[1], [0], [0], [1], [0, 0, 1, 1], [], []>, transpose_lhs_hint = false} : vector<1792x256xf32>, vector<256x256xf32>, vector<1792x256xf32> -> vector<1792x256xf32>
    %get3A_481 = arith.constant 0 : index
    %get3A_482 = arith.constant 0 : index
    %get3A_483 = vector.load %arg17[%get3A_481, %get3A_482] : memref<256x256xf32, #tpu.memory_space<vmem>>, vector<256x256xf32>
    %dot_general3A_484 = arith.constant dense<0.000000e+00> : vector<1792x256xf32>
    %dot_general3A_485 = tpu.matmul %add3A_475, %get3A_483, %dot_general3A_484 {dimension_numbers = #tpu.dot_dimension_numbers<[1], [0], [0], [1], [0, 0, 1, 1], [], []>, transpose_lhs_hint = false} : vector<1792x256xf32>, vector<256x256xf32>, vector<1792x256xf32> -> vector<1792x256xf32>
    %neg3A_486 = arith.constant 0.000000e+00 : f32
    %neg3A_487 = vector.broadcast %neg3A_486 : f32 to vector<1792x256xf32>
    %neg3A_488 = arith.subf %neg3A_487, %dot_general3A_480 : vector<1792x256xf32>
    %exp3A_489 = math.exp %neg3A_488 : vector<1792x256xf32>
    %add3A_490 = arith.constant 1.000000e+00 : f32
    %add3A_491 = vector.broadcast %add3A_490 : f32 to vector<1792x256xf32>
    %add3A_492 = arith.addf %add3A_491, %exp3A_489 : vector<1792x256xf32>
    %div3A_493 = arith.constant 1.000000e+00 : f32
    %div3A_494 = vector.broadcast %div3A_493 : f32 to vector<1792x256xf32>
    %div3A_495 = arith.divf %div3A_494, %add3A_492 : vector<1792x256xf32>
    %mul3A_496 = arith.mulf %div3A_495, %dot_general3A_480 : vector<1792x256xf32>
    %mul3A_497 = arith.mulf %mul3A_496, %dot_general3A_485 : vector<1792x256xf32>
    %get3A_498 = arith.constant 0 : index
    %get3A_499 = arith.constant 0 : index
    %get3A_500 = vector.load %arg18[%get3A_498, %get3A_499] : memref<256x256xf32, #tpu.memory_space<vmem>>, vector<256x256xf32>
    %dot_general3A_501 = arith.constant dense<0.000000e+00> : vector<1792x256xf32>
    %dot_general3A_502 = tpu.matmul %mul3A_497, %get3A_500, %dot_general3A_501 {dimension_numbers = #tpu.dot_dimension_numbers<[1], [0], [0], [1], [0, 0, 1, 1], [], []>, transpose_lhs_hint = false} : vector<1792x256xf32>, vector<256x256xf32>, vector<1792x256xf32> -> vector<1792x256xf32>
    %add3A_503 = arith.addf %dot_general3A_502, %add3A_475 : vector<1792x256xf32>
    %get3A_504 = arith.constant 0 : index
    %get3A_505 = arith.constant 0 : index
    %get3A_506 = vector.load %arg19[%get3A_504, %get3A_505] : memref<1x256xf32, #tpu.memory_space<vmem>>, vector<1x256xf32>
    %get3A_507 = arith.constant 0 : index
    %get3A_508 = arith.constant 0 : index
    %get3A_509 = vector.load %arg20[%get3A_507, %get3A_508] : memref<1x256xf32, #tpu.memory_space<vmem>>, vector<1x256xf32>
    %reduce_sum3A_510 = arith.constant dense<0.000000e+00> : vector<1792xf32>
    %reduce_sum3A_511 = vector.multi_reduction <add>, %add3A_503, %reduce_sum3A_510 [1] : vector<1792x256xf32> to vector<1792xf32>
    %broadcast_in_dim3A_512 = vector.shape_cast %reduce_sum3A_511 : vector<1792xf32> to vector<1792x1xf32>
    %div3A_513 = arith.constant 2.560000e+02 : f32
    %div3A_514 = vector.broadcast %div3A_513 : f32 to vector<1792x1xf32>
    %div3A_515 = arith.divf %broadcast_in_dim3A_512, %div3A_514 : vector<1792x1xf32>
    %sub3A_516 = vector.broadcast %div3A_515 : vector<1792x1xf32> to vector<1792x256xf32>
    %sub3A_517 = arith.subf %add3A_503, %sub3A_516 : vector<1792x256xf32>
    %integer_pow3A_518 = arith.mulf %sub3A_517, %sub3A_517 : vector<1792x256xf32>
    %reduce_sum3A_519 = arith.constant dense<0.000000e+00> : vector<1792xf32>
    %reduce_sum3A_520 = vector.multi_reduction <add>, %integer_pow3A_518, %reduce_sum3A_519 [1] : vector<1792x256xf32> to vector<1792xf32>
    %broadcast_in_dim3A_521 = vector.shape_cast %reduce_sum3A_520 : vector<1792xf32> to vector<1792x1xf32>
    %div3A_522 = arith.constant 2.560000e+02 : f32
    %div3A_523 = vector.broadcast %div3A_522 : f32 to vector<1792x1xf32>
    %div3A_524 = arith.divf %broadcast_in_dim3A_521, %div3A_523 : vector<1792x1xf32>
    %sub3A_525 = vector.broadcast %div3A_515 : vector<1792x1xf32> to vector<1792x256xf32>
    %sub3A_526 = arith.subf %add3A_503, %sub3A_525 : vector<1792x256xf32>
    %add3A_527 = arith.constant 9.99999974E-6 : f32
    %add3A_528 = vector.broadcast %add3A_527 : f32 to vector<1792x1xf32>
    %add3A_529 = arith.addf %div3A_524, %add3A_528 : vector<1792x1xf32>
    %sqrt3A_530 = math.sqrt %add3A_529 : vector<1792x1xf32>
    %div3A_531 = vector.broadcast %sqrt3A_530 : vector<1792x1xf32> to vector<1792x256xf32>
    %div3A_532 = arith.divf %sub3A_526, %div3A_531 : vector<1792x256xf32>
    %mul3A_533 = vector.broadcast %get3A_506 : vector<1x256xf32> to vector<1792x256xf32>
    %mul3A_534 = arith.mulf %div3A_532, %mul3A_533 : vector<1792x256xf32>
    %add3A_535 = vector.broadcast %get3A_509 : vector<1x256xf32> to vector<1792x256xf32>
    %add3A_536 = arith.addf %mul3A_534, %add3A_535 : vector<1792x256xf32>
    %get3A_537 = arith.constant 0 : index
    %get3A_538 = arith.constant 0 : index
    %get3A_539 = vector.load %arg21[%get3A_537, %get3A_538] : memref<256x1024xf32, #tpu.memory_space<vmem>>, vector<256x1024xf32>
    %dot_general3A_540 = arith.constant dense<0.000000e+00> : vector<1792x1024xf32>
    %dot_general3A_541 = tpu.matmul %add3A_536, %get3A_539, %dot_general3A_540 {dimension_numbers = #tpu.dot_dimension_numbers<[1], [0], [0], [1], [0, 0, 1, 1], [], []>, transpose_lhs_hint = false} : vector<1792x256xf32>, vector<256x1024xf32>, vector<1792x1024xf32> -> vector<1792x1024xf32>
    %get3A_542 = arith.constant 0 : index
    %get3A_543 = arith.constant 0 : index
    %get3A_544 = vector.load %arg22[%get3A_542, %get3A_543] : memref<1x1024xf32, #tpu.memory_space<vmem>>, vector<1x1024xf32>
    %add3A_545 = vector.broadcast %get3A_544 : vector<1x1024xf32> to vector<1792x1024xf32>
    %add3A_546 = arith.addf %dot_general3A_541, %add3A_545 : vector<1792x1024xf32>
    %swap3A = arith.constant 0 : index
    %swap3A_547 = arith.constant 0 : index
    %swap3A_548 = vector.load %arg23[%swap3A, %swap3A_547] : memref<1792x1024xf32, #tpu.memory_space<vmem>>, vector<1792x1024xf32>
    tpu.vector_store %arg23[%swap3A, %swap3A_547], %add3A_546 {strides = array<i32>} : memref<1792x1024xf32, #tpu.memory_space<vmem>>, vector<1792x1024xf32>,
    return
  }
  func.func @transform_0(%arg0: i32) -> (i32, i32) {
    %c0_i32 = arith.constant 0 : i32
    %c0_i32_0 = arith.constant 0 : i32
    return %arg0, %c0_i32 : i32, i32
  }
  func.func @transform_1(%arg0: i32) -> (i32, i32) {
    %c0_i32 = arith.constant 0 : i32
    %c0_i32_0 = arith.constant 0 : i32
    return %arg0, %c0_i32 : i32, i32
  }
  func.func @transform_2(%arg0: i32) -> (i32, i32) {
    %c0_i32 = arith.constant 0 : i32
    %c0_i32_0 = arith.constant 0 : i32
    %c0_i32_1 = arith.constant 0 : i32
    return %c0_i32, %c0_i32_0 : i32, i32
  }
  func.func @transform_3(%arg0: i32) -> (i32, i32) {
    %c0_i32 = arith.constant 0 : i32
    %c0_i32_0 = arith.constant 0 : i32
    %c0_i32_1 = arith.constant 0 : i32
    return %c0_i32, %c0_i32_0 : i32, i32
  }
  func.func @transform_4(%arg0: i32) -> (i32, i32) {
    %c0_i32 = arith.constant 0 : i32
    %c0_i32_0 = arith.constant 0 : i32
    %c0_i32_1 = arith.constant 0 : i32
    return %c0_i32, %c0_i32_0 : i32, i32
  }
  func.func @transform_5(%arg0: i32) -> (i32, i32) {
    %c0_i32 = arith.constant 0 : i32
    %c0_i32_0 = arith.constant 0 : i32
    %c0_i32_1 = arith.constant 0 : i32
    return %c0_i32, %c0_i32_0 : i32, i32
  }
  func.func @transform_6(%arg0: i32) -> (i32, i32) {
    %c0_i32 = arith.constant 0 : i32
    %c0_i32_0 = arith.constant 0 : i32
    %c0_i32_1 = arith.constant 0 : i32
    return %c0_i32, %c0_i32_0 : i32, i32
  }
  func.func @transform_7(%arg0: i32) -> (i32, i32) {
    %c0_i32 = arith.constant 0 : i32
    %c0_i32_0 = arith.constant 0 : i32
    %c0_i32_1 = arith.constant 0 : i32
    return %c0_i32, %c0_i32_0 : i32, i32
  }
  func.func @transform_8(%arg0: i32) -> (i32, i32) {
    %c0_i32 = arith.constant 0 : i32
    %c0_i32_0 = arith.constant 0 : i32
    %c0_i32_1 = arith.constant 0 : i32
    return %c0_i32, %c0_i32_0 : i32, i32
  }
  func.func @transform_9(%arg0: i32) -> (i32, i32) {
    %c0_i32 = arith.constant 0 : i32
    %c0_i32_0 = arith.constant 0 : i32
    %c0_i32_1 = arith.constant 0 : i32
    return %c0_i32, %c0_i32_0 : i32, i32
  }
  func.func @transform_10(%arg0: i32) -> (i32, i32) {
    %c0_i32 = arith.constant 0 : i32
    %c0_i32_0 = arith.constant 0 : i32
    %c0_i32_1 = arith.constant 0 : i32
    return %c0_i32, %c0_i32_0 : i32, i32
  }
  func.func @transform_11(%arg0: i32) -> (i32, i32) {
    %c0_i32 = arith.constant 0 : i32
    %c0_i32_0 = arith.constant 0 : i32
    %c0_i32_1 = arith.constant 0 : i32
    return %c0_i32, %c0_i32_0 : i32, i32
  }
  func.func @transform_12(%arg0: i32) -> (i32, i32) {
    %c0_i32 = arith.constant 0 : i32
    %c0_i32_0 = arith.constant 0 : i32
    %c0_i32_1 = arith.constant 0 : i32
    return %c0_i32, %c0_i32_0 : i32, i32
  }
  func.func @transform_13(%arg0: i32) -> (i32, i32) {
    %c0_i32 = arith.constant 0 : i32
    %c0_i32_0 = arith.constant 0 : i32
    %c0_i32_1 = arith.constant 0 : i32
    return %c0_i32, %c0_i32_0 : i32, i32
  }
  func.func @transform_14(%arg0: i32) -> (i32, i32) {
    %c0_i32 = arith.constant 0 : i32
    %c0_i32_0 = arith.constant 0 : i32
    %c0_i32_1 = arith.constant 0 : i32
    return %c0_i32, %c0_i32_0 : i32, i32
  }
  func.func @transform_15(%arg0: i32) -> (i32, i32) {
    %c0_i32 = arith.constant 0 : i32
    %c0_i32_0 = arith.constant 0 : i32
    %c0_i32_1 = arith.constant 0 : i32
    return %c0_i32, %c0_i32_0 : i32, i32
  }
  func.func @transform_16(%arg0: i32) -> (i32, i32) {
    %c0_i32 = arith.constant 0 : i32
    %c0_i32_0 = arith.constant 0 : i32
    %c0_i32_1 = arith.constant 0 : i32
    return %c0_i32, %c0_i32_0 : i32, i32
  }
  func.func @transform_17(%arg0: i32) -> (i32, i32) {
    %c0_i32 = arith.constant 0 : i32
    %c0_i32_0 = arith.constant 0 : i32
    %c0_i32_1 = arith.constant 0 : i32
    return %c0_i32, %c0_i32_0 : i32, i32
  }
  func.func @transform_18(%arg0: i32) -> (i32, i32) {
    %c0_i32 = arith.constant 0 : i32
    %c0_i32_0 = arith.constant 0 : i32
    %c0_i32_1 = arith.constant 0 : i32
    return %c0_i32, %c0_i32_0 : i32, i32
  }
  func.func @transform_19(%arg0: i32) -> (i32, i32) {
    %c0_i32 = arith.constant 0 : i32
    %c0_i32_0 = arith.constant 0 : i32
    %c0_i32_1 = arith.constant 0 : i32
    return %c0_i32, %c0_i32_0 : i32, i32
  }
  func.func @transform_20(%arg0: i32) -> (i32, i32) {
    %c0_i32 = arith.constant 0 : i32
    %c0_i32_0 = arith.constant 0 : i32
    %c0_i32_1 = arith.constant 0 : i32
    return %c0_i32, %c0_i32_0 : i32, i32
  }
  func.func @transform_21(%arg0: i32) -> (i32, i32) {
    %c0_i32 = arith.constant 0 : i32
    %c0_i32_0 = arith.constant 0 : i32
    %c0_i32_1 = arith.constant 0 : i32
    return %c0_i32, %c0_i32_0 : i32, i32
  }
  func.func @transform_22(%arg0: i32) -> (i32, i32) {
    %c0_i32 = arith.constant 0 : i32
    %c0_i32_0 = arith.constant 0 : i32
    return %arg0, %c0_i32 : i32, i32
  }
}

</mosaic_0001>

<sc_bundles>
// kernel: kernel.4.cloned.1.call-start
scs
__scs_entry_jumppad:
0x0: {  	(pc) =	sbr.rel $0x88, $3  }
0x1: {  	(tag) =	ssettag $0x0;
	lr =	simm.s32 $0x1  }
0x2: {  	[smem:$0x3F87] =	sst lr;
	_ =	strace $0xD0000000  }
0x3: {  	_ = 	snop  }
0x4: {  	_ = 	snop  }
0x5: {  	_ = 	snop  }
0x6: {  	_ = 	snop  }
0x7: {  	_ = 	snop  }
__scs_overlays_trampoline_lowered:
0x8: {  	[smem:$0x3F96] =	sst s0  }
0x9: {  	[smem:$0x3F97] =	sst s1  }
0xa: {  	[smem:$0x3F98] =	sst s2  }
0xb: {  	[smem:$0x3F99] =	sst s3  }
0xc: {  	[smem:$0x3F9A] =	sst s4  }
0xd: {  	[smem:$0x3F9B] =	sst s5  }
0xe: {  	[smem:$0x3F9C] =	sst s6  }
0xf: {  	[smem:$0x3F9D] =	sst s7  }
0x10: {  	[smem:$0x3F9E] =	sst s8  }
0x11: {  	[smem:$0x3F9F] =	sst s9;
	s0 =	simm.s32 @!p0 $0x0  }
0x12: {  	s1 =	sld [smem:$0x3F85];
	s0 =	simm.s32 @p0 $0x1  }
0x13: {  	[smem:$0x3FA0] =	sst s0;
	s0 =	simm.s32 @!p1 $0x0  }
0x14: {  	s2 =	sld [smem:$0x3F84];
	s0 =	simm.s32 @p1 $0x1  }
0x15: {  	[smem:$0x3FA1] =	sst s0;
	s0 =	simm.s32 @!p2 $0x0  }
0x16: {  	s3 =	sld [smem:$0x3FDB];
	s0 =	simm.s32 @p2 $0x1  }
0x17: {  	s4 =	simm.s32 $0x1BF5;
	[smem:$0x3FA3] =	sst s0  }
0x18: {  	s0 =	sld [smem:$0x3F86];
	_ =	swait.ge [sflag:s4], $0x0  }
0x19: {  	s7 =	sld [smem:$0x3F87]  }
0x1a: {  	s8 =	sadd.s32 $0xFFFFE003, lr  }
0x1b: {  	s9 =	sadd.s32 $0xFFFFFEF7, lr;
	s5 =	simm.s32 $0xFFFFFFFF;
	p2 =	slt.u32 s8, $0xFFFFF086  }
0x1c: {  	p1 =	slt.u32 s9, $0xF7A;
	s5 =	simm.s32 @!p2 $0x0  }
0x1d: {  	s5 =	simm.s32 @p1 $0x1;
	p0 =	seq.s32 s7, s2  }
0x1e: {  	s7 =	smul.u32 @!p0 $0xF7A, s2;
	p2 =	seq.s32 @!p0 s5, $0x0  }
0x1f: {  	s9 =	smul.u32 $0xF7A, s1;
	s8 =	simm.s32 @!p0 $0x1BF5;
	p2 =	por !p2, p0  }
0x20: {  	[sflag:s8] =	ssyncset.s32 @!p0 $0xFFFFF086;
	s6 =	sadd.s32 @!p0 s3, s7;
	s7 =	simm.s32 @!p0 $0x108  }
0x21: {  	s3 =	sadd.s32 s3, s9;
	s6 =	sadd.s32 @!p0 $0x88, s6;
	s7 =	simm.s32 @p2 $0x1082  }
0x22: {  	[simem:s7], [sflag:s8] =	dma.local @!p0 [hbm:s6], $0xF7A  }
0x23: {  	s9 =	sor.u32 $0xD0000000, s2;
	s6 =	simm.s32 $0x108;
	_ =	swait.ge @!p0 [sflag:s8], $0x0  }
0x24: {  	s3 =	sadd.s32 $0x88, s3;
	s6 =	simm.s32 @!p1 $0x1082;
	[sflag:s4] =	ssyncset.s32 $0xFFFFF086  }
0x25: {  	[simem:s6], [sflag:s4] =	dma.local [hbm:s3], $0xF7A  }
0x26: {  	[smem:$0x3F87] =	sst s1;
	(tag) =	ssettag s2;
	_ =	strace s9  }
0x27: {  	s1 =	sld [smem:$0x3F97]  }
0x28: {  	s2 =	sld [smem:$0x3F98]  }
0x29: {  	s4 =	sld [smem:$0x3F9A]  }
0x2a: {  	p0 =	seq.s32 s5, $0x0;
	s5 =	sld [smem:$0x3F9B]  }
0x2b: {  	s6 =	sld [smem:$0x3F9C]  }
0x2c: {  	s7 =	sld [smem:$0x3F9D]  }
0x2d: {  	s3 =	simm.s32 $0x108;
	s8 =	sld [smem:$0x3F9E]  }
0x2e: {  	s3 =	simm.s32 @!p0 $0x1082;
	s9 =	sld [smem:$0x3F9F]  }
0x2f: {  	lr =	sadd.s32 s0, s3;
	s0 =	sld [smem:$0x3F96]  }
0x30: {  	s3 =	sld [smem:$0x3F99]  }
0x31: {  	[smem:$0x3FA2] =	sst s10  }
0x32: {  	s10 =	sld [smem:$0x3FA0];
	_ =	sdelay $0x3  }
0x33: {  	p0 =	seq.s32 s10, $0x1;
	s10 =	sld [smem:$0x3FA2];
	_ =	sdelay $0x3  }
0x34: {  	[smem:$0x3FA2] =	sst s10  }
0x35: {  	s10 =	sld [smem:$0x3FA1];
	_ =	sdelay $0x3  }
0x36: {  	p1 =	seq.s32 s10, $0x1;
	s10 =	sld [smem:$0x3FA2];
	_ =	sdelay $0x3  }
0x37: {  	[smem:$0x3FA2] =	sst s10  }
0x38: {  	s10 =	sld [smem:$0x3FA3]  }
0x39: {  	_ = 	snop;
	(pc) =	sbr.ind lr, $3  }
0x3a: {  	_ = 	snop  }
0x3b: {  	_ = 	snop  }
0x3c: {  	p2 =	seq.s32 s10, $0x1;
	s10 =	sld [smem:$0x3FA2]  }
0x3d: {  	_ =	shalt  }
0x3e: {  	_ =	shalt  }
0x3f: {  	_ =	shalt  }
0x40: {  	_ =	shalt  }
0x41: {  	_ =	shalt  }
0x42: {  	_ =	shalt  }
0x43: {  	_ =	shalt  }
0x44: {  	_ =	shalt  }
0x45: {  	_ =	shalt  }
0x46: {  	_ =	shalt  }
0x47: {  	_ =	shalt  }
0x48: {  	_ =	shalt  }
0x49: {  	_ =	shalt  }
0x4a: {  	_ =	shalt  }
0x4b: {  	_ =	shalt  }
0x4c: {  	_ =	shalt  }
0x4d: {  	_ =	shalt  }
0x4e: {  	_ =	shalt  }
0x4f: {  	_ =	shalt  }
0x50: {  	_ =	shalt  }
0x51: {  	_ =	shalt  }
0x52: {  	_ =	shalt  }
0x53: {  	_ =	shalt  }
0x54: {  	_ =	shalt  }
0x55: {  	_ =	shalt  }
0x56: {  	_ =	shalt  }
0x57: {  	_ =	shalt  }
0x58: {  	_ =	shalt  }
0x59: {  	_ =	shalt  }
0x5a: {  	_ =	shalt  }
0x5b: {  	_ =	shalt  }
0x5c: {  	_ =	shalt  }
0x5d: {  	_ =	shalt  }
0x5e: {  	_ =	shalt  }
0x5f: {  	_ =	shalt  }
0x60: {  	_ =	shalt  }
0x61: {  	_ =	shalt  }
0x62: {  	_ =	shalt  }
0x63: {  	_ =	shalt  }
0x64: {  	_ =	shalt  }
0x65: {  	_ =	shalt  }
0x66: {  	_ =	shalt  }
0x67: {  	_ =	shalt  }
0x68: {  	_ =	shalt  }
0x69: {  	_ =	shalt  }
0x6a: {  	_ =	shalt  }
0x6b: {  	_ =	shalt  }
0x6c: {  	_ =	shalt  }
0x6d: {  	_ =	shalt  }
0x6e: {  	_ =	shalt  }
0x6f: {  	_ =	shalt  }
0x70: {  	_ =	shalt  }
0x71: {  	_ =	shalt  }
0x72: {  	_ =	shalt  }
0x73: {  	_ =	shalt  }
0x74: {  	_ =	shalt  }
0x75: {  	_ =	shalt  }
0x76: {  	_ =	shalt  }
0x77: {  	_ =	shalt  }
0x78: {  	_ =	shalt  }
0x79: {  	_ =	shalt  }
0x7a: {  	_ =	shalt  }
0x7b: {  	_ =	shalt  }
0x7c: {  	_ =	shalt  }
0x7d: {  	_ =	shalt  }
0x7e: {  	_ =	shalt  }
0x7f: {  	_ =	shalt  }
0x80: {  	_ =	shalt  }
0x81: {  	_ =	shalt  }
0x82: {  	_ =	shalt  }
0x83: {  	_ =	shalt  }
0x84: {  	_ =	shalt  }
0x85: {  	_ =	shalt  }
0x86: {  	_ =	shalt  }
0x87: {  	_ =	shalt  }
.Lfunc_end0:
.L_simem_size_0:
called_computation.1_lowered:
.L_overlay_start_0:
0x88: {  	s2 =	sld [smem:$0x3FD9]  }
0x89: {  	s3 =	sld [smem:$0x3FFE];
	_ =	sdelay $0x1  }
0x8a: {  	s1 =	srdreg.scid  }
0x8b: {  	s0 =	sand.u32 $0x1, s1  }
0x8c: {  	s16 =	sshll.u32 s0, $0xA;
	s2 =	sadd.s32 s3, s2  }
0x8d: {  	s2 =	sadd.s32 s2, s16  }
0x8e: {  	[smem:$0x3FAE] =	sst s2  }
0x8f: {  	_ = 	snop  }
0x90: {  	(tm) =	ssettm $0x1  }
0x91: {  	s17 =	sld [smem:$0x3FFB];
	_ =	sdelay $0x3  }
0x92: {  	_ =	strace s17  }
0x93: {  	s2 =	sld [smem:$0x3FFC];
	_ =	sdelay $0x3  }
0x94: {  	_ =	strace s2  }
0x95: {  	s2 =	sld [smem:$0x3FFD];
	_ =	sdelay $0x3  }
0x96: {  	_ =	strace s2  }
0x97: {  	_ =	strace $0x8FFFFFFF  }
0x98: {  	s18 =	sld [smem:$0x3FDB];
	_ =	sdelay $0x1  }
0x99: {  	s19 =	simm.s32 $_scs_section_size  }
0x9a: {  	s4 =	simm.s32 $_size__tile_overlayer_lowered;
	s5 =	simm.s32 $_tile_overlayer_lowered  }
0x9b: {  	s22 =	simm.s32 $0x1BFF;
	s21 =	sshll.u32 s5, $0x1;
	s2 =	sadd.s32 s19, s18  }
0x9c: {  	s6 =	simm.s32 $0x0;
	s20 =	sshll.u32 s4, $0x1;
	s4 =	sadd.s32 s21, s2  }
0x9d: {  	[timem:s6], [sflag:s22] =	dma.local [hbm:s4], s20  }
0x9e: {  	_ =	swait.ge [sflag:s22], s20  }
0x9f: {  	s3 =	ssub.s32 $0x0, s20;
	[sflag:s22] =	ssyncset.done $0x0  }
0xa0: {  	[sflag:s22] =	ssyncadd.s32 s3;
	_ =	sdelay $0x1  }
0xa1: {  	s23 =	simm.s32 $0x1B8B  }
0xa2: {  	_ =	swait.ge [sflag:s23], $0x1  }
0xa3: {  	[sflag:s23] =	ssyncset.done $0x0  }
0xa4: {  	s25 =	simm.s32 $0x1B8E;
	s24 =	sld [smem:$0x3FFE];
	[sflag:s23] =	ssyncadd.s32 $0xFFFFFFFF  }
0xa5: {  	s26 =	simm.s32 $execute0_lowered;
	[smem:$0x3FD2] =	sst s25  }
0xa6: {  	s4 =	sshll.u32 s26, $0x1;
	_ =	strace $0x80000046;
	[dreg:$0x1] =	wrdreg $0xFFFFFFFF  }
0xa7: {  	s28 =	simm.s32 $_size_execute0_lowered;
	s2 =	sadd.s32 s2, s4;
	[dreg:$0x0] =	wrdreg $0x0  }
0xa8: {  	s4 =	sshll.u32 s28, $0x1;
	[dreg:$0x2] =	wrdreg s2  }
0xa9: {  	[dreg:$0x3] =	wrdreg s4  }
0xaa: {  	[dreg:$0x4] =	wrdreg $0xC0  }
0xab: {  	_ =	task [dreg:s6], $0x5FFFF  }
0xac: {  	[dreg:$0x1] =	wrdreg $0xFFFFFFFF  }
0xad: {  	[dreg:$0x0] =	wrdreg $0x60  }
0xae: {  	[dreg:$0x2] =	wrdreg s24  }
0xaf: {  	[dreg:$0x3] =	wrdreg $0x9  }
0xb0: {  	_ =	task.clear_ibuf [dreg:s6], $0x4FFFF;
	_ =	strace $0x90000046  }
0xb1: {  	s29 =	simm.s32 $0x9;
	_ =	strace $0x80000048  }
0xb2: {  	_ =	swait.ge [sflag:s29], $0x1  }
0xb3: {  	[sflag:s29] =	ssyncadd.s32 $0xFFFFFFFF  }
0xb4: {  	_ =	strace $0x90000048  }
0xb5: {  	_ =	sfence  }
0xb6: {  	s30 =	sld [smem:$0x0];
	_ =	sdelay $0x2  }
0xb7: {  	s31 =	sshll.u32 s1, $0xD;
	s1 =	sshrl.u32 s1, $0x2  }
0xb8: {  	s3 =	sand.u32 $0x4000, s31;
	s1 =	sadd.s32 s1, s30  }
0xb9: {  	s0 =	sor.u32 s3, s0;
	s1 =	sshll.u32 s1, $0x11  }
0xba: {  	s0 =	sor.u32 s1, s0  }
0xbb: {  	s0 =	sadd.s32 $0x8F2B, s0  }
0xbc: {  	[sflag:s0] =	ssyncadd.remote.s32 $0x1  }
0xbd: {  	_ =	sfence.sel $0xFFFF  }
0xbe: {  	[dreg:$0x0] =	wrdreg $0xFFFFFFFF;
	(pc) =	sbr.abs _section_cstart, $3  }
0xbf: {  	[dreg:$0x1] =	wrdreg $0xFFFFFFFF  }
0xc0: {  	_ =	task.clear_ibuf [dreg:s6], $0x2FFFF;
	_ =	strace $0x9FFFFFFF  }
0xc1: {  	(tm) =	ssettm $0x7FFFFFFF  }
tec
execute0_lowered:
.L_overlay_start_1:
0x0: {  	(tag) =	ssettag $0x1  }
0x1: {  	s12 =	rddreg [dreg:$0x0]  }
0x2: {  	s0 =	rddreg [dreg:$0x1];
	s1 =	simm.s32 $0x0  }
0x3: {  	s6 =	srdreg.scid;
	s2 =	stileid.u32;
	s16 =	simm.s32 $0xA800  }
0x4: {  	s17 =	simm.s32 $0x80;
	s18 =	simm.s32 $0x1;
	s19 =	simm.s32 $0x7000  }
0x5: {  	s20 =	simm.s32 $0x0;
	[smem:$0x7FF] =	sst s1;
	s3 =	sadd.s32 $0x47A00, s12  }
0x6: {  	s4 =	sadd.s32 $0xA800, s12;
	s5 =	sadd.s32 $0xC1E00, s12;
	s9 =	sand.u32 $0x1, s6  }
0x7: {  	s8 =	sshll.u32 s2, $0x1;
	s6 =	sadd.s32 $0x84C00, s12;
	s7 =	sadd.s32 $0x13C200, s12  }
0x8: {  	s11 =	sadd.s32 $0x3800, s12;
	_ =	strace $0x80000047;
	s10 =	sor.u32 s9, s8  }
0x9: {  	s8 =	sadd.s32 $0xFF000, s12;
	s14 =	ssub.s32 $0x2, s9;
	s13 =	smul.u32 $0x700, s10  }
0xa: {  	s9 =	sadd.s32 $0x1B6600, s12;
	s10 =	sadd.s32 $0x179400, s12;
	s15 =	sshrl.u32 s14, $0x1  }
0xb: {  	s14 =	ssub.s32 s14, s15;
	s15 =	simm.s32 $0x2;
	s13 =	sadd.s32 s13, s12  }
0xc: {  	v0 =	vimm.s32 $0x0;
	s14 =	smax.u32 s14, $0x1;
	s12 =	sadd.s32 $0x1F3800, s13;
	s13 =	sadd.s32 $0x201800, s13  }
.LBB2_1:
0xd: {  	[tilespmem:s1], [sflag:$0x2] =	stream.linear.gather [hbm4b:s12+s1], $0x3800, $0x38;
	[tilespmem:$0xB800] =	vst v63  }
0xe: {  	_ =	swait.ge [sflag:s15], $0x3800  }
0xf: {  	[sflag:s15] =	ssyncset.done $0x0  }
0x10: {  	[sflag:s15] =	ssyncadd.s32 $0xFFFFC800  }
0x11: {  	[tilespmem:s16], [sflag:$0x2] =	stream.linear.gather [hbm4b:s11+s1], $0x1000, $0x38;
	[tilespmem:$0xB800] =	vst v63  }
0x12: {  	s21 =	simm.s32 $0x0;
	_ =	swait.ge [sflag:s15], $0x1000  }
0x13: {  	s23 =	sand.u32 $0x70, s1;
	s21 =	sand.u32 $0x3FFFFC00, s21;
	[sflag:s15] =	ssyncset.done $0x0  }
0x14: {  	s22 =	sor.u32 s23, s21;
	[sflag:s15] =	ssyncadd.s32 $0xFFFFF000  }
0x15: {  	v1 =	vld [tilespmem:s22+$0x0];
	_ =	sdelay $0x4  }
0x16: {  	v2 =	vmul.u32 $0x1779B1, v1  }
0x17: {  	v1 =	vmul.u32 $0x4F1, v1  }
0x18: {  	v3 =	vshrl.u32 v2, $0x15  }
0x19: {  	v1 =	vadd.s32 v1, v3  }
0x1a: {  	vm0 =	vgt.s32 v1, $0x1E847F;
	v3 =	vadd.s32 $0xFFE17B80, v1  }
0x1b: {  	v3 =	vsel vm0, v3, v1  }
0x1c: {  	v4 =	vand.u32 $0x7FF, v3  }
0x1d: {  	v3 =	vshrl.u32 v3, $0xB;
	v4 =	vmul.u32 $0x17B80, v4  }
0x1e: {  	v5 =	vand.u32 $0x1FFFFF, v2;
	v3 =	vmul.u32 $0xEC280, v3  }
0x1f: {  	v4 =	vadd.s32 v5, v4  }
0x20: {  	v3 =	vadd.s32 v3, v4  }
0x21: {  	v4 =	vcvt.s32.f32 v3;
	_ =	sdelay $0x1  }
0x22: {  	v4 =	vmul.f32 $4.999999990e-07, v4;
	_ =	sdelay $0x1  }
0x23: {  	v4 =	vtrunc.f32 v4  }
0x24: {  	v4 =	vcvt.f32.s32 v4;
	_ =	sdelay $0x1  }
0x25: {  	v4 =	vmul.u32 $0xFFE17B80, v4;
	_ =	sdelay $0x1  }
0x26: {  	v3 =	vadd.s32 v3, v4  }
0x27: {  	vm10 =	vlt.s32 v3, $0x0;
	v4 =	vadd.s32 $0x1E8480, v3  }
0x28: {  	s31 =	simm.s32 $0x0;
	v3 =	vsel vm10, v4, v3  }
0x29: {  	s21 =	sand.u32 $0xFFFFFE00, s31;
	vm0 =	vgt.s32 v3, $0x1E847F;
	v4 =	vadd.s32 $0xFFE17B80, v3  }
0x2a: {  	s21 =	sor.u32 s23, s21;
	v3 =	vsel vm0, v4, v3  }
0x2b: {  	[tilespmem:s21+$0x3800] =	vst v3  }
0x2c: {  	[tilespmem:s21+$0x5400] =	vst v3  }
0x2d: {  	v3 =	vld [tilespmem:s22+$0x80];
	_ =	sdelay $0x4  }
0x2e: {  	v48 =	vmul.u32 $0xBCA77, v3  }
0x2f: {  	v3 =	vmul.u32 $0x42F, v3  }
0x30: {  	v49 =	vshrl.u32 v48, $0x15  }
0x31: {  	v3 =	vadd.s32 v3, v49  }
0x32: {  	v1 =	vxor.u32 v1, v3  }
0x33: {  	vm11 =	vgt.s32 v1, $0x1E847F;
	v3 =	vadd.s32 $0xFFE17B80, v1  }
0x34: {  	v3 =	vsel vm11, v3, v1  }
0x35: {  	v50 =	vand.u32 $0x7FF, v3  }
0x36: {  	v2 =	vxor.u32 v2, v48;
	v3 =	vshrl.u32 v3, $0xB;
	v51 =	vmul.u32 $0x17B80, v50  }
0x37: {  	v52 =	vand.u32 $0x1FFFFF, v2;
	v3 =	vmul.u32 $0xEC280, v3  }
0x38: {  	v4 =	vadd.s32 v52, v51  }
0x39: {  	v3 =	vadd.s32 v3, v4  }
0x3a: {  	v4 =	vcvt.s32.f32 v3;
	_ =	sdelay $0x1  }
0x3b: {  	v4 =	vmul.f32 $4.999999990e-07, v4;
	_ =	sdelay $0x1  }
0x3c: {  	v4 =	vtrunc.f32 v4  }
0x3d: {  	v4 =	vcvt.f32.s32 v4;
	_ =	sdelay $0x1  }
0x3e: {  	v4 =	vmul.u32 $0xFFE17B80, v4;
	_ =	sdelay $0x1  }
0x3f: {  	v3 =	vadd.s32 v3, v4  }
0x40: {  	vm12 =	vlt.s32 v3, $0x0;
	v4 =	vadd.s32 $0x1E8480, v3  }
0x41: {  	v3 =	vsel vm12, v4, v3  }
0x42: {  	vm0 =	vgt.s32 v3, $0x1E847F;
	v4 =	vadd.s32 $0xFFE17B80, v3  }
0x43: {  	v3 =	vsel vm0, v4, v3  }
0x44: {  	[tilespmem:s21+$0x3880] =	vst v3  }
0x45: {  	[tilespmem:s21+$0x5480] =	vst v3  }
0x46: {  	v3 =	vld [tilespmem:s22+$0x100]  }
0x47: {  	v53 =	vld [tilespmem:s22+$0x180];
	_ =	sdelay $0x4  }
0x48: {  	v54 =	vmul.u32 $0x12AE3D, v3;
	v6 =	vmul.u32 $0x38C51, v53  }
0x49: {  	v3 =	vmul.u32 $0x615, v3;
	v4 =	vmul.u32 $0x3C7, v53  }
0x4a: {  	v7 =	vshrl.u32 v54, $0x15;
	v8 =	vshrl.u32 v6, $0x15  }
0x4b: {  	v3 =	vadd.s32 v3, v7;
	v4 =	vadd.s32 v4, v8  }
0x4c: {  	v3 =	vxor.u32 v4, v3  }
0x4d: {  	v1 =	vxor.u32 v1, v3  }
0x4e: {  	vm13 =	vgt.s32 v1, $0x1E847F;
	v3 =	vadd.s32 $0xFFE17B80, v1  }
0x4f: {  	v3 =	vsel vm13, v3, v1  }
0x50: {  	v2 =	vxor.u32 v2, v54;
	v55 =	vand.u32 $0x7FF, v3  }
0x51: {  	v2 =	vxor.u32 v6, v2;
	v3 =	vshrl.u32 v3, $0xB;
	v4 =	vmul.u32 $0x17B80, v55  }
0x52: {  	v56 =	vand.u32 $0x1FFFFF, v2;
	v3 =	vmul.u32 $0xEC280, v3  }
0x53: {  	v4 =	vadd.s32 v56, v4  }
0x54: {  	v3 =	vadd.s32 v3, v4  }
0x55: {  	v4 =	vcvt.s32.f32 v3;
	_ =	sdelay $0x1  }
0x56: {  	v4 =	vmul.f32 $4.999999990e-07, v4;
	_ =	sdelay $0x1  }
0x57: {  	v4 =	vtrunc.f32 v4  }
0x58: {  	v4 =	vcvt.f32.s32 v4;
	_ =	sdelay $0x1  }
0x59: {  	v4 =	vmul.u32 $0xFFE17B80, v4;
	_ =	sdelay $0x1  }
0x5a: {  	v3 =	vadd.s32 v3, v4  }
0x5b: {  	vm14 =	vlt.s32 v3, $0x0;
	v4 =	vadd.s32 $0x1E8480, v3  }
0x5c: {  	v3 =	vsel vm14, v4, v3  }
0x5d: {  	vm0 =	vgt.s32 v3, $0x1E847F;
	v4 =	vadd.s32 $0xFFE17B80, v3  }
0x5e: {  	v3 =	vsel vm0, v4, v3  }
0x5f: {  	[tilespmem:s21+$0x3900] =	vst v3  }
0x60: {  	[tilespmem:s21+$0x5500] =	vst v3  }
0x61: {  	v3 =	vld [tilespmem:s22+$0x300]  }
0x62: {  	v57 =	vld [tilespmem:s22+$0x280]  }
0x63: {  	v58 =	vld [tilespmem:s22+$0x200]  }
0x64: {  	v59 =	vld [tilespmem:s22+$0x380];
	_ =	sdelay $0x2  }
0x65: {  	v60 =	vmul.u32 $0x59, v3  }
0x66: {  	v61 =	vmul.u32 $0x5, v57;
	v9 =	vmul.u32 $0x27395, v58;
	v5 =	vmul.u32 $0x246, v58  }
0x67: {  	v4 =	vmul.u32 $0x300, v57;
	v3 =	vmul.u32 $0x180, v3;
	v13 =	vmul.u32 $0x5, v59  }
0x68: {  	v6 =	vmul.u32 $0xC0, v59;
	v11 =	vshrl.u32 v61, $0x15;
	v12 =	vshrl.u32 v9, $0x15  }
0x69: {  	v10 =	vshrl.u32 v60, $0x15;
	v5 =	vadd.s32 v5, v12;
	v4 =	vadd.s32 v4, v11  }
0x6a: {  	v62 =	vshrl.u32 v13, $0x15;
	v3 =	vadd.s32 v3, v10;
	v4 =	vxor.u32 v4, v5  }
0x6b: {  	v63 =	vadd.s32 v6, v62;
	v3 =	vxor.u32 v3, v4  }
0x6c: {  	v3 =	vxor.u32 v63, v3  }
0x6d: {  	v1 =	vxor.u32 v1, v3  }
0x6e: {  	v2 =	vxor.u32 v2, v9;
	vm15 =	vgt.s32 v1, $0x1E847F;
	v3 =	vadd.s32 $0xFFE17B80, v1  }
0x6f: {  	v2 =	vxor.u32 v61, v2;
	v1 =	vsel vm15, v3, v1  }
0x70: {  	v2 =	vxor.u32 v60, v2;
	v3 =	vand.u32 $0x7FF, v1  }
0x71: {  	v2 =	vxor.u32 v13, v2;
	v1 =	vshrl.u32 v1, $0xB;
	v3 =	vmul.u32 $0x17B80, v3  }
0x72: {  	v2 =	vand.u32 $0x1FFFFF, v2;
	v1 =	vmul.u32 $0xEC280, v1  }
0x73: {  	v2 =	vadd.s32 v2, v3  }
0x74: {  	v1 =	vadd.s32 v1, v2  }
0x75: {  	v2 =	vcvt.s32.f32 v1;
	_ =	sdelay $0x1  }
0x76: {  	s23 =	simm.s32 $0x0;
	s22 =	simm.s32 $0x1;
	v2 =	vmul.f32 $4.999999990e-07, v2  }
.LBB2_2:
0x77: {  	p0 =	sne.s32 s22, $0x6F  }
0x78: {  	s23 =	sadd.s32 $0x10, s23;
	s25 =	smov.u32 s22;
	s22 =	sadd.s32 $0x1, s22  }
0x79: {  	v2 =	vtrunc.f32 v2  }
0x7a: {  	v2 =	vcvt.f32.s32 v2;
	_ =	sdelay $0x1  }
0x7b: {  	v2 =	vmul.u32 $0xFFE17B80, v2  }
0x7c: {  	s24 =	sshll.u32 s25, $0x7  }
0x7d: {  	s26 =	sand.u32 $0x70, s23;
	s24 =	sand.u32 $0x3FFFFC00, s24;
	v1 =	vadd.s32 v1, v2  }
0x7e: {  	s24 =	sor.u32 s26, s24;
	vm0 =	vlt.s32 v1, $0x0;
	v2 =	vadd.s32 $0x1E8480, v1  }
0x7f: {  	v1 =	vsel vm0, v2, v1  }
0x80: {  	vm0 =	vgt.s32 v1, $0x1E847F;
	v2 =	vadd.s32 $0xFFE17B80, v1  }
0x81: {  	v1 =	vsel vm0, v2, v1  }
0x82: {  	[tilespmem:s21+$0x3980] =	vst v1  }
0x83: {  	[tilespmem:s21+$0x5580] =	vst v1  }
0x84: {  	v1 =	vld [tilespmem:s24+$0x0];
	_ =	sdelay $0x4  }
0x85: {  	v2 =	vmul.u32 $0x1779B1, v1;
	v1 =	vmul.u32 $0x4F1, v1;
	_ =	sdelay $0x1  }
0x86: {  	v3 =	vshrl.u32 v2, $0x15  }
0x87: {  	v1 =	vadd.s32 v1, v3  }
0x88: {  	v3 =	vand.u32 $0x1FFFFF, v2;
	vm0 =	vgt.s32 v1, $0x1E847F;
	v4 =	vadd.s32 $0xFFE17B80, v1  }
0x89: {  	v4 =	vsel vm0, v4, v1  }
0x8a: {  	v5 =	vshrl.u32 v4, $0xB;
	v4 =	vand.u32 $0x7FF, v4  }
0x8b: {  	v5 =	vmul.u32 $0xEC280, v5;
	v4 =	vmul.u32 $0x17B80, v4;
	_ =	sdelay $0x1  }
0x8c: {  	v3 =	vadd.s32 v3, v4  }
0x8d: {  	v3 =	vadd.s32 v5, v3  }
0x8e: {  	v4 =	vcvt.s32.f32 v3;
	_ =	sdelay $0x1  }
0x8f: {  	v4 =	vmul.f32 $4.999999990e-07, v4;
	_ =	sdelay $0x1  }
0x90: {  	v4 =	vtrunc.f32 v4  }
0x91: {  	v4 =	vcvt.f32.s32 v4;
	_ =	sdelay $0x1  }
0x92: {  	v4 =	vmul.u32 $0xFFE17B80, v4;
	_ =	sdelay $0x1  }
0x93: {  	v3 =	vadd.s32 v3, v4  }
0x94: {  	vm0 =	vlt.s32 v3, $0x0;
	v4 =	vadd.s32 $0x1E8480, v3  }
0x95: {  	s21 =	sshll.u32 s25, $0x6;
	v3 =	vsel vm0, v4, v3  }
0x96: {  	s21 =	sand.u32 $0xFFFFFE00, s21;
	vm0 =	vgt.s32 v3, $0x1E847F;
	v4 =	vadd.s32 $0xFFE17B80, v3  }
0x97: {  	s21 =	sor.u32 s26, s21;
	v3 =	vsel vm0, v4, v3  }
0x98: {  	[tilespmem:s21+$0x3800] =	vst v3  }
0x99: {  	[tilespmem:s21+$0x5400] =	vst v3  }
0x9a: {  	v3 =	vld [tilespmem:s24+$0x80];
	_ =	sdelay $0x4  }
0x9b: {  	v4 =	vmul.u32 $0xBCA77, v3  }
0x9c: {  	v3 =	vmul.u32 $0x42F, v3  }
0x9d: {  	v5 =	vshrl.u32 v4, $0x15;
	v2 =	vxor.u32 v2, v4  }
0x9e: {  	v3 =	vadd.s32 v3, v5  }
0x9f: {  	v1 =	vxor.u32 v1, v3  }
0xa0: {  	vm0 =	vgt.s32 v1, $0x1E847F;
	v3 =	vadd.s32 $0xFFE17B80, v1  }
0xa1: {  	v3 =	vsel vm0, v3, v1  }
0xa2: {  	v4 =	vand.u32 $0x7FF, v3  }
0xa3: {  	v3 =	vshrl.u32 v3, $0xB;
	v4 =	vmul.u32 $0x17B80, v4  }
0xa4: {  	v5 =	vand.u32 $0x1FFFFF, v2;
	v3 =	vmul.u32 $0xEC280, v3  }
0xa5: {  	v4 =	vadd.s32 v5, v4  }
0xa6: {  	v3 =	vadd.s32 v3, v4  }
0xa7: {  	v4 =	vcvt.s32.f32 v3;
	_ =	sdelay $0x1  }
0xa8: {  	v4 =	vmul.f32 $4.999999990e-07, v4;
	_ =	sdelay $0x1  }
0xa9: {  	v4 =	vtrunc.f32 v4  }
0xaa: {  	v4 =	vcvt.f32.s32 v4;
	_ =	sdelay $0x1  }
0xab: {  	v4 =	vmul.u32 $0xFFE17B80, v4;
	_ =	sdelay $0x1  }
0xac: {  	v3 =	vadd.s32 v3, v4  }
0xad: {  	vm0 =	vlt.s32 v3, $0x0;
	v4 =	vadd.s32 $0x1E8480, v3  }
0xae: {  	v3 =	vsel vm0, v4, v3  }
0xaf: {  	vm0 =	vgt.s32 v3, $0x1E847F;
	v4 =	vadd.s32 $0xFFE17B80, v3  }
0xb0: {  	v3 =	vsel vm0, v4, v3  }
0xb1: {  	[tilespmem:s21+$0x3880] =	vst v3  }
0xb2: {  	[tilespmem:s21+$0x5480] =	vst v3  }
0xb3: {  	v3 =	vld [tilespmem:s24+$0x100]  }
0xb4: {  	v4 =	vld [tilespmem:s24+$0x180];
	_ =	sdelay $0x3  }
0xb5: {  	v5 =	vmul.u32 $0x12AE3D, v3  }
0xb6: {  	v6 =	vmul.u32 $0x38C51, v4  }
0xb7: {  	v3 =	vmul.u32 $0x615, v3;
	v4 =	vmul.u32 $0x3C7, v4;
	v7 =	vshrl.u32 v5, $0x15  }
0xb8: {  	v2 =	vxor.u32 v2, v5;
	v5 =	vshrl.u32 v6, $0x15  }
0xb9: {  	v3 =	vadd.s32 v3, v7;
	v2 =	vxor.u32 v6, v2;
	v4 =	vadd.s32 v4, v5  }
0xba: {  	v3 =	vxor.u32 v4, v3  }
0xbb: {  	v1 =	vxor.u32 v1, v3  }
0xbc: {  	vm0 =	vgt.s32 v1, $0x1E847F;
	v3 =	vadd.s32 $0xFFE17B80, v1  }
0xbd: {  	v3 =	vsel vm0, v3, v1  }
0xbe: {  	v4 =	vand.u32 $0x7FF, v3  }
0xbf: {  	v3 =	vshrl.u32 v3, $0xB;
	v4 =	vmul.u32 $0x17B80, v4  }
0xc0: {  	v5 =	vand.u32 $0x1FFFFF, v2;
	v3 =	vmul.u32 $0xEC280, v3  }
0xc1: {  	v4 =	vadd.s32 v5, v4  }
0xc2: {  	v3 =	vadd.s32 v3, v4  }
0xc3: {  	v4 =	vcvt.s32.f32 v3;
	_ =	sdelay $0x1  }
0xc4: {  	v4 =	vmul.f32 $4.999999990e-07, v4;
	_ =	sdelay $0x1  }
0xc5: {  	v4 =	vtrunc.f32 v4  }
0xc6: {  	v4 =	vcvt.f32.s32 v4;
	_ =	sdelay $0x1  }
0xc7: {  	v4 =	vmul.u32 $0xFFE17B80, v4;
	_ =	sdelay $0x1  }
0xc8: {  	v3 =	vadd.s32 v3, v4  }
0xc9: {  	vm0 =	vlt.s32 v3, $0x0;
	v4 =	vadd.s32 $0x1E8480, v3  }
0xca: {  	v3 =	vsel vm0, v4, v3  }
0xcb: {  	vm0 =	vgt.s32 v3, $0x1E847F;
	v4 =	vadd.s32 $0xFFE17B80, v3  }
0xcc: {  	v3 =	vsel vm0, v4, v3  }
0xcd: {  	[tilespmem:s21+$0x3900] =	vst v3  }
0xce: {  	[tilespmem:s21+$0x5500] =	vst v3  }
0xcf: {  	v3 =	vld [tilespmem:s24+$0x300]  }
0xd0: {  	v4 =	vld [tilespmem:s24+$0x280]  }
0xd1: {  	v5 =	vld [tilespmem:s24+$0x200]  }
0xd2: {  	v6 =	vld [tilespmem:s24+$0x380];
	_ =	sdelay $0x1  }
0xd3: {  	v7 =	vmul.u32 $0x59, v3  }
0xd4: {  	v8 =	vmul.u32 $0x5, v4  }
0xd5: {  	v9 =	vmul.u32 $0x27395, v5;
	v10 =	vshrl.u32 v7, $0x15  }
0xd6: {  	v4 =	vmul.u32 $0x300, v4;
	v5 =	vmul.u32 $0x246, v5;
	v11 =	vshrl.u32 v8, $0x15  }
0xd7: {  	v3 =	vmul.u32 $0x180, v3;
	v13 =	vmul.u32 $0x5, v6;
	v12 =	vshrl.u32 v9, $0x15  }
0xd8: {  	v6 =	vmul.u32 $0xC0, v6;
	v4 =	vadd.s32 v4, v11;
	v5 =	vadd.s32 v5, v12  }
0xd9: {  	v3 =	vadd.s32 v3, v10;
	v10 =	vshrl.u32 v13, $0x15;
	v4 =	vxor.u32 v4, v5  }
0xda: {  	v2 =	vxor.u32 v2, v9;
	v5 =	vadd.s32 v6, v10;
	v3 =	vxor.u32 v3, v4  }
0xdb: {  	v2 =	vxor.u32 v8, v2;
	v3 =	vxor.u32 v5, v3  }
0xdc: {  	v2 =	vxor.u32 v7, v2;
	v1 =	vxor.u32 v1, v3  }
0xdd: {  	v2 =	vxor.u32 v13, v2;
	vm0 =	vgt.s32 v1, $0x1E847F;
	v3 =	vadd.s32 $0xFFE17B80, v1  }
0xde: {  	v1 =	vsel vm0, v3, v1  }
0xdf: {  	v3 =	vshrl.u32 v1, $0xB;
	v1 =	vand.u32 $0x7FF, v1  }
0xe0: {  	v1 =	vmul.u32 $0x17B80, v1  }
0xe1: {  	v2 =	vand.u32 $0x1FFFFF, v2;
	v3 =	vmul.u32 $0xEC280, v3  }
.Ltmp0:
0xe2: {  	v1 =	vadd.s32 v2, v1;
	(pc) =	sbr.rel @p0 .LBB2_2-.Ltmp0, $3  }
0xe3: {  	v1 =	vadd.s32 v3, v1  }
0xe4: {  	v2 =	vcvt.s32.f32 v1;
	_ =	sdelay $0x1  }
0xe5: {  	v2 =	vmul.f32 $4.999999990e-07, v2  }
0xe6: {  	_ = 	snop  }
0xe7: {  	v2 =	vtrunc.f32 v2  }
0xe8: {  	v2 =	vcvt.f32.s32 v2;
	_ =	sdelay $0x1  }
0xe9: {  	v2 =	vmul.u32 $0xFFE17B80, v2;
	_ =	sdelay $0x1  }
0xea: {  	v1 =	vadd.s32 v1, v2  }
0xeb: {  	vm0 =	vlt.s32 v1, $0x0;
	v2 =	vadd.s32 $0x1E8480, v1  }
0xec: {  	v1 =	vsel vm0, v2, v1  }
0xed: {  	vm0 =	vgt.s32 v1, $0x1E847F;
	v2 =	vadd.s32 $0xFFE17B80, v1  }
0xee: {  	v1 =	vsel vm0, v2, v1  }
0xef: {  	[tilespmem:s21+$0x3980] =	vst v1  }
0xf0: {  	s26 =	simm.s32 $0x5400;
	s22 =	simm.s32 $0x7000;
	[tilespmem:s21+$0x5580] =	vst v1  }
0xf1: {  	[tilespmem:s22], [sflag:$0x1] =	stream.indirect.gather [hbm4b:s3+s17], $0x1, s26, s17, $0xb8;
	[tilespmem:$0xB800] =	vst v63  }
0xf2: {  	s28 =	simm.s32 $0x7080  }
0xf3: {  	[tilespmem:s28], [sflag:$0x1] =	stream.indirect.gather [hbm4b:s4+s17], $0x1, s26, s17, $0xb8;
	[tilespmem:$0xB800] =	vst v63  }
0xf4: {  	s29 =	simm.s32 $0x7100;
	s30 =	simm.s32 $0x5480  }
0xf5: {  	[tilespmem:s29], [sflag:$0x1] =	stream.indirect.gather [hbm4b:s5+s17], $0x1, s30, s17, $0xb8;
	[tilespmem:$0xB800] =	vst v63  }
0xf6: {  	s31 =	simm.s32 $0x7180  }
0xf7: {  	[tilespmem:s31], [sflag:$0x1] =	stream.indirect.gather [hbm4b:s6+s17], $0x1, s30, s17, $0xb8;
	[tilespmem:$0xB800] =	vst v63  }
0xf8: {  	_ =	swait.ge [sflag:s18], $0x80  }
0xf9: {  	[sflag:s18] =	ssyncset.done $0x0  }
0xfa: {  	[sflag:s18] =	ssyncadd.s32 $0xFFFFFF80  }
0xfb: {  	_ =	swait.ge [sflag:s18], $0x80  }
0xfc: {  	[sflag:s18] =	ssyncset.done $0x0  }
0xfd: {  	[sflag:s18] =	ssyncadd.s32 $0xFFFFFF80  }
0xfe: {  	_ =	swait.ge [sflag:s18], $0x80  }
0xff: {  	[sflag:s18] =	ssyncset.done $0x0  }
0x100: {  	[sflag:s18] =	ssyncadd.s32 $0xFFFFFF80  }
0x101: {  	s24 =	simm.s32 $0x2000;
	s23 =	simm.s32 $0x400;
	_ =	swait.ge [sflag:s18], $0x80  }
0x102: {  	s21 =	simm.s32 $0x0;
	s22 =	simm.s32 $0x5600;
	[sflag:s18] =	ssyncset.done $0x0  }
.LBB2_4:
0x103: {  	s25 =	sadd.s32 $0x7000, s23  }
0x104: {  	[sflag:s18] =	ssyncadd.s32 $0xFFFFFF80;
	s26 =	smov.u32 s24;
	s28 =	sadd.s32 $0x1000, s24  }
0x105: {  	[tilespmem:s25], [sflag:$0x1] =	stream.indirect.gather [hbm4b:s3+s17], $0x1, s22, s17, $0xb8;
	[tilespmem:$0xB800] =	vst v63  }
0x106: {  	p0 =	sne.s32 s24, $0xD000;
	s24 =	sadd.s32 $0x7080, s23  }
0x107: {  	[tilespmem:s24], [sflag:$0x1] =	stream.indirect.gather [hbm4b:s4+s17], $0x1, s22, s17, $0xb8;
	[tilespmem:$0xB800] =	vst v63  }
0x108: {  	s25 =	sadd.s32 $0x80, s22;
	s24 =	sadd.s32 $0x7100, s23  }
0x109: {  	[tilespmem:s24], [sflag:$0x1] =	stream.indirect.gather [hbm4b:s5+s17], $0x1, s25, s17, $0xb8;
	[tilespmem:$0xB800] =	vst v63  }
0x10a: {  	s23 =	sadd.s32 $0x7180, s23  }
0x10b: {  	[tilespmem:s23], [sflag:$0x1] =	stream.indirect.gather [hbm4b:s6+s17], $0x1, s25, s17, $0xb8;
	[tilespmem:$0xB800] =	vst v63  }
0x10c: {  	_ =	swait.ge [sflag:s18], $0x80  }
0x10d: {  	[sflag:s18] =	ssyncset.done $0x0  }
0x10e: {  	[sflag:s18] =	ssyncadd.s32 $0xFFFFFF80  }
0x10f: {  	_ =	swait.ge [sflag:s18], $0x80  }
0x110: {  	[sflag:s18] =	ssyncset.done $0x0  }
0x111: {  	[sflag:s18] =	ssyncadd.s32 $0xFFFFFF80  }
.Ltmp1:
0x112: {  	_ =	swait.ge [sflag:s18], $0x80;
	(pc) =	sbr.rel @p0 .LBB2_4-.Ltmp1, $4  }
0x113: {  	[sflag:s18] =	ssyncset.done $0x0  }
0x114: {  	[sflag:s18] =	ssyncadd.s32 $0xFFFFFF80  }
0x115: {  	s22 =	sadd.s32 $0x200, s22;
	_ =	swait.ge [sflag:s18], $0x80  }
0x116: {  	s24 =	smov.u32 s28;
	s23 =	sshra.s32 s26, $0x2;
	[sflag:s18] =	ssyncset.done $0x0  }
0x117: {  	s24 =	sadd.s32 $0x7000, s23;
	[sflag:s18] =	ssyncadd.s32 $0xFFFFFF80  }
0x118: {  	[tilespmem:s24], [sflag:$0x1] =	stream.indirect.gather [hbm4b:s3+s17], $0x1, s22, s17, $0xb8;
	[tilespmem:$0xB800] =	vst v63  }
0x119: {  	s28 =	sadd.s32 $0x7080, s23  }
0x11a: {  	[tilespmem:s28], [sflag:$0x1] =	stream.indirect.gather [hbm4b:s4+s17], $0x1, s22, s17, $0xb8;
	[tilespmem:$0xB800] =	vst v63  }
0x11b: {  	s29 =	sadd.s32 $0x7100, s23;
	s30 =	sadd.s32 $0x80, s22  }
0x11c: {  	[tilespmem:s29], [sflag:$0x1] =	stream.indirect.gather [hbm4b:s5+s17], $0x1, s30, s17, $0xb8;
	[tilespmem:$0xB800] =	vst v63  }
0x11d: {  	s31 =	sadd.s32 $0x7180, s23  }
0x11e: {  	[tilespmem:s31], [sflag:$0x1] =	stream.indirect.gather [hbm4b:s6+s17], $0x1, s30, s17, $0xb8;
	[tilespmem:$0xB800] =	vst v63  }
0x11f: {  	_ =	swait.ge [sflag:s18], $0x80  }
0x120: {  	[sflag:s18] =	ssyncset.done $0x0  }
0x121: {  	[sflag:s18] =	ssyncadd.s32 $0xFFFFFF80  }
0x122: {  	_ =	swait.ge [sflag:s18], $0x80  }
0x123: {  	[sflag:s18] =	ssyncset.done $0x0  }
0x124: {  	[sflag:s18] =	ssyncadd.s32 $0xFFFFFF80  }
0x125: {  	_ =	swait.ge [sflag:s18], $0x80  }
0x126: {  	[sflag:s18] =	ssyncset.done $0x0  }
0x127: {  	[sflag:s18] =	ssyncadd.s32 $0xFFFFFF80  }
0x128: {  	_ =	swait.ge [sflag:s18], $0x80  }
0x129: {  	[sflag:s18] =	ssyncset.done $0x0  }
0x12a: {  	s22 =	simm.s32 $0x0;
	[sflag:s18] =	ssyncadd.s32 $0xFFFFFF80  }
.LBB2_6:
0x12b: {  	v5 =	vld [tilespmem:$0xA800]  }
0x12c: {  	v6 =	vld [tilespmem:$0xA880]  }
0x12d: {  	v7 =	vld [tilespmem:$0xA900]  }
0x12e: {  	v8 =	vld [tilespmem:$0xA980]  }
0x12f: {  	v9 =	vld [tilespmem:$0xAA00]  }
0x130: {  	s24 =	sshll.u32 s22, $0x7;
	v10 =	vld [tilespmem:$0xAA80]  }
0x131: {  	s23 =	sand.u32 $0x70, s21;
	v11 =	vld [tilespmem:$0xAB00];
	s24 =	sand.u32 $0x3FFFFC00, s24  }
0x132: {  	v13 =	vld [tilespmem:$0xAB80];
	s24 =	sor.u32 s23, s24  }
0x133: {  	v1 =	vld [tilespmem:s24+$0x7000]  }
0x134: {  	v2 =	vld [tilespmem:s24+$0x7080]  }
0x135: {  	v3 =	vld [tilespmem:s24+$0x7100]  }
0x136: {  	v4 =	vld [tilespmem:s24+$0x7180]  }
0x137: {  	v16 =	vld [tilespmem:$0xAC00]  }
0x138: {  	v56 =	vld [tilespmem:$0xAC80]  }
0x139: {  	v57 =	vld [tilespmem:$0xAD00]  }
0x13a: {  	v58 =	vld [tilespmem:$0xAD80];
	v12 =	vshrl.u32 v1, $0x10  }
0x13b: {  	v18 =	vld [tilespmem:$0xAE00];
	v14 =	vshrl.u32 v2, $0x10;
	v15 =	vshrl.u32 v3, $0x10;
	v17 =	vshrl.u32 v4, $0x10  }
0x13c: {  	v19 =	vld [tilespmem:$0xAE80];
	v12 =	vand.u32 $0x1, v12;
	v54 =	vand.u32 $0x1, v14;
	v55 =	vand.u32 $0x1, v15  }
0x13d: {  	v59 =	vld [tilespmem:$0xAF00];
	v17 =	vand.u32 $0x1, v17;
	v1 =	vadd.s32 v12, v1;
	v2 =	vadd.s32 v54, v2  }
0x13e: {  	v61 =	vld [tilespmem:$0xAF80];
	v3 =	vadd.s32 v55, v3;
	v1 =	vadd.s32 $0x7FFF, v1;
	v2 =	vadd.s32 $0x7FFF, v2  }
0x13f: {  	v63 =	vld [tilespmem:$0xB000];
	v4 =	vadd.s32 v17, v4;
	v1 =	vand.u32 $0xFFFF0000, v1;
	v2 =	vand.u32 $0xFFFF0000, v2  }
0x140: {  	v21 =	vld [tilespmem:$0xB080];
	v3 =	vadd.s32 $0x7FFF, v3;
	v5 =	vmul.f32 v1, v5;
	v6 =	vmul.f32 v2, v6  }
0x141: {  	v23 =	vld [tilespmem:$0xB100];
	v3 =	vand.u32 $0xFFFF0000, v3;
	v9 =	vmul.f32 v1, v9;
	v10 =	vmul.f32 v2, v10  }
0x142: {  	v24 =	vld [tilespmem:$0xB180];
	v4 =	vadd.s32 $0x7FFF, v4;
	v60 =	vmul.f32 v3, v7;
	v62 =	vmul.f32 v3, v11  }
0x143: {  	v30 =	vld [tilespmem:$0xB280];
	v4 =	vand.u32 $0xFFFF0000, v4;
	v20 =	vmul.f32 v1, v16;
	v15 =	vmul.f32 v2, v56  }
0x144: {  	v37 =	vld [tilespmem:$0xB400];
	v8 =	vmul.f32 v4, v8;
	v22 =	vmul.f32 v4, v13  }
0x145: {  	v39 =	vld [tilespmem:$0xB480];
	v12 =	vmul.f32 v3, v57;
	v26 =	vmul.f32 v4, v58  }
0x146: {  	v45 =	vld [tilespmem:$0xB680];
	v28 =	vmul.f32 v1, v18;
	v29 =	vmul.f32 v2, v19  }
0x147: {  	v47 =	vld [tilespmem:$0xB500];
	v33 =	vmul.f32 v3, v59;
	v7 =	vmul.f32 v4, v61  }
0x148: {  	v27 =	vld [tilespmem:$0xB200];
	v43 =	vmul.f32 v1, v63;
	v44 =	vmul.f32 v2, v21  }
0x149: {  	v42 =	vld [tilespmem:$0xB600];
	v46 =	vmul.f32 v2, v30;
	v49 =	vmul.f32 v3, v23  }
0x14a: {  	v52 =	vld [tilespmem:$0xB580];
	v51 =	vmul.f32 v1, v37;
	v53 =	vmul.f32 v2, v39  }
0x14b: {  	v50 =	vld [tilespmem:$0xB700];
	v2 =	vmul.f32 v2, v45;
	v55 =	vmul.f32 v4, v24;
	v5 =	vadd.f32 v6, v5  }
0x14c: {  	v34 =	vld [tilespmem:$0xB380];
	v56 =	vmul.f32 v3, v47;
	v9 =	vadd.f32 v10, v9;
	v6 =	vadd.f32 v15, v20  }
0x14d: {  	v54 =	vld [tilespmem:$0xB780];
	v32 =	vadd.f32 v29, v28;
	v10 =	vmul.f32 v1, v27;
	v48 =	vadd.f32 v44, v43  }
0x14e: {  	v1 =	vmul.f32 v1, v42;
	v5 =	vadd.f32 v60, v5;
	v9 =	vadd.f32 v62, v9  }
0x14f: {  	v31 =	vld [tilespmem:$0xB300];
	v58 =	vmul.f32 v4, v52;
	v6 =	vadd.f32 v12, v6;
	v38 =	vadd.f32 v33, v32  }
0x150: {  	v10 =	vadd.f32 v46, v10;
	v1 =	vadd.f32 v2, v1;
	v2 =	vmul.f32 v3, v50  }
0x151: {  	v12 =	vmul.f32 v4, v34;
	v5 =	vadd.f32 v8, v5;
	v6 =	vadd.f32 v26, v6  }
0x152: {  	v25 =	vadd.f32 v22, v9;
	v1 =	vadd.f32 v2, v1;
	v2 =	vmul.f32 v4, v54  }
0x153: {  	vm0 =	vgt.f32 v5, $0.0e+00;
	vm6 =	vgt.f32 v6, $0.0e+00;
	v6 =	vadd.f32 v7, v38  }
0x154: {  	vm1 =	vgt.f32 v25, $0.0e+00;
	v5 =	vmul.f32 v3, v31;
	v7 =	vadd.f32 v53, v51  }
0x155: {  	v35 =	vsel vm0, $0x9E3779B1, v0;
	vm7 =	vgt.f32 v6, $0.0e+00;
	v6 =	vadd.f32 v49, v48  }
0x156: {  	v36 =	vsel vm1, $0x85EBCA77, v0;
	v41 =	vsel vm6, $0xC2B2AE3D, v0;
	v5 =	vadd.f32 v5, v10  }
0x157: {  	s31 =	sshll.u32 s22, $0x6;
	v40 =	vxor.u32 v35, v36;
	v57 =	vadd.f32 v56, v7;
	v6 =	vadd.f32 v55, v6  }
0x158: {  	s24 =	sand.u32 $0xFFFFFE00, s31;
	v1 =	vadd.f32 v2, v1;
	v9 =	vxor.u32 v41, v40;
	v3 =	vadd.f32 v12, v5  }
0x159: {  	s23 =	sor.u32 s23, s24;
	v59 =	vsel vm7, $0x78E38C51, v0;
	v5 =	vadd.f32 v58, v57;
	vm8 =	vgt.f32 v6, $0.0e+00  }
0x15a: {  	v2 =	vld [tilespmem:s23+$0x3900];
	v4 =	vxor.u32 v59, v9;
	vm9 =	vgt.f32 v3, $0.0e+00;
	v6 =	vsel vm8, $0x48C27395, v0  }
0x15b: {  	v61 =	vld [tilespmem:s23+$0x3980];
	vm10 =	vgt.f32 v5, $0.0e+00;
	v60 =	vsel vm9, $0x60000005, v0;
	v3 =	vxor.u32 v6, v4  }
0x15c: {  	vm11 =	vgt.f32 v1, $0.0e+00;
	v62 =	vsel vm10, $0x30000059, v0;
	v3 =	vxor.u32 v60, v3  }
0x15d: {  	v1 =	vxor.u32 v62, v3;
	v3 =	vsel vm11, $0x18000005, v0  }
0x15e: {  	v1 =	vxor.u32 v3, v1  }
0x15f: {  	v2 =	vxor.u32 v2, v1  }
0x160: {  	v1 =	vxor.u32 v61, v1;
	v3 =	vshrl.u32 v2, $0x15  }
0x161: {  	v63 =	vshrl.u32 v1, $0x15;
	v3 =	vmul.u32 $0x17B80, v3  }
0x162: {  	v2 =	vand.u32 $0x1FFFFF, v2;
	v4 =	vmul.u32 $0x17B80, v63  }
0x163: {  	v1 =	vand.u32 $0x1FFFFF, v1;
	v2 =	vadd.s32 v2, v3  }
0x164: {  	v1 =	vadd.s32 v1, v4;
	v3 =	vcvt.s32.f32 v2  }
0x165: {  	v4 =	vcvt.s32.f32 v1  }
0x166: {  	v3 =	vmul.f32 $4.999999990e-07, v3  }
0x167: {  	v4 =	vmul.f32 $4.999999990e-07, v4  }
0x168: {  	v3 =	vtrunc.f32 v3  }
0x169: {  	v4 =	vtrunc.f32 v4;
	v3 =	vcvt.f32.s32 v3  }
0x16a: {  	v4 =	vcvt.f32.s32 v4  }
0x16b: {  	v3 =	vmul.u32 $0xFFE17B80, v3  }
0x16c: {  	v4 =	vmul.u32 $0xFFE17B80, v4  }
0x16d: {  	v2 =	vadd.s32 v2, v3  }
0x16e: {  	p0 =	sne.s32 s22, $0x6F;
	v1 =	vadd.s32 v1, v4;
	vm12 =	vlt.s32 v2, $0x0;
	v3 =	vadd.s32 $0x1E8480, v2  }
.Ltmp2:
0x16f: {  	vm13 =	vlt.s32 v1, $0x0;
	v2 =	vsel vm12, v3, v2;
	v3 =	vadd.s32 $0x1E8480, v1;
	(pc) =	sbr.rel @p0 .LBB2_6-.Ltmp2, $4  }
0x170: {  	v1 =	vsel vm13, v3, v1;
	vm14 =	vgt.s32 v2, $0x1E847F;
	v3 =	vadd.s32 $0xFFE17B80, v2  }
0x171: {  	v2 =	vsel vm14, v3, v2;
	vm15 =	vgt.s32 v1, $0x1E847F;
	v3 =	vadd.s32 $0xFFE17B80, v1  }
0x172: {  	[tilespmem:s23+$0x5500] =	vst v2;
	v1 =	vsel vm15, v3, v1  }
0x173: {  	s21 =	sadd.s32 $0x10, s21;
	s22 =	sadd.s32 $0x1, s22;
	[tilespmem:s23+$0x5580] =	vst v1  }
0x174: {  	s21 =	simm.s32 $0x5500;
	s22 =	simm.s32 $0x7200  }
0x175: {  	[tilespmem:s22], [sflag:$0x1] =	stream.indirect.gather [hbm4b:s7+s17], $0x1, s21, s17, $0xb8;
	[tilespmem:$0xB800] =	vst v63  }
0x176: {  	s28 =	simm.s32 $0x7280  }
0x177: {  	[tilespmem:s28], [sflag:$0x1] =	stream.indirect.gather [hbm4b:s8+s17], $0x1, s21, s17, $0xb8;
	[tilespmem:$0xB800] =	vst v63  }
0x178: {  	s29 =	simm.s32 $0x7300;
	s30 =	simm.s32 $0x5580  }
0x179: {  	[tilespmem:s29], [sflag:$0x1] =	stream.indirect.gather [hbm4b:s9+s17], $0x1, s30, s17, $0xb8;
	[tilespmem:$0xB800] =	vst v63  }
0x17a: {  	s31 =	simm.s32 $0x7380  }
0x17b: {  	[tilespmem:s31], [sflag:$0x1] =	stream.indirect.gather [hbm4b:s10+s17], $0x1, s30, s17, $0xb8;
	[tilespmem:$0xB800] =	vst v63  }
0x17c: {  	_ =	swait.ge [sflag:s18], $0x80  }
0x17d: {  	[sflag:s18] =	ssyncset.done $0x0  }
0x17e: {  	[sflag:s18] =	ssyncadd.s32 $0xFFFFFF80  }
0x17f: {  	_ =	swait.ge [sflag:s18], $0x80  }
0x180: {  	[sflag:s18] =	ssyncset.done $0x0  }
0x181: {  	[sflag:s18] =	ssyncadd.s32 $0xFFFFFF80  }
0x182: {  	_ =	swait.ge [sflag:s18], $0x80  }
0x183: {  	[sflag:s18] =	ssyncset.done $0x0  }
0x184: {  	[sflag:s18] =	ssyncadd.s32 $0xFFFFFF80  }
0x185: {  	s23 =	simm.s32 $0x2000;
	_ =	swait.ge [sflag:s18], $0x80  }
0x186: {  	s22 =	simm.s32 $0x400;
	s21 =	simm.s32 $0x5700;
	[sflag:s18] =	ssyncset.done $0x0  }
.LBB2_8:
0x187: {  	s24 =	sadd.s32 $0x7200, s22  }
0x188: {  	[sflag:s18] =	ssyncadd.s32 $0xFFFFFF80;
	s25 =	smov.u32 s23;
	s26 =	sadd.s32 $0x1000, s23  }
0x189: {  	[tilespmem:s24], [sflag:$0x1] =	stream.indirect.gather [hbm4b:s7+s17], $0x1, s21, s17, $0xb8;
	[tilespmem:$0xB800] =	vst v63  }
0x18a: {  	p0 =	sne.s32 s23, $0xD000;
	s23 =	sadd.s32 $0x7280, s22  }
0x18b: {  	[tilespmem:s23], [sflag:$0x1] =	stream.indirect.gather [hbm4b:s8+s17], $0x1, s21, s17, $0xb8;
	[tilespmem:$0xB800] =	vst v63  }
0x18c: {  	s24 =	sadd.s32 $0x80, s21;
	s23 =	sadd.s32 $0x7300, s22  }
0x18d: {  	[tilespmem:s23], [sflag:$0x1] =	stream.indirect.gather [hbm4b:s9+s17], $0x1, s24, s17, $0xb8;
	[tilespmem:$0xB800] =	vst v63  }
0x18e: {  	s22 =	sadd.s32 $0x7380, s22  }
0x18f: {  	[tilespmem:s22], [sflag:$0x1] =	stream.indirect.gather [hbm4b:s10+s17], $0x1, s24, s17, $0xb8;
	[tilespmem:$0xB800] =	vst v63  }
0x190: {  	_ =	swait.ge [sflag:s18], $0x80  }
0x191: {  	[sflag:s18] =	ssyncset.done $0x0  }
0x192: {  	[sflag:s18] =	ssyncadd.s32 $0xFFFFFF80  }
0x193: {  	_ =	swait.ge [sflag:s18], $0x80  }
0x194: {  	[sflag:s18] =	ssyncset.done $0x0  }
0x195: {  	[sflag:s18] =	ssyncadd.s32 $0xFFFFFF80  }
.Ltmp3:
0x196: {  	_ =	swait.ge [sflag:s18], $0x80;
	(pc) =	sbr.rel @p0 .LBB2_8-.Ltmp3, $4  }
0x197: {  	[sflag:s18] =	ssyncset.done $0x0  }
0x198: {  	[sflag:s18] =	ssyncadd.s32 $0xFFFFFF80  }
0x199: {  	s21 =	sadd.s32 $0x200, s21;
	_ =	swait.ge [sflag:s18], $0x80  }
0x19a: {  	s23 =	smov.u32 s26;
	s22 =	sshra.s32 s25, $0x2;
	[sflag:s18] =	ssyncset.done $0x0  }
0x19b: {  	s23 =	sadd.s32 $0x7200, s22;
	[sflag:s18] =	ssyncadd.s32 $0xFFFFFF80  }
0x19c: {  	[tilespmem:s23], [sflag:$0x1] =	stream.indirect.gather [hbm4b:s7+s17], $0x1, s21, s17, $0xb8;
	[tilespmem:$0xB800] =	vst v63  }
0x19d: {  	s28 =	sadd.s32 $0x7280, s22  }
0x19e: {  	[tilespmem:s28], [sflag:$0x1] =	stream.indirect.gather [hbm4b:s8+s17], $0x1, s21, s17, $0xb8;
	[tilespmem:$0xB800] =	vst v63  }
0x19f: {  	s29 =	sadd.s32 $0x7300, s22;
	s30 =	sadd.s32 $0x80, s21  }
0x1a0: {  	[tilespmem:s29], [sflag:$0x1] =	stream.indirect.gather [hbm4b:s9+s17], $0x1, s30, s17, $0xb8;
	[tilespmem:$0xB800] =	vst v63  }
0x1a1: {  	s31 =	sadd.s32 $0x7380, s22  }
0x1a2: {  	[tilespmem:s31], [sflag:$0x1] =	stream.indirect.gather [hbm4b:s10+s17], $0x1, s30, s17, $0xb8;
	[tilespmem:$0xB800] =	vst v63  }
0x1a3: {  	_ =	swait.ge [sflag:s18], $0x80  }
0x1a4: {  	[sflag:s18] =	ssyncset.done $0x0  }
0x1a5: {  	[sflag:s18] =	ssyncadd.s32 $0xFFFFFF80  }
0x1a6: {  	_ =	swait.ge [sflag:s18], $0x80  }
0x1a7: {  	[sflag:s18] =	ssyncset.done $0x0  }
0x1a8: {  	[sflag:s18] =	ssyncadd.s32 $0xFFFFFF80  }
0x1a9: {  	_ =	swait.ge [sflag:s18], $0x80  }
0x1aa: {  	[sflag:s18] =	ssyncset.done $0x0  }
0x1ab: {  	[sflag:s18] =	ssyncadd.s32 $0xFFFFFF80  }
0x1ac: {  	s20 =	sadd.s32 $0x1, s20;
	_ =	swait.ge [sflag:s18], $0x80  }
0x1ad: {  	p0 =	sne.s32 s20, s14;
	[sflag:s18] =	ssyncset.done $0x0  }
.Ltmp4:
0x1ae: {  	[sflag:s18] =	ssyncadd.s32 $0xFFFFFF80;
	(pc) =	sbr.rel @p0 .LBB2_1-.Ltmp4, $4  }
0x1af: {  	[hbm4b:s13+s1] =	stream.linear.scatter [tilespmem:s19], [sflag:$0x2], $0x3800, $0x38;
	[tilespmem:$0xB800] =	vst v63  }
0x1b0: {  	_ =	swait.ge [sflag:s15], $0x3800  }
0x1b1: {  	[sflag:s15] =	ssyncset.done $0x0  }
0x1b2: {  	[sflag:s15] =	ssyncadd.s32 $0xFFFFC800  }
0x1b3: {  	_ =	sfence.sel $0x180000  }
0x1b4: {  	[bflag:$0x0] =	sbarrier.arrive $0xFFFF  }
0x1b5: {  	p0 =	sne.s32 s2, $0x0;
	_ =	strace $0x90000047  }
0x1b6: {  	s0 =	sadd.s32 @!p0 $0x100000, s0;
	[bflag:$0x2] =	sbarrier.arrive $0xFFFF  }
0x1b7: {  	[sflag:s0] =	ssyncadd.tile.s32 @!p0 $0x1;
	_ =	shalt  }
.Lfunc_end2:
_tile_overlayer_lowered:
.L_overlay_start_2:
0x1b8: {  	(tag) =	ssettag $0x2  }
0x1b9: {  	s0 =	rddreg [dreg:$0x0];
	s2 =	stileid.u32  }
0x1ba: {  	s1 =	rddreg [dreg:$0x1];
	p0 =	sne.s32 s2, $0x0  }
0x1bb: {  	s3 =	rddreg [dreg:$0x2];
	[bflag:$0x3] =	sbarrier.arrive $0xFFFF;
	s2 =	simm.s32 @!p0 $0x1C02  }
0x1bc: {  	[timem:s3], [sflag:s2] =	dma.local @!p0 [hbm:s0], s1  }
0x1bd: {  	s0 =	simm.s32 @!p0 $0x2  }
0x1be: {  	_ =	swait.ge @!p0 [sflag:s0], s1  }
0x1bf: {  	s1 =	ssub.s32 @!p0 $0x0, s1;
	[sflag:s0] =	ssyncset.done @!p0 $0x0  }
0x1c0: {  	[sflag:s0] =	ssyncadd.s32 @!p0 s1  }
0x1c1: {  	[bflag:$0x3] =	sbarrier.arrive $0xFFFF  }
0x1c2: {  	_ =	shalt  }

// kernel: sparse-core-data-format-call.cloned.1.call-start
scs
called_computation_lowered:
.L_overlay_start_0:
0x0: {  	s2 =	sld [smem:$0x3FD9]  }
0x1: {  	s3 =	sld [smem:$0x3FFE];
	_ =	sdelay $0x1  }
0x2: {  	s1 =	srdreg.scid  }
0x3: {  	s0 =	sand.u32 $0x1, s1  }
0x4: {  	s18 =	sshll.u32 s0, $0xA;
	s2 =	sadd.s32 s3, s2  }
0x5: {  	s2 =	sadd.s32 s2, s18  }
0x6: {  	[smem:$0x3FAE] =	sst s2  }
0x7: {  	_ = 	snop  }
0x8: {  	s2 =	sld [smem:$0x3FD0];
	(tm) =	ssettm $0x1  }
0x9: {  	s19 =	sld [smem:$0x3FFB];
	_ =	sdelay $0x3  }
0xa: {  	_ =	strace s19  }
0xb: {  	s3 =	sld [smem:$0x3FFC];
	_ =	sdelay $0x3  }
0xc: {  	_ =	strace s3  }
0xd: {  	s3 =	sld [smem:$0x3FFD];
	_ =	sdelay $0x3  }
0xe: {  	_ =	strace s3  }
0xf: {  	_ =	strace $0x8FFFFFFF  }
0x10: {  	s20 =	sld [smem:$0x3FDB];
	_ =	sdelay $0x1  }
0x11: {  	s4 =	simm.s32 $_scs_section_size  }
0x12: {  	s5 =	simm.s32 $_size__tile_overlayer_lowered;
	s6 =	simm.s32 $_tile_overlayer_lowered  }
0x13: {  	s23 =	simm.s32 $0x1BFF;
	s22 =	sshll.u32 s6, $0x1;
	s3 =	sadd.s32 s4, s20  }
0x14: {  	s7 =	simm.s32 $0x0;
	s21 =	sshll.u32 s5, $0x1;
	s5 =	sadd.s32 s22, s3  }
0x15: {  	[timem:s7], [sflag:s23] =	dma.local [hbm:s5], s21  }
0x16: {  	_ =	swait.ge [sflag:s23], s21  }
0x17: {  	s4 =	ssub.s32 $0x0, s21;
	[sflag:s23] =	ssyncset.done $0x0  }
0x18: {  	[sflag:s23] =	ssyncadd.s32 s4;
	_ =	sdelay $0x1  }
0x19: {  	s24 =	simm.s32 $0x1B8B  }
0x1a: {  	_ =	swait.ge [sflag:s24], $0x1  }
0x1b: {  	[sflag:s24] =	ssyncset.done $0x0  }
0x1c: {  	s26 =	simm.s32 $0x1B8E;
	s25 =	sld [smem:$0x3FFE];
	[sflag:s24] =	ssyncadd.s32 $0xFFFFFFFF  }
0x1d: {  	s27 =	simm.s32 $execute0_lowered;
	[smem:$0x3FD2] =	sst s26  }
0x1e: {  	s5 =	sshll.u32 s27, $0x1;
	_ =	strace $0x80000049;
	[dreg:$0x1] =	wrdreg $0xFFFFFFFF  }
0x1f: {  	s28 =	simm.s32 $_size_execute0_lowered;
	s3 =	sadd.s32 s3, s5;
	[dreg:$0x0] =	wrdreg $0x0  }
0x20: {  	s5 =	sshll.u32 s28, $0x1;
	[dreg:$0x2] =	wrdreg s3  }
0x21: {  	[dreg:$0x3] =	wrdreg s5  }
0x22: {  	[dreg:$0x4] =	wrdreg $0xC0  }
0x23: {  	_ =	task [dreg:s7], $0x5FFFF  }
0x24: {  	[dreg:$0x1] =	wrdreg $0xFFFFFFFF  }
0x25: {  	[dreg:$0x0] =	wrdreg $0x60  }
0x26: {  	[dreg:$0x2] =	wrdreg s25  }
0x27: {  	[dreg:$0x3] =	wrdreg s2  }
0x28: {  	[dreg:$0x4] =	wrdreg $0x9  }
0x29: {  	_ =	task.clear_ibuf [dreg:s7], $0x5FFFF;
	_ =	strace $0x90000049  }
0x2a: {  	s29 =	simm.s32 $0x9;
	_ =	strace $0x8000004B  }
0x2b: {  	_ =	swait.ge [sflag:s29], $0x1  }
0x2c: {  	[sflag:s29] =	ssyncadd.s32 $0xFFFFFFFF  }
0x2d: {  	_ =	strace $0x9000004B  }
0x2e: {  	_ =	sfence  }
0x2f: {  	s30 =	sld [smem:$0x0];
	_ =	sdelay $0x2  }
0x30: {  	s31 =	sshll.u32 s1, $0xD;
	s1 =	sshrl.u32 s1, $0x2  }
0x31: {  	s3 =	sand.u32 $0x4000, s31;
	s1 =	sadd.s32 s1, s30  }
0x32: {  	s0 =	sor.u32 s3, s0;
	s1 =	sshll.u32 s1, $0x11  }
0x33: {  	s0 =	sor.u32 s1, s0  }
0x34: {  	s0 =	sadd.s32 $0x8F2B, s0  }
0x35: {  	[sflag:s0] =	ssyncadd.remote.s32 $0x1  }
0x36: {  	_ =	sfence.sel $0xFFFF  }
0x37: {  	[dreg:$0x0] =	wrdreg $0xFFFFFFFF;
	(pc) =	sbr.abs _section_cstart, $3  }
0x38: {  	[dreg:$0x1] =	wrdreg $0xFFFFFFFF  }
0x39: {  	_ =	task.clear_ibuf [dreg:s7], $0x2FFFF;
	_ =	strace $0x9FFFFFFF  }
0x3a: {  	(tm) =	ssettm $0x7FFFFFFF  }
0x3b: {  	_ =	shalt  }
tec
execute0_lowered:
.L_overlay_start_1:
0x0: {  	(tag) =	ssettag $0x1  }
0x1: {  	s0 =	stileid.u32;
	s1 =	srdreg.scid  }
0x2: {  	s2 =	sshll.u32 s0, $0x7;
	s3 =	sshll.u32 s0, $0x4;
	s4 =	sshll.u32 s1, $0x8  }
0x3: {  	s7 =	rddreg [dreg:$0x0];
	s1 =	sand.u32 $0x380, s2;
	s29 =	sor.u32 s3, s4  }
0x4: {  	s8 =	simm.s32 $0x2;
	s2 =	sand.u32 $0x180, s29;
	s30 =	ssub.s32 $0x400, s1  }
0x5: {  	s15 =	simm.s32 $0x0;
	s31 =	sand.u32 $0x380, s30;
	s5 =	ssub.s32 $0x400, s2  }
0x6: {  	s4 =	simm.s32 $0x1;
	p0 =	sne.s32 s31, $0x0;
	s6 =	sand.u32 $0x180, s5  }
0x7: {  	s4 =	simm.s32 @!p0 $0x0;
	p0 =	sne.s32 s6, $0x0;
	s6 =	simm.s32 $0x1  }
0x8: {  	s3 =	sshrl.u32 s30, $0xA;
	s5 =	sshrl.u32 s5, $0x9;
	s6 =	simm.s32 @!p0 $0x0  }
0x9: {  	s9 =	simm.s32 $0x2000;
	s3 =	sadd.s32 s4, s3;
	s5 =	sadd.s32 s6, s5  }
0xa: {  	s10 =	simm.s32 $0x0;
	s16 =	simm.s32 $0x0;
	s6 =	smul.u32 s5, s3  }
.Ltmp0:
0xb: {  	s17 =	simm.s32 $0x0;
	s4 =	rddreg [dreg:$0x1];
	(pc) =	sbr.rel .LBB1_1-.Ltmp0, $4  }
0xc: {  	s12 =	simm.s32 $0x0;
	s14 =	simm.s32 $0x0;
	s3 =	rddreg [dreg:$0x2]  }
0xd: {  	_ =	strace $0x8000004A;
	s5 =	simm.s32 $0x1;
	s6 =	smul.u32 $0x32, s6  }
0xe: {  	s7 =	sadd.s32 $0xE3800, s7;
	s13 =	smov.u32 s1;
	[sflag:s5] =	ssyncpa.u1 $0x0  }
0xf: {  	s11 =	smov.u32 s2;
	[sflag:s8] =	ssyncpa.u1 $0x0;
	s8 =	sor.u32 $0x1, s6  }
.LBB1_4:
0x10: {  	_ =	sdelay $0x3  }
0x11: {  	[tilespmem:v0+s20+$0xFFFFFFD0 ss:$0x1] =	vst.idx.msk $0xffff, v6  }
0x12: {  	v56 =	vld.idx.msk [tilespmem:v1+s19+$0x0 ss:$0x1], $0xffff;
	[tilespmem:v0+s20+$0xFFFFFFE0 ss:$0x1] =	vst.idx.msk $0xffff, v4  }
0x13: {  	v57 =	vld.idx.msk [tilespmem:v1+s19+$0xFFFFFF90 ss:$0x1], $0xffff;
	[tilespmem:v0+s20+$0xFFFFFFF0 ss:$0x1] =	vst.idx.msk $0xffff, v2  }
0x14: {  	v58 =	vld.idx.msk [tilespmem:v1+s19+$0xFFFFFFA0 ss:$0x1], $0xffff;
	[tilespmem:v0+s20+$0x0 ss:$0x1] =	vst.idx.msk $0xffff, v3  }
0x15: {  	v59 =	vld.idx.msk [tilespmem:v1+s19+$0xFFFFFFB0 ss:$0x1], $0xffff;
	[tilespmem:v0+s20+$0x10 ss:$0x1] =	vst.idx.msk $0xffff, v5  }
0x16: {  	v60 =	vld.idx.msk [tilespmem:v1+s19+$0xFFFFFFC0 ss:$0x1], $0xffff;
	[tilespmem:v0+s20+$0x20 ss:$0x1] =	vst.idx.msk $0xffff, v7  }
0x17: {  	v61 =	vld.idx.msk [tilespmem:v1+s19+$0xFFFFFFD0 ss:$0x1], $0xffff;
	[tilespmem:v0+s19+$0x30 ss:$0x1] =	vst.idx.msk $0xffff, v56  }
0x18: {  	v62 =	vld.idx.msk [tilespmem:v1+s19+$0xFFFFFFE0 ss:$0x1], $0xffff;
	[tilespmem:v0+s19+$0xFFFFFFC0 ss:$0x1] =	vst.idx.msk $0xffff, v57  }
0x19: {  	v63 =	vld.idx.msk [tilespmem:v1+s19+$0xFFFFFFF0 ss:$0x1], $0xffff;
	s17 =	sshll.u32 s17, $0x7;
	[tilespmem:v0+s19+$0xFFFFFFD0 ss:$0x1] =	vst.idx.msk $0xffff, v58  }
0x1a: {  	s30 =	sand.u32 $0x78, s15;
	s16 =	sshll.u32 s16, $0x11;
	s21 =	sand.u32 $0x380, s17;
	[tilespmem:v0+s19+$0xFFFFFFE0 ss:$0x1] =	vst.idx.msk $0xffff, v59  }
0x1b: {  	s31 =	sand.u32 $0x7, s15;
	s17 =	sand.u32 $0x1FC00, s17;
	s20 =	sor.u32 s21, s30;
	[tilespmem:v0+s19+$0xFFFFFFF0 ss:$0x1] =	vst.idx.msk $0xffff, v60  }
0x1c: {  	s16 =	sadd.s32 s4, s16;
	s17 =	sadd.s32 s15, s17;
	s20 =	sshrl.u32 s20, $0x3;
	[tilespmem:v0+s19+$0x0 ss:$0x1] =	vst.idx.msk $0xffff, v61  }
0x1d: {  	s15 =	sshll.u32 s31, $0x12;
	s17 =	sand.u32 $0x1FF80, s17;
	s16 =	sadd.s32 s20, s16;
	[tilespmem:v0+s19+$0x10 ss:$0x1] =	vst.idx.msk $0xffff, v62  }
0x1e: {  	s15 =	sor.u32 $0x400, s15;
	[tilespmem:v0+s19+$0x20 ss:$0x1] =	vst.idx.msk $0xffff, v63;
	s16 =	sadd.s32 s17, s16  }
0x1f: {  	[hbm4b:s16+s15] =	stream.strided.scatter [tilespmem:s18], [sflag:$0x2], $0x4000, s9, s15, $0x38;
	[tilespmem:$0x10000] =	vst v63  }
.LBB1_5:
0x20: {  	s18 =	sadd.s32 $0x200, s11  }
0x21: {  	s15 =	simm.s32 $0x1;
	p1 =	sgt.s32 s18, $0x3FF  }
0x22: {  	s15 =	simm.s32 @!p1 $0x0  }
0x23: {  	s19 =	sadd.s32 s15, s12  }
0x24: {  	s21 =	smov.u32 s13;
	s15 =	sadd.s32 $0x400, s13;
	p2 =	sgt.s32 s19, $0x31  }
0x25: {  	s21 =	smov.u32 @p2 s15  }
0x26: {  	p0 =	slt.u32 s14, $0x2;
	s18 =	smov.u32 @p1 s2;
	p1 =	sgt.s32 s21, $0x3FF  }
0x27: {  	s20 =	simm.s32 @!p0 $0x2;
	s21 =	smov.u32 @p1 s1;
	p1 =	sne.s32 s14, s8  }
.Ltmp1:
0x28: {  	_ =	swait.ge @!p0 [sflag:s20], $0x4000;
	(pc) =	sbr.rel @!p1 .LBB1_6-.Ltmp1, $4  }
0x29: {  	s16 =	smov.u32 s12;
	[sflag:s20] =	ssyncset.done @!p0 $0x0  }
0x2a: {  	s17 =	smov.u32 s13;
	s10 =	sadd.s32 $0x4000, s10;
	[sflag:s20] =	ssyncadd.s32 @!p0 $0xFFFFC000  }
0x2b: {  	s19 =	simm.s32 @p2 $0x0;
	s15 =	smov.u32 s11;
	s11 =	smov.u32 s18  }
0x2c: {  	s12 =	smov.u32 s19;
	s14 =	sadd.s32 $0x1, s14;
	s13 =	smov.u32 s21  }
.LBB1_1:
0x2d: {  	p0 =	sge.u32 s14, s6  }
0x2e: {  	s18 =	sshll.u32 @!p0 s12, $0xA  }
0x2f: {  	s19 =	sshll.u32 @!p0 s11, $0x3;
	s18 =	sand.u32 @!p0 $0xFFFFE000, s18  }
0x30: {  	s18 =	sadd.s32 @!p0 s18, s19  }
0x31: {  	s18 =	sshrl.u32 @!p0 s18, $0xA  }
0x32: {  	s19 =	smulhi.u32 @!p0 $0x4924925, s18  }
0x33: {  	s20 =	sshll.u32 @!p0 s12, $0x7;
	s22 =	smul.u32 @!p0 $0x1C00, s13  }
0x34: {  	s21 =	sand.u32 @!p0 $0x78, s11;
	s20 =	sand.u32 @!p0 $0x380, s20;
	s19 =	smul.u32 @!p0 $0x38, s19  }
0x35: {  	s31 =	sadd.s32 $0xFFFFFFFF, s14;
	s20 =	sor.u32 @!p0 s21, s20;
	s21 =	sadd.s32 @!p0 s7, s22  }
0x36: {  	s20 =	sshrl.u32 @!p0 s20, $0x3;
	s18 =	ssub.s32 @!p0 s18, s19;
	s19 =	sxor.u32 @!p0 $0xFFFFFFFF, s14  }
0x37: {  	s20 =	sadd.s32 @!p0 s20, s21;
	s21 =	sand.u32 @!p0 $0x7, s11;
	s19 =	sshll.u32 @!p0 s19, $0xE  }
0x38: {  	s21 =	sshll.u32 @!p0 s21, $0x12;
	s18 =	sshll.u32 @!p0 s18, $0x7;
	s19 =	sand.u32 @!p0 $0x4000, s19  }
0x39: {  	s18 =	sadd.s32 @!p0 s18, s20;
	s20 =	sor.u32 @!p0 $0x80, s21;
	s21 =	simm.s32 @!p0 $0xE000  }
0x3a: {  	[tilespmem:s19], [sflag:$0x1] =	stream.strided.gather @!p0 [hbm4b:s18+s20], $0x4000, s21, s20, $0x38;
	[tilespmem:$0x10000] =	vst v63  }
0x3b: {  	p0 =	sge.u32 s31, s6  }
.Ltmp2:
0x3c: {  	_ = 	snop;
	(pc) =	sbr.rel @p0 .LBB1_5-.Ltmp2, $1  }
0x3d: {  	_ =	sdelay $0x3  }
0x3e: {  	s18 =	sand.u32 $0x4000, s10  }
0x3f: {  	s19 =	sor.u32 $0x70, s18  }
0x40: {  	v1 =	vmov s19;
	_ =	sdelay $0x1  }
0x41: {  	_ =	swait.ge [sflag:s5], $0x4000  }
0x42: {  	[sflag:s5] =	ssyncset.done $0x0  }
0x43: {  	s20 =	simm.s32 $0x0;
	[sflag:s5] =	ssyncadd.s32 $0xFFFFC000  }
0x44: {  	s18 =	sor.u32 $0x8040, s18;
	v7 =	vld.idx.msk [tilespmem:v1+s20+$0x0 ss:$0x1], $0xffff  }
0x45: {  	v0 =	vmov s18;
	v8 =	vld.idx.msk [tilespmem:v1+s20+$0xFFFFFF90 ss:$0x1], $0xffff  }
0x46: {  	v6 =	vld.idx.msk [tilespmem:v1+s20+$0xFFFFFFA0 ss:$0x1], $0xffff  }
0x47: {  	v4 =	vld.idx.msk [tilespmem:v1+s20+$0xFFFFFFB0 ss:$0x1], $0xffff  }
0x48: {  	v2 =	vld.idx.msk [tilespmem:v1+s20+$0xFFFFFFC0 ss:$0x1], $0xffff  }
0x49: {  	s31 =	sshll.u32 s14, $0xE;
	v3 =	vld.idx.msk [tilespmem:v1+s20+$0xFFFFFFD0 ss:$0x1], $0xffff  }
0x4a: {  	s18 =	sand.u32 $0x4000, s31;
	v5 =	vld.idx.msk [tilespmem:v1+s20+$0xFFFFFFE0 ss:$0x1], $0xffff;
	[tilespmem:v0+s20+$0x30 ss:$0x1] =	vst.idx.msk $0xffff, v7  }
0x4b: {  	s21 =	simm.s32 $0x400;
	s19 =	simm.s32 $0x80;
	s18 =	sor.u32 $0x8000, s18;
	[tilespmem:v0+s20+$0xFFFFFFC0 ss:$0x1] =	vst.idx.msk $0xffff, v8;
	v7 =	vld.idx.msk [tilespmem:v1+s20+$0xFFFFFFF0 ss:$0x1], $0xffff  }
.LBB1_3:
0x4c: {  	p0 =	sne.s32 s21, $0xFE00;
	v8 =	vld.idx.msk [tilespmem:v1+s19+$0x0 ss:$0x1], $0xffff;
	[tilespmem:v0+s20+$0xFFFFFFD0 ss:$0x1] =	vst.idx.msk $0xffff, v6  }
0x4d: {  	v9 =	vld.idx.msk [tilespmem:v1+s19+$0xFFFFFF90 ss:$0x1], $0xffff;
	[tilespmem:v0+s20+$0xFFFFFFE0 ss:$0x1] =	vst.idx.msk $0xffff, v4  }
0x4e: {  	v6 =	vld.idx.msk [tilespmem:v1+s19+$0xFFFFFFA0 ss:$0x1], $0xffff;
	[tilespmem:v0+s20+$0xFFFFFFF0 ss:$0x1] =	vst.idx.msk $0xffff, v2  }
.Ltmp3:
0x4f: {  	v4 =	vld.idx.msk [tilespmem:v1+s19+$0xFFFFFFB0 ss:$0x1], $0xffff;
	[tilespmem:v0+s20+$0x0 ss:$0x1] =	vst.idx.msk $0xffff, v3;
	(pc) =	sbr.rel @p0 .LBB1_3-.Ltmp3, $4  }
0x50: {  	v2 =	vld.idx.msk [tilespmem:v1+s19+$0xFFFFFFC0 ss:$0x1], $0xffff;
	[tilespmem:v0+s20+$0x10 ss:$0x1] =	vst.idx.msk $0xffff, v5  }
0x51: {  	v3 =	vld.idx.msk [tilespmem:v1+s19+$0xFFFFFFD0 ss:$0x1], $0xffff;
	[tilespmem:v0+s20+$0x20 ss:$0x1] =	vst.idx.msk $0xffff, v7;
	s20 =	smov.u32 s19  }
0x52: {  	v5 =	vld.idx.msk [tilespmem:v1+s20+$0xFFFFFFE0 ss:$0x1], $0xffff;
	[tilespmem:v0+s20+$0x30 ss:$0x1] =	vst.idx.msk $0xffff, v8  }
0x53: {  	s19 =	sshra.s32 s21, $0x2;
	s21 =	sadd.s32 $0x200, s21;
	[tilespmem:v0+s20+$0xFFFFFFC0 ss:$0x1] =	vst.idx.msk $0xffff, v9;
	v7 =	vld.idx.msk [tilespmem:v1+s20+$0xFFFFFFF0 ss:$0x1], $0xffff  }
.Ltmp4:
0x54: {  	_ = 	snop;
	(pc) =	sbr.rel .LBB1_4-.Ltmp4, $1  }
0x55: {  	_ =	sdelay $0x3  }
.LBB1_6:
0x56: {  	_ =	sfence.sel $0x180000  }
0x57: {  	s1 =	simm.s32 $0x1;
	[bflag:$0x0] =	sbarrier.arrive $0xFFFF  }
0x58: {  	s31 =	simm.s32 $0x2;
	[sflag:s1] =	ssyncpa.u1 $0x1  }
0x59: {  	[sflag:s31] =	ssyncpa.u1 $0x1  }
0x5a: {  	p0 =	sne.s32 s0, $0x0;
	_ =	strace $0x9000004A  }
0x5b: {  	s0 =	sadd.s32 @!p0 $0x100000, s3;
	[bflag:$0x2] =	sbarrier.arrive $0xFFFF  }
0x5c: {  	[sflag:s0] =	ssyncadd.tile.s32 @!p0 $0x1;
	_ =	shalt  }
.Lfunc_end1:
_tile_overlayer_lowered:
.L_overlay_start_2:
0x5d: {  	(tag) =	ssettag $0x2  }
0x5e: {  	s0 =	rddreg [dreg:$0x0];
	s2 =	stileid.u32  }
0x5f: {  	s1 =	rddreg [dreg:$0x1];
	p0 =	sne.s32 s2, $0x0  }
0x60: {  	s3 =	rddreg [dreg:$0x2];
	[bflag:$0x3] =	sbarrier.arrive $0xFFFF;
	s2 =	simm.s32 @!p0 $0x1C01  }
0x61: {  	[timem:s3], [sflag:s2] =	dma.local @!p0 [hbm:s0], s1  }
0x62: {  	s0 =	simm.s32 @!p0 $0x1  }
0x63: {  	_ =	swait.ge @!p0 [sflag:s0], s1  }
0x64: {  	s1 =	ssub.s32 @!p0 $0x0, s1;
	[sflag:s0] =	ssyncset.done @!p0 $0x0  }
0x65: {  	[sflag:s0] =	ssyncadd.s32 @!p0 s1  }
0x66: {  	[bflag:$0x3] =	sbarrier.arrive $0xFFFF  }
0x67: {  	_ =	shalt  }

</sc_bundles>
